<compile_context>
chip_gen: v7x
topology: tpu7x:2x2x1
jax: 0.10.2.dev20260603
libtpu: 0.0.44.dev20260713+nightly
codegen_flags: <defaults>
</compile_context>

<pallas_src>
import jax
import jax.numpy as jnp
from jax import lax
from jax.experimental import pallas as pl
from jax.experimental.pallas import tpu as pltpu
from jax.experimental.pallas import tpu_sc as plsc

N = 10000
D = 128
E = 320000
NC = 2
NS = 16
NW = NC * NS
CHUNK = 128
NCH = 80
EPW = NCH * CHUNK
EPAD = NW * EPW
NPAD = 10112
STRIPE = NPAD // NS

_mesh = plsc.VectorSubcoreMesh(core_axis_name="c", subcore_axis_name="s")


def _deg_body(dst3, out, didx, hist):
    cid = lax.axis_index("c")
    sid = lax.axis_index("s")
    wid = sid * NC + cid
    pltpu.sync_copy(dst3.at[wid], didx)

    def zbody(i, c):
        hist[pl.ds(pl.multiple_of(i * 16, 16), 16)] = jnp.zeros((16,), jnp.float32)
        return c

    lax.fori_loop(0, NPAD // 16, zbody, 0)
    ones = jnp.ones((16,), jnp.float32)

    def body(i, c):
        for j in range(CHUNK // 16):
            dvec = didx[i, pl.ds(j * 16, 16)]
            plsc.addupdate_scatter(hist, [dvec], ones)
        return c

    lax.fori_loop(0, NCH, body, 0)
    pltpu.sync_copy(hist, out.at[pl.ds(wid * NPAD, NPAD)])


def _build_deg_kernel(interpret=False):
    return pl.kernel(
        _deg_body,
        mesh=_mesh,
        out_type=jax.ShapeDtypeStruct((NW * NPAD,), jnp.float32),
        scratch_types=[
            pltpu.VMEM((NCH, CHUNK), jnp.int32),
            pltpu.VMEM((NPAD,), jnp.float32),
        ],
        compiler_params=pltpu.CompilerParams(needs_layout_passes=False),
        interpret=interpret,
    )


_deg_kernel = _build_deg_kernel()


def _edge_body(t, packed3, zrows, out, pk, sb0, sb1, sb2, sb3,
               db0, db1, db2, db3, rows0, rows1, agg_sh, g0, g1, s0, s1):
    cid = lax.axis_index("c")
    sid = lax.axis_index("s")
    wid = sid * NC + cid
    sb = [sb0, sb1, sb2, sb3]
    db = [db0, db1, db2, db3]
    rows = [rows0, rows1]
    gsem = [g0, g1]
    ssem = [s0, s1]
    pltpu.sync_copy(packed3.at[wid], pk)
    pltpu.sync_copy(zrows, agg_sh.at[pl.ds(sid * STRIPE, STRIPE)])

    def unpack(c, slot):
        for j in range(CHUNK // 16):
            v = pk[c, pl.ds(j * 16, 16)]
            sb[slot][pl.ds(j * 16, 16)] = v & 0xFFFF
            db[slot][pl.ds(j * 16, 16)] = lax.shift_right_logical(v, 16)

    plsc.subcore_barrier()
    unpack(0, 0)
    unpack(1, 1)
    pltpu.async_copy(t.at[sb[0]], rows[0], gsem[0])

    def step(c, k):
        r = k % 2
        pltpu.make_async_copy(t.at[sb[k]], rows[r], gsem[r]).wait()

        @pl.when(c >= 1)
        def _():
            pltpu.make_async_copy(rows[1 - r], agg_sh.at[db[(k + 3) % 4]],
                                  ssem[1 - r]).wait()

        @pl.when(c + 1 < NCH)
        def _():
            pltpu.async_copy(t.at[sb[(k + 1) % 4]], rows[1 - r], gsem[1 - r])

        pltpu.async_copy(rows[r], agg_sh.at[db[k]], ssem[r], add=True)
        unpack(jnp.minimum(c + 2, NCH - 1), (k + 2) % 4)

    def body(i, carry):
        c0 = 4 * i
        for k in range(4):
            step(c0 + k, k)
        return carry

    lax.fori_loop(0, NCH // 4, body, 0)
    pltpu.make_async_copy(rows[1], agg_sh.at[db[3]], ssem[1]).wait()
    plsc.subcore_barrier()
    pltpu.sync_copy(
        agg_sh.at[pl.ds(sid * STRIPE, STRIPE)],
        out.at[cid, pl.ds(sid * STRIPE, STRIPE)],
    )


def _build_edge_kernel(interpret=False):
    return pl.kernel(
        _edge_body,
        mesh=_mesh,
        out_type=jax.ShapeDtypeStruct((NC, NPAD, D), jnp.float32),
        scratch_types=[
            pltpu.VMEM((NCH, CHUNK), jnp.int32),
            pltpu.VMEM((CHUNK,), jnp.int32),
            pltpu.VMEM((CHUNK,), jnp.int32),
            pltpu.VMEM((CHUNK,), jnp.int32),
            pltpu.VMEM((CHUNK,), jnp.int32),
            pltpu.VMEM((CHUNK,), jnp.int32),
            pltpu.VMEM((CHUNK,), jnp.int32),
            pltpu.VMEM((CHUNK,), jnp.int32),
            pltpu.VMEM((CHUNK,), jnp.int32),
            pltpu.VMEM((CHUNK, D), jnp.float32),
            pltpu.VMEM((CHUNK, D), jnp.float32),
            pltpu.VMEM_SHARED((NPAD, D), jnp.float32),
            pltpu.SemaphoreType.DMA,
            pltpu.SemaphoreType.DMA,
            pltpu.SemaphoreType.DMA,
            pltpu.SemaphoreType.DMA,
        ],
        compiler_params=pltpu.CompilerParams(needs_layout_passes=False),
        interpret=interpret,
    )


_edge_kernel = _build_edge_kernel()


def _scale_from_degp(degp):
    ones_w = jnp.ones((NW, 1), jnp.float32)
    deg = lax.dot_general(
        degp, ones_w, (((0,), (0,)), ((), ())),
        preferred_element_type=jnp.float32,
        precision=lax.Precision.HIGHEST,
    )
    return lax.rsqrt(jnp.maximum(deg, 1.0))


def _tc_in_body(degp_ref, x_ref, u_ref):
    u_ref[...] = x_ref[...] * _scale_from_degp(degp_ref[...])


def _gcn_bn_relu(aggp, degp, w, b, g, be):
    s = _scale_from_degp(degp)
    agg = (aggp[0] + aggp[1]) * s
    y = jnp.dot(agg, w, preferred_element_type=jnp.float32) + b
    mask = lax.broadcasted_iota(jnp.int32, (NPAD, D), 0) < N
    mu = jnp.sum(jnp.where(mask, y, 0.0), axis=0, keepdims=True) / N
    dev = y - mu
    var = jnp.sum(jnp.where(mask, dev * dev, 0.0), axis=0, keepdims=True) / N
    h = dev * lax.rsqrt(var + 1e-5) * g + be
    return jnp.maximum(h, 0.0)


def _tc_mid_body(aggp_ref, degp_ref, b_ref, g_ref, be_ref, w_ref, u_ref):
    h = _gcn_bn_relu(aggp_ref[...], degp_ref[...], w_ref[...],
                     b_ref[...], g_ref[...], be_ref[...])
    u_ref[...] = h * _scale_from_degp(degp_ref[...])


def _tc_out_body(aggp_ref, degp_ref, b_ref, g_ref, be_ref, w_ref, out_ref):
    out_ref[...] = _gcn_bn_relu(aggp_ref[...], degp_ref[...], w_ref[...],
                                b_ref[...], g_ref[...], be_ref[...])


_tc_in = pl.pallas_call(
    _tc_in_body, out_shape=jax.ShapeDtypeStruct((NPAD, D), jnp.float32)
)
_tc_mid = pl.pallas_call(
    _tc_mid_body, out_shape=jax.ShapeDtypeStruct((NPAD, D), jnp.float32)
)
_tc_out = pl.pallas_call(
    _tc_out_body, out_shape=jax.ShapeDtypeStruct((NPAD, D), jnp.float32)
)


def kernel(x, edge_index, W1, b1, g1, be1, W2, b2, g2, be2):
    src = edge_index[0].astype(jnp.int32)
    dst = edge_index[1].astype(jnp.int32)
    pad_idx = N + (jnp.arange(EPAD - E, dtype=jnp.int32) % (NPAD - N))
    src3 = jnp.concatenate([src, pad_idx]).reshape(NW, NCH, CHUNK)
    dst3 = jnp.concatenate([dst, pad_idx]).reshape(NW, NCH, CHUNK)
    packed3 = src3 | (dst3 << 16)
    x_pad = jnp.concatenate([x, jnp.zeros((NPAD - N, D), jnp.float32)])

    zrows = jnp.zeros((STRIPE, D), jnp.float32)
    b1r, g1r, be1r = b1.reshape(1, D), g1.reshape(1, D), be1.reshape(1, D)
    b2r, g2r, be2r = b2.reshape(1, D), g2.reshape(1, D), be2.reshape(1, D)

    degp = _deg_kernel(dst3).reshape(NW, NPAD)
    u1 = _tc_in(degp, x_pad)
    aggp1 = _edge_kernel(u1, packed3, zrows)
    u2 = _tc_mid(aggp1, degp, b1r, g1r, be1r, W1)
    aggp2 = _edge_kernel(u2, packed3, zrows)
    out = _tc_out(aggp2, degp, b2r, g2r, be2r, W2)
    return out[:N]

# --- scband reference (transcript-rebuilt; emitter-appended) ---
"""Pipeline reference for scband-gnnlayers-15607911154172 (READ-ONLY COPY).

The authoritative reference and input builder live on the scoring server;
editing this copy changes nothing except your own understanding.
"""

import jax, jax.numpy as jnp
import numpy as np

N_NODES = 10000
N_EDGES = 320000
D = 128


def setup_inputs(seed: int = 0) -> dict:
    key = jax.random.key(seed)
    ks = jax.random.split(key, 12)
    x = jax.random.normal(ks[0], (N_NODES, D), dtype=jnp.float32)
    edge_index = jax.random.randint(ks[1], (2, N_EDGES), 0, N_NODES, dtype=jnp.int64)
    W1 = jax.random.normal(ks[2], (D, D), dtype=jnp.float32) * (1.0 / np.sqrt(D))
    b1 = jnp.zeros((D,), dtype=jnp.float32)
    g1 = jnp.ones((D,), dtype=jnp.float32)
    be1 = jnp.zeros((D,), dtype=jnp.float32)
    W2 = jax.random.normal(ks[3], (D, D), dtype=jnp.float32) * (1.0 / np.sqrt(D))
    b2 = jnp.zeros((D,), dtype=jnp.float32)
    g2 = jnp.ones((D,), dtype=jnp.float32)
    be2 = jnp.zeros((D,), dtype=jnp.float32)
    return {"x": x, "edge_index": edge_index, "W1": W1, "b1": b1, "g1": g1,
            "be1": be1, "W2": W2, "b2": b2, "g2": g2, "be2": be2}


def _gcn_layer(h, src, dst, W, b, n_nodes):
    # symmetric-normalized GCN message passing (gather -> scale -> scatter-add)
    ones = jnp.ones((src.shape[0],), dtype=h.dtype)
    deg = jnp.zeros((n_nodes,), dtype=h.dtype).at[dst].add(ones)
    deg = jnp.clip(deg, 1.0, None)
    inv_sqrt_deg = deg ** -0.5
    norm = inv_sqrt_deg[src] * inv_sqrt_deg[dst]
    msg = h[src] * norm[:, None]
    agg = jnp.zeros_like(h).at[dst].add(msg)
    return agg @ W + b


def _batchnorm(h, gamma, beta, eps=1e-5):
    mu = jnp.mean(h, axis=0)
    var = jnp.var(h, axis=0)
    return (h - mu) * jax.lax.rsqrt(var + eps) * gamma + beta


def reference(x, edge_index, W1, b1, g1, be1, W2, b2, g2, be2):
    src = edge_index[0]
    dst = edge_index[1]
    n_nodes = x.shape[0]
    # layer 1: GNN conv -> BatchNorm -> ReLU
    h = _gcn_layer(x, src, dst, W1, b1, n_nodes)
    h = _batchnorm(h, g1, be1)
    h = jax.nn.relu(h)
    # layer 2: GNN conv -> BatchNorm -> ReLU
    h = _gcn_layer(h, src, dst, W2, b2, n_nodes)
    h = _batchnorm(h, g2, be2)
    h = jax.nn.relu(h)
    return h

if __name__ == "__main__":
    import jax
    _d = setup_inputs()
    print(jax.jit(kernel)(*tuple(_d.values())))

</pallas_src>

<mosaic_0001>
#map = affine_map<(d0, d1) -> (0, 0, 0)>
#map1 = affine_map<(d0, d1) -> (0)>
module attributes {stable_mosaic.version = 14 : i64} {
  func.func @_deg_body(%arg0: i32, %arg1: i32, %arg2: memref<32x80x128xi32, #tpu.memory_space<hbm>>, %arg3: memref<323584xf32, #tpu.memory_space<hbm>>, %arg4: memref<80x128xi32, #tpu.memory_space<vmem>>, %arg5: memref<10112xf32, #tpu.memory_space<vmem>>) attributes {dimension_semantics = [#tpu.dimension_semantics<core_parallel>, #tpu.dimension_semantics<subcore_parallel>], iteration_bounds = array<i64: 2, 16>, scalar_prefetch = 0 : i64, scratch_operands = 2 : i64, tpu.core_type = #tpu.core_type<sc_vector_subcore>, window_params = [{transform_indices = #map}, {transform_indices = #map1}]} {
    %mul3A = arith.constant 2 : i32
    %mul3A_0 = arith.muli %arg1, %mul3A : i32
    %add3A = arith.addi %mul3A_0, %arg0 : i32
    "tpu.region"() ({
      %run_scoped3A = tpu.sem_alloc : memref<!tpu.dma_semaphore, #tpu.memory_space<semaphore_mem>>
      %dma_start3A = arith.constant 0 : i32
      %dma_start3A_15 = arith.constant 0 : i32
      %dma_start3A_16 = tpu.memref_slice %arg2[%add3A, %dma_start3A, %dma_start3A_15] : memref<32x80x128xi32, #tpu.memory_space<hbm>> -> memref<1x80x128xi32, #tpu.memory_space<hbm>>
      %dma_start3A_17 = tpu.memref_squeeze %dma_start3A_16 : memref<1x80x128xi32, #tpu.memory_space<hbm>> -> memref<80x128xi32, #tpu.memory_space<hbm>>
      %dma_start3A_18 = arith.constant 0 : i32
      %dma_start3A_19 = arith.constant 0 : i32
      %dma_start3A_20 = tpu.memref_slice %arg2[%add3A, %dma_start3A_18, %dma_start3A_19] : memref<32x80x128xi32, #tpu.memory_space<hbm>> -> memref<1x80x128xi32, #tpu.memory_space<hbm>>
      %dma_start3A_21 = tpu.memref_squeeze %dma_start3A_20 : memref<1x80x128xi32, #tpu.memory_space<hbm>> -> memref<80x128xi32, #tpu.memory_space<hbm>>
      tpu.enqueue_dma source(%dma_start3A_21 : memref<80x128xi32, #tpu.memory_space<hbm>>) target(%arg4 : memref<80x128xi32, #tpu.memory_space<vmem>>) target_semaphore(%run_scoped3A : memref<!tpu.dma_semaphore, #tpu.memory_space<semaphore_mem>>)
      %dma_wait3A = arith.constant 0 : i32
      %dma_wait3A_22 = arith.constant 0 : i32
      %dma_wait3A_23 = tpu.memref_slice %arg2[%add3A, %dma_wait3A, %dma_wait3A_22] : memref<32x80x128xi32, #tpu.memory_space<hbm>> -> memref<1x80x128xi32, #tpu.memory_space<hbm>>
      %dma_wait3A_24 = tpu.memref_squeeze %dma_wait3A_23 : memref<1x80x128xi32, #tpu.memory_space<hbm>> -> memref<80x128xi32, #tpu.memory_space<hbm>>
      %dma_wait3A_25 = arith.constant 0 : i32
      %dma_wait3A_26 = arith.constant 0 : i32
      %dma_wait3A_27 = tpu.memref_slice %arg2[%add3A, %dma_wait3A_25, %dma_wait3A_26] : memref<32x80x128xi32, #tpu.memory_space<hbm>> -> memref<1x80x128xi32, #tpu.memory_space<hbm>>
      %dma_wait3A_28 = tpu.memref_squeeze %dma_wait3A_27 : memref<1x80x128xi32, #tpu.memory_space<hbm>> -> memref<80x128xi32, #tpu.memory_space<hbm>>
      tpu.wait_dma2 semaphore(%run_scoped3A : memref<!tpu.dma_semaphore, #tpu.memory_space<semaphore_mem>>) src(%dma_wait3A_28 : memref<80x128xi32, #tpu.memory_space<hbm>>) dst(%arg4 : memref<80x128xi32, #tpu.memory_space<vmem>>)
      tpu.yield
    }) : () -> ()
    %scan3A = arith.constant 0 : i32
    %scan3A_1 = arith.constant 0 : i32
    %scan3A_2 = arith.constant 632 : i32
    %scan3A_3 = arith.addi %scan3A_1, %scan3A_2 : i32
    %scan3A_4 = arith.constant 1 : i32
    scf.for %scan3A_15 = %scan3A_1 to %scan3A_3 step %scan3A_4  : i32 {
      %broadcast_in_dim3A_16 = arith.constant 0.000000e+00 : f32
      %broadcast_in_dim3A_17 = vector.broadcast %broadcast_in_dim3A_16 : f32 to vector<16xf32>
      %mul3A_18 = arith.constant 16 : i32
      %mul3A_19 = arith.muli %scan3A_15, %mul3A_18 : i32
      %multiple_of3A = tpu.assume_multiple %mul3A_19, 16 : i32
      %swap3A = arith.index_cast %multiple_of3A : i32 to index
      %swap3A_20 = tpu.vector_load %arg5[%swap3A] {strides = array<i32>} : memref<10112xf32, #tpu.memory_space<vmem>>, vector<16xf32>,
      tpu.vector_store %arg5[%swap3A], %broadcast_in_dim3A_17 {strides = array<i32>} : memref<10112xf32, #tpu.memory_space<vmem>>, vector<16xf32>,
    }
    %scan3A_5 = arith.constant 632 : i32
    %broadcast_in_dim3A = arith.constant 1.000000e+00 : f32
    %broadcast_in_dim3A_6 = vector.broadcast %broadcast_in_dim3A : f32 to vector<16xf32>
    %scan3A_7 = arith.constant 0 : i32
    %scan3A_8 = arith.constant 0 : i32
    %scan3A_9 = arith.constant 80 : i32
    %scan3A_10 = arith.addi %scan3A_8, %scan3A_9 : i32
    %scan3A_11 = arith.constant 1 : i32
    scf.for %scan3A_15 = %scan3A_8 to %scan3A_10 step %scan3A_11  : i32 {
      %get3A = arith.index_cast %scan3A_15 : i32 to index
      %get3A_16 = arith.constant 0 : index
      %get3A_17 = tpu.vector_load %arg4[%get3A, %get3A_16] {strides = array<i32>} : memref<80x128xi32, #tpu.memory_space<vmem>>, vector<16xi32>,
      tpu.vector_store_idx %arg5[%get3A_17], %broadcast_in_dim3A_6 {add = true} : memref<10112xf32, #tpu.memory_space<vmem>>[vector<16xi32>], vector<16xf32>,
      %get3A_18 = arith.index_cast %scan3A_15 : i32 to index
      %get3A_19 = arith.constant 16 : index
      %get3A_20 = tpu.vector_load %arg4[%get3A_18, %get3A_19] {strides = array<i32>} : memref<80x128xi32, #tpu.memory_space<vmem>>, vector<16xi32>,
      tpu.vector_store_idx %arg5[%get3A_20], %broadcast_in_dim3A_6 {add = true} : memref<10112xf32, #tpu.memory_space<vmem>>[vector<16xi32>], vector<16xf32>,
      %get3A_21 = arith.index_cast %scan3A_15 : i32 to index
      %get3A_22 = arith.constant 32 : index
      %get3A_23 = tpu.vector_load %arg4[%get3A_21, %get3A_22] {strides = array<i32>} : memref<80x128xi32, #tpu.memory_space<vmem>>, vector<16xi32>,
      tpu.vector_store_idx %arg5[%get3A_23], %broadcast_in_dim3A_6 {add = true} : memref<10112xf32, #tpu.memory_space<vmem>>[vector<16xi32>], vector<16xf32>,
      %get3A_24 = arith.index_cast %scan3A_15 : i32 to index
      %get3A_25 = arith.constant 48 : index
      %get3A_26 = tpu.vector_load %arg4[%get3A_24, %get3A_25] {strides = array<i32>} : memref<80x128xi32, #tpu.memory_space<vmem>>, vector<16xi32>,
      tpu.vector_store_idx %arg5[%get3A_26], %broadcast_in_dim3A_6 {add = true} : memref<10112xf32, #tpu.memory_space<vmem>>[vector<16xi32>], vector<16xf32>,
      %get3A_27 = arith.index_cast %scan3A_15 : i32 to index
      %get3A_28 = arith.constant 64 : index
      %get3A_29 = tpu.vector_load %arg4[%get3A_27, %get3A_28] {strides = array<i32>} : memref<80x128xi32, #tpu.memory_space<vmem>>, vector<16xi32>,
      tpu.vector_store_idx %arg5[%get3A_29], %broadcast_in_dim3A_6 {add = true} : memref<10112xf32, #tpu.memory_space<vmem>>[vector<16xi32>], vector<16xf32>,
      %get3A_30 = arith.index_cast %scan3A_15 : i32 to index
      %get3A_31 = arith.constant 80 : index
      %get3A_32 = tpu.vector_load %arg4[%get3A_30, %get3A_31] {strides = array<i32>} : memref<80x128xi32, #tpu.memory_space<vmem>>, vector<16xi32>,
      tpu.vector_store_idx %arg5[%get3A_32], %broadcast_in_dim3A_6 {add = true} : memref<10112xf32, #tpu.memory_space<vmem>>[vector<16xi32>], vector<16xf32>,
      %get3A_33 = arith.index_cast %scan3A_15 : i32 to index
      %get3A_34 = arith.constant 96 : index
      %get3A_35 = tpu.vector_load %arg4[%get3A_33, %get3A_34] {strides = array<i32>} : memref<80x128xi32, #tpu.memory_space<vmem>>, vector<16xi32>,
      tpu.vector_store_idx %arg5[%get3A_35], %broadcast_in_dim3A_6 {add = true} : memref<10112xf32, #tpu.memory_space<vmem>>[vector<16xi32>], vector<16xf32>,
      %get3A_36 = arith.index_cast %scan3A_15 : i32 to index
      %get3A_37 = arith.constant 112 : index
      %get3A_38 = tpu.vector_load %arg4[%get3A_36, %get3A_37] {strides = array<i32>} : memref<80x128xi32, #tpu.memory_space<vmem>>, vector<16xi32>,
      tpu.vector_store_idx %arg5[%get3A_38], %broadcast_in_dim3A_6 {add = true} : memref<10112xf32, #tpu.memory_space<vmem>>[vector<16xi32>], vector<16xf32>,
    }
    %scan3A_12 = arith.constant 80 : i32
    %mul3A_13 = arith.constant 10112 : i32
    %mul3A_14 = arith.muli %add3A, %mul3A_13 : i32
    "tpu.region"() ({
      %run_scoped3A = tpu.sem_alloc : memref<!tpu.dma_semaphore, #tpu.memory_space<semaphore_mem>>
      %dma_start3A = tpu.memref_slice %arg3[%mul3A_14] : memref<323584xf32, #tpu.memory_space<hbm>> -> memref<10112xf32, #tpu.memory_space<hbm>>
      %dma_start3A_15 = tpu.memref_slice %arg3[%mul3A_14] : memref<323584xf32, #tpu.memory_space<hbm>> -> memref<10112xf32, #tpu.memory_space<hbm>>
      tpu.enqueue_dma source(%arg5 : memref<10112xf32, #tpu.memory_space<vmem>>) target(%dma_start3A_15 : memref<10112xf32, #tpu.memory_space<hbm>>) target_semaphore(%run_scoped3A : memref<!tpu.dma_semaphore, #tpu.memory_space<semaphore_mem>>)
      %dma_wait3A = tpu.memref_slice %arg3[%mul3A_14] : memref<323584xf32, #tpu.memory_space<hbm>> -> memref<10112xf32, #tpu.memory_space<hbm>>
      %dma_wait3A_16 = tpu.memref_slice %arg3[%mul3A_14] : memref<323584xf32, #tpu.memory_space<hbm>> -> memref<10112xf32, #tpu.memory_space<hbm>>
      tpu.wait_dma2 semaphore(%run_scoped3A : memref<!tpu.dma_semaphore, #tpu.memory_space<semaphore_mem>>) src(%arg5 : memref<10112xf32, #tpu.memory_space<vmem>>) dst(%dma_wait3A_16 : memref<10112xf32, #tpu.memory_space<hbm>>)
      tpu.yield
    }) : () -> ()
    return
  }
}

#map = affine_map<(d0, d1) -> (0, 0)>
#map1 = affine_map<(d0, d1) -> (0, 0, 0)>
module attributes {stable_mosaic.version = 14 : i64} {
  func.func @_edge_body(%arg0: i32, %arg1: i32, %arg2: memref<10112x128xf32, #tpu.memory_space<hbm>>, %arg3: memref<32x80x128xi32, #tpu.memory_space<hbm>>, %arg4: memref<632x128xf32, #tpu.memory_space<hbm>>, %arg5: memref<2x10112x128xf32, #tpu.memory_space<hbm>>, %arg6: memref<80x128xi32, #tpu.memory_space<vmem>>, %arg7: memref<128xi32, #tpu.memory_space<vmem>>, %arg8: memref<128xi32, #tpu.memory_space<vmem>>, %arg9: memref<128xi32, #tpu.memory_space<vmem>>, %arg10: memref<128xi32, #tpu.memory_space<vmem>>, %arg11: memref<128xi32, #tpu.memory_space<vmem>>, %arg12: memref<128xi32, #tpu.memory_space<vmem>>, %arg13: memref<128xi32, #tpu.memory_space<vmem>>, %arg14: memref<128xi32, #tpu.memory_space<vmem>>, %arg15: memref<128x128xf32, #tpu.memory_space<vmem>>, %arg16: memref<128x128xf32, #tpu.memory_space<vmem>>, %arg17: memref<10112x128xf32, #tpu.memory_space<vmem_shared>>, %arg18: memref<!tpu.dma_semaphore, #tpu.memory_space<semaphore_mem>>, %arg19: memref<!tpu.dma_semaphore, #tpu.memory_space<semaphore_mem>>, %arg20: memref<!tpu.dma_semaphore, #tpu.memory_space<semaphore_mem>>, %arg21: memref<!tpu.dma_semaphore, #tpu.memory_space<semaphore_mem>>) attributes {dimension_semantics = [#tpu.dimension_semantics<core_parallel>, #tpu.dimension_semantics<subcore_parallel>], iteration_bounds = array<i64: 2, 16>, scalar_prefetch = 0 : i64, scratch_operands = 16 : i64, tpu.core_type = #tpu.core_type<sc_vector_subcore>, window_params = [{transform_indices = #map}, {transform_indices = #map1}, {transform_indices = #map}, {transform_indices = #map1}]} {
    %mul3A = arith.constant 2 : i32
    %mul3A_0 = arith.muli %arg1, %mul3A : i32
    %add3A = arith.addi %mul3A_0, %arg0 : i32
    "tpu.region"() ({
      %run_scoped3A = tpu.sem_alloc : memref<!tpu.dma_semaphore, #tpu.memory_space<semaphore_mem>>
      %dma_start3A_237 = arith.constant 0 : i32
      %dma_start3A_238 = arith.constant 0 : i32
      %dma_start3A_239 = tpu.memref_slice %arg3[%add3A, %dma_start3A_237, %dma_start3A_238] : memref<32x80x128xi32, #tpu.memory_space<hbm>> -> memref<1x80x128xi32, #tpu.memory_space<hbm>>
      %dma_start3A_240 = tpu.memref_squeeze %dma_start3A_239 : memref<1x80x128xi32, #tpu.memory_space<hbm>> -> memref<80x128xi32, #tpu.memory_space<hbm>>
      %dma_start3A_241 = arith.constant 0 : i32
      %dma_start3A_242 = arith.constant 0 : i32
      %dma_start3A_243 = tpu.memref_slice %arg3[%add3A, %dma_start3A_241, %dma_start3A_242] : memref<32x80x128xi32, #tpu.memory_space<hbm>> -> memref<1x80x128xi32, #tpu.memory_space<hbm>>
      %dma_start3A_244 = tpu.memref_squeeze %dma_start3A_243 : memref<1x80x128xi32, #tpu.memory_space<hbm>> -> memref<80x128xi32, #tpu.memory_space<hbm>>
      tpu.enqueue_dma source(%dma_start3A_244 : memref<80x128xi32, #tpu.memory_space<hbm>>) target(%arg6 : memref<80x128xi32, #tpu.memory_space<vmem>>) target_semaphore(%run_scoped3A : memref<!tpu.dma_semaphore, #tpu.memory_space<semaphore_mem>>)
      %dma_wait3A_245 = arith.constant 0 : i32
      %dma_wait3A_246 = arith.constant 0 : i32
      %dma_wait3A_247 = tpu.memref_slice %arg3[%add3A, %dma_wait3A_245, %dma_wait3A_246] : memref<32x80x128xi32, #tpu.memory_space<hbm>> -> memref<1x80x128xi32, #tpu.memory_space<hbm>>
      %dma_wait3A_248 = tpu.memref_squeeze %dma_wait3A_247 : memref<1x80x128xi32, #tpu.memory_space<hbm>> -> memref<80x128xi32, #tpu.memory_space<hbm>>
      %dma_wait3A_249 = arith.constant 0 : i32
      %dma_wait3A_250 = arith.constant 0 : i32
      %dma_wait3A_251 = tpu.memref_slice %arg3[%add3A, %dma_wait3A_249, %dma_wait3A_250] : memref<32x80x128xi32, #tpu.memory_space<hbm>> -> memref<1x80x128xi32, #tpu.memory_space<hbm>>
      %dma_wait3A_252 = tpu.memref_squeeze %dma_wait3A_251 : memref<1x80x128xi32, #tpu.memory_space<hbm>> -> memref<80x128xi32, #tpu.memory_space<hbm>>
      tpu.wait_dma2 semaphore(%run_scoped3A : memref<!tpu.dma_semaphore, #tpu.memory_space<semaphore_mem>>) src(%dma_wait3A_252 : memref<80x128xi32, #tpu.memory_space<hbm>>) dst(%arg6 : memref<80x128xi32, #tpu.memory_space<vmem>>)
      tpu.yield
    }) : () -> ()
    %mul3A_1 = arith.constant 632 : i32
    %mul3A_2 = arith.muli %arg1, %mul3A_1 : i32
    "tpu.region"() ({
      %run_scoped3A = tpu.sem_alloc : memref<!tpu.dma_semaphore, #tpu.memory_space<semaphore_mem>>
      %dma_start3A_237 = arith.constant 0 : i32
      %dma_start3A_238 = tpu.memref_slice %arg17[%mul3A_2, %dma_start3A_237] : memref<10112x128xf32, #tpu.memory_space<vmem_shared>> -> memref<632x128xf32, #tpu.memory_space<vmem_shared>>
      tpu.enqueue_dma source(%arg4 : memref<632x128xf32, #tpu.memory_space<hbm>>) target(%dma_start3A_238 : memref<632x128xf32, #tpu.memory_space<vmem_shared>>) target_semaphore(%run_scoped3A : memref<!tpu.dma_semaphore, #tpu.memory_space<semaphore_mem>>)
      %dma_wait3A_239 = arith.constant 0 : i32
      %dma_wait3A_240 = tpu.memref_slice %arg17[%mul3A_2, %dma_wait3A_239] : memref<10112x128xf32, #tpu.memory_space<vmem_shared>> -> memref<632x128xf32, #tpu.memory_space<vmem_shared>>
      tpu.wait_dma2 semaphore(%run_scoped3A : memref<!tpu.dma_semaphore, #tpu.memory_space<semaphore_mem>>) src(%arg4 : memref<632x128xf32, #tpu.memory_space<hbm>>) dst(%dma_wait3A_240 : memref<632x128xf32, #tpu.memory_space<vmem_shared>>)
      tpu.yield
    }) : () -> ()
    %barrier3A = arith.constant 0 : index
    tpu.barrier barrier_id(%barrier3A)
    %get3A = arith.constant 0 : i32
    %get3A_3 = arith.index_cast %get3A : i32 to index
    %get3A_4 = arith.constant 0 : index
    %get3A_5 = tpu.vector_load %arg6[%get3A_3, %get3A_4] {strides = array<i32>} : memref<80x128xi32, #tpu.memory_space<vmem>>, vector<16xi32>,
    %and3A = arith.constant 65535 : i32
    %and3A_6 = vector.broadcast %and3A : i32 to vector<16xi32>
    %and3A_7 = arith.andi %get3A_5, %and3A_6 : vector<16xi32>
    %swap3A = arith.constant 0 : index
    %swap3A_8 = tpu.vector_load %arg7[%swap3A] {strides = array<i32>} : memref<128xi32, #tpu.memory_space<vmem>>, vector<16xi32>,
    tpu.vector_store %arg7[%swap3A], %and3A_7 {strides = array<i32>} : memref<128xi32, #tpu.memory_space<vmem>>, vector<16xi32>,
    %shift_right_logical3A = arith.constant 16 : i32
    %shift_right_logical3A_9 = vector.broadcast %shift_right_logical3A : i32 to vector<16xi32>
    %shift_right_logical3A_10 = arith.shrui %get3A_5, %shift_right_logical3A_9 : vector<16xi32>
    %swap3A_11 = arith.constant 0 : index
    %swap3A_12 = tpu.vector_load %arg11[%swap3A_11] {strides = array<i32>} : memref<128xi32, #tpu.memory_space<vmem>>, vector<16xi32>,
    tpu.vector_store %arg11[%swap3A_11], %shift_right_logical3A_10 {strides = array<i32>} : memref<128xi32, #tpu.memory_space<vmem>>, vector<16xi32>,
    %get3A_13 = arith.constant 0 : i32
    %get3A_14 = arith.index_cast %get3A_13 : i32 to index
    %get3A_15 = arith.constant 16 : index
    %get3A_16 = tpu.vector_load %arg6[%get3A_14, %get3A_15] {strides = array<i32>} : memref<80x128xi32, #tpu.memory_space<vmem>>, vector<16xi32>,
    %and3A_17 = arith.constant 65535 : i32
    %and3A_18 = vector.broadcast %and3A_17 : i32 to vector<16xi32>
    %and3A_19 = arith.andi %get3A_16, %and3A_18 : vector<16xi32>
    %swap3A_20 = arith.constant 16 : index
    %swap3A_21 = tpu.vector_load %arg7[%swap3A_20] {strides = array<i32>} : memref<128xi32, #tpu.memory_space<vmem>>, vector<16xi32>,
    tpu.vector_store %arg7[%swap3A_20], %and3A_19 {strides = array<i32>} : memref<128xi32, #tpu.memory_space<vmem>>, vector<16xi32>,
    %shift_right_logical3A_22 = arith.constant 16 : i32
    %shift_right_logical3A_23 = vector.broadcast %shift_right_logical3A_22 : i32 to vector<16xi32>
    %shift_right_logical3A_24 = arith.shrui %get3A_16, %shift_right_logical3A_23 : vector<16xi32>
    %swap3A_25 = arith.constant 16 : index
    %swap3A_26 = tpu.vector_load %arg11[%swap3A_25] {strides = array<i32>} : memref<128xi32, #tpu.memory_space<vmem>>, vector<16xi32>,
    tpu.vector_store %arg11[%swap3A_25], %shift_right_logical3A_24 {strides = array<i32>} : memref<128xi32, #tpu.memory_space<vmem>>, vector<16xi32>,
    %get3A_27 = arith.constant 0 : i32
    %get3A_28 = arith.index_cast %get3A_27 : i32 to index
    %get3A_29 = arith.constant 32 : index
    %get3A_30 = tpu.vector_load %arg6[%get3A_28, %get3A_29] {strides = array<i32>} : memref<80x128xi32, #tpu.memory_space<vmem>>, vector<16xi32>,
    %and3A_31 = arith.constant 65535 : i32
    %and3A_32 = vector.broadcast %and3A_31 : i32 to vector<16xi32>
    %and3A_33 = arith.andi %get3A_30, %and3A_32 : vector<16xi32>
    %swap3A_34 = arith.constant 32 : index
    %swap3A_35 = tpu.vector_load %arg7[%swap3A_34] {strides = array<i32>} : memref<128xi32, #tpu.memory_space<vmem>>, vector<16xi32>,
    tpu.vector_store %arg7[%swap3A_34], %and3A_33 {strides = array<i32>} : memref<128xi32, #tpu.memory_space<vmem>>, vector<16xi32>,
    %shift_right_logical3A_36 = arith.constant 16 : i32
    %shift_right_logical3A_37 = vector.broadcast %shift_right_logical3A_36 : i32 to vector<16xi32>
    %shift_right_logical3A_38 = arith.shrui %get3A_30, %shift_right_logical3A_37 : vector<16xi32>
    %swap3A_39 = arith.constant 32 : index
    %swap3A_40 = tpu.vector_load %arg11[%swap3A_39] {strides = array<i32>} : memref<128xi32, #tpu.memory_space<vmem>>, vector<16xi32>,
    tpu.vector_store %arg11[%swap3A_39], %shift_right_logical3A_38 {strides = array<i32>} : memref<128xi32, #tpu.memory_space<vmem>>, vector<16xi32>,
    %get3A_41 = arith.constant 0 : i32
    %get3A_42 = arith.index_cast %get3A_41 : i32 to index
    %get3A_43 = arith.constant 48 : index
    %get3A_44 = tpu.vector_load %arg6[%get3A_42, %get3A_43] {strides = array<i32>} : memref<80x128xi32, #tpu.memory_space<vmem>>, vector<16xi32>,
    %and3A_45 = arith.constant 65535 : i32
    %and3A_46 = vector.broadcast %and3A_45 : i32 to vector<16xi32>
    %and3A_47 = arith.andi %get3A_44, %and3A_46 : vector<16xi32>
    %swap3A_48 = arith.constant 48 : index
    %swap3A_49 = tpu.vector_load %arg7[%swap3A_48] {strides = array<i32>} : memref<128xi32, #tpu.memory_space<vmem>>, vector<16xi32>,
    tpu.vector_store %arg7[%swap3A_48], %and3A_47 {strides = array<i32>} : memref<128xi32, #tpu.memory_space<vmem>>, vector<16xi32>,
    %shift_right_logical3A_50 = arith.constant 16 : i32
    %shift_right_logical3A_51 = vector.broadcast %shift_right_logical3A_50 : i32 to vector<16xi32>
    %shift_right_logical3A_52 = arith.shrui %get3A_44, %shift_right_logical3A_51 : vector<16xi32>
    %swap3A_53 = arith.constant 48 : index
    %swap3A_54 = tpu.vector_load %arg11[%swap3A_53] {strides = array<i32>} : memref<128xi32, #tpu.memory_space<vmem>>, vector<16xi32>,
    tpu.vector_store %arg11[%swap3A_53], %shift_right_logical3A_52 {strides = array<i32>} : memref<128xi32, #tpu.memory_space<vmem>>, vector<16xi32>,
    %get3A_55 = arith.constant 0 : i32
    %get3A_56 = arith.index_cast %get3A_55 : i32 to index
    %get3A_57 = arith.constant 64 : index
    %get3A_58 = tpu.vector_load %arg6[%get3A_56, %get3A_57] {strides = array<i32>} : memref<80x128xi32, #tpu.memory_space<vmem>>, vector<16xi32>,
    %and3A_59 = arith.constant 65535 : i32
    %and3A_60 = vector.broadcast %and3A_59 : i32 to vector<16xi32>
    %and3A_61 = arith.andi %get3A_58, %and3A_60 : vector<16xi32>
    %swap3A_62 = arith.constant 64 : index
    %swap3A_63 = tpu.vector_load %arg7[%swap3A_62] {strides = array<i32>} : memref<128xi32, #tpu.memory_space<vmem>>, vector<16xi32>,
    tpu.vector_store %arg7[%swap3A_62], %and3A_61 {strides = array<i32>} : memref<128xi32, #tpu.memory_space<vmem>>, vector<16xi32>,
    %shift_right_logical3A_64 = arith.constant 16 : i32
    %shift_right_logical3A_65 = vector.broadcast %shift_right_logical3A_64 : i32 to vector<16xi32>
    %shift_right_logical3A_66 = arith.shrui %get3A_58, %shift_right_logical3A_65 : vector<16xi32>
    %swap3A_67 = arith.constant 64 : index
    %swap3A_68 = tpu.vector_load %arg11[%swap3A_67] {strides = array<i32>} : memref<128xi32, #tpu.memory_space<vmem>>, vector<16xi32>,
    tpu.vector_store %arg11[%swap3A_67], %shift_right_logical3A_66 {strides = array<i32>} : memref<128xi32, #tpu.memory_space<vmem>>, vector<16xi32>,
    %get3A_69 = arith.constant 0 : i32
    %get3A_70 = arith.index_cast %get3A_69 : i32 to index
    %get3A_71 = arith.constant 80 : index
    %get3A_72 = tpu.vector_load %arg6[%get3A_70, %get3A_71] {strides = array<i32>} : memref<80x128xi32, #tpu.memory_space<vmem>>, vector<16xi32>,
    %and3A_73 = arith.constant 65535 : i32
    %and3A_74 = vector.broadcast %and3A_73 : i32 to vector<16xi32>
    %and3A_75 = arith.andi %get3A_72, %and3A_74 : vector<16xi32>
    %swap3A_76 = arith.constant 80 : index
    %swap3A_77 = tpu.vector_load %arg7[%swap3A_76] {strides = array<i32>} : memref<128xi32, #tpu.memory_space<vmem>>, vector<16xi32>,
    tpu.vector_store %arg7[%swap3A_76], %and3A_75 {strides = array<i32>} : memref<128xi32, #tpu.memory_space<vmem>>, vector<16xi32>,
    %shift_right_logical3A_78 = arith.constant 16 : i32
    %shift_right_logical3A_79 = vector.broadcast %shift_right_logical3A_78 : i32 to vector<16xi32>
    %shift_right_logical3A_80 = arith.shrui %get3A_72, %shift_right_logical3A_79 : vector<16xi32>
    %swap3A_81 = arith.constant 80 : index
    %swap3A_82 = tpu.vector_load %arg11[%swap3A_81] {strides = array<i32>} : memref<128xi32, #tpu.memory_space<vmem>>, vector<16xi32>,
    tpu.vector_store %arg11[%swap3A_81], %shift_right_logical3A_80 {strides = array<i32>} : memref<128xi32, #tpu.memory_space<vmem>>, vector<16xi32>,
    %get3A_83 = arith.constant 0 : i32
    %get3A_84 = arith.index_cast %get3A_83 : i32 to index
    %get3A_85 = arith.constant 96 : index
    %get3A_86 = tpu.vector_load %arg6[%get3A_84, %get3A_85] {strides = array<i32>} : memref<80x128xi32, #tpu.memory_space<vmem>>, vector<16xi32>,
    %and3A_87 = arith.constant 65535 : i32
    %and3A_88 = vector.broadcast %and3A_87 : i32 to vector<16xi32>
    %and3A_89 = arith.andi %get3A_86, %and3A_88 : vector<16xi32>
    %swap3A_90 = arith.constant 96 : index
    %swap3A_91 = tpu.vector_load %arg7[%swap3A_90] {strides = array<i32>} : memref<128xi32, #tpu.memory_space<vmem>>, vector<16xi32>,
    tpu.vector_store %arg7[%swap3A_90], %and3A_89 {strides = array<i32>} : memref<128xi32, #tpu.memory_space<vmem>>, vector<16xi32>,
    %shift_right_logical3A_92 = arith.constant 16 : i32
    %shift_right_logical3A_93 = vector.broadcast %shift_right_logical3A_92 : i32 to vector<16xi32>
    %shift_right_logical3A_94 = arith.shrui %get3A_86, %shift_right_logical3A_93 : vector<16xi32>
    %swap3A_95 = arith.constant 96 : index
    %swap3A_96 = tpu.vector_load %arg11[%swap3A_95] {strides = array<i32>} : memref<128xi32, #tpu.memory_space<vmem>>, vector<16xi32>,
    tpu.vector_store %arg11[%swap3A_95], %shift_right_logical3A_94 {strides = array<i32>} : memref<128xi32, #tpu.memory_space<vmem>>, vector<16xi32>,
    %get3A_97 = arith.constant 0 : i32
    %get3A_98 = arith.index_cast %get3A_97 : i32 to index
    %get3A_99 = arith.constant 112 : index
    %get3A_100 = tpu.vector_load %arg6[%get3A_98, %get3A_99] {strides = array<i32>} : memref<80x128xi32, #tpu.memory_space<vmem>>, vector<16xi32>,
    %and3A_101 = arith.constant 65535 : i32
    %and3A_102 = vector.broadcast %and3A_101 : i32 to vector<16xi32>
    %and3A_103 = arith.andi %get3A_100, %and3A_102 : vector<16xi32>
    %swap3A_104 = arith.constant 112 : index
    %swap3A_105 = tpu.vector_load %arg7[%swap3A_104] {strides = array<i32>} : memref<128xi32, #tpu.memory_space<vmem>>, vector<16xi32>,
    tpu.vector_store %arg7[%swap3A_104], %and3A_103 {strides = array<i32>} : memref<128xi32, #tpu.memory_space<vmem>>, vector<16xi32>,
    %shift_right_logical3A_106 = arith.constant 16 : i32
    %shift_right_logical3A_107 = vector.broadcast %shift_right_logical3A_106 : i32 to vector<16xi32>
    %shift_right_logical3A_108 = arith.shrui %get3A_100, %shift_right_logical3A_107 : vector<16xi32>
    %swap3A_109 = arith.constant 112 : index
    %swap3A_110 = tpu.vector_load %arg11[%swap3A_109] {strides = array<i32>} : memref<128xi32, #tpu.memory_space<vmem>>, vector<16xi32>,
    tpu.vector_store %arg11[%swap3A_109], %shift_right_logical3A_108 {strides = array<i32>} : memref<128xi32, #tpu.memory_space<vmem>>, vector<16xi32>,
    %get3A_111 = arith.constant 1 : i32
    %get3A_112 = arith.index_cast %get3A_111 : i32 to index
    %get3A_113 = arith.constant 0 : index
    %get3A_114 = tpu.vector_load %arg6[%get3A_112, %get3A_113] {strides = array<i32>} : memref<80x128xi32, #tpu.memory_space<vmem>>, vector<16xi32>,
    %and3A_115 = arith.constant 65535 : i32
    %and3A_116 = vector.broadcast %and3A_115 : i32 to vector<16xi32>
    %and3A_117 = arith.andi %get3A_114, %and3A_116 : vector<16xi32>
    %swap3A_118 = arith.constant 0 : index
    %swap3A_119 = tpu.vector_load %arg8[%swap3A_118] {strides = array<i32>} : memref<128xi32, #tpu.memory_space<vmem>>, vector<16xi32>,
    tpu.vector_store %arg8[%swap3A_118], %and3A_117 {strides = array<i32>} : memref<128xi32, #tpu.memory_space<vmem>>, vector<16xi32>,
    %shift_right_logical3A_120 = arith.constant 16 : i32
    %shift_right_logical3A_121 = vector.broadcast %shift_right_logical3A_120 : i32 to vector<16xi32>
    %shift_right_logical3A_122 = arith.shrui %get3A_114, %shift_right_logical3A_121 : vector<16xi32>
    %swap3A_123 = arith.constant 0 : index
    %swap3A_124 = tpu.vector_load %arg12[%swap3A_123] {strides = array<i32>} : memref<128xi32, #tpu.memory_space<vmem>>, vector<16xi32>,
    tpu.vector_store %arg12[%swap3A_123], %shift_right_logical3A_122 {strides = array<i32>} : memref<128xi32, #tpu.memory_space<vmem>>, vector<16xi32>,
    %get3A_125 = arith.constant 1 : i32
    %get3A_126 = arith.index_cast %get3A_125 : i32 to index
    %get3A_127 = arith.constant 16 : index
    %get3A_128 = tpu.vector_load %arg6[%get3A_126, %get3A_127] {strides = array<i32>} : memref<80x128xi32, #tpu.memory_space<vmem>>, vector<16xi32>,
    %and3A_129 = arith.constant 65535 : i32
    %and3A_130 = vector.broadcast %and3A_129 : i32 to vector<16xi32>
    %and3A_131 = arith.andi %get3A_128, %and3A_130 : vector<16xi32>
    %swap3A_132 = arith.constant 16 : index
    %swap3A_133 = tpu.vector_load %arg8[%swap3A_132] {strides = array<i32>} : memref<128xi32, #tpu.memory_space<vmem>>, vector<16xi32>,
    tpu.vector_store %arg8[%swap3A_132], %and3A_131 {strides = array<i32>} : memref<128xi32, #tpu.memory_space<vmem>>, vector<16xi32>,
    %shift_right_logical3A_134 = arith.constant 16 : i32
    %shift_right_logical3A_135 = vector.broadcast %shift_right_logical3A_134 : i32 to vector<16xi32>
    %shift_right_logical3A_136 = arith.shrui %get3A_128, %shift_right_logical3A_135 : vector<16xi32>
    %swap3A_137 = arith.constant 16 : index
    %swap3A_138 = tpu.vector_load %arg12[%swap3A_137] {strides = array<i32>} : memref<128xi32, #tpu.memory_space<vmem>>, vector<16xi32>,
    tpu.vector_store %arg12[%swap3A_137], %shift_right_logical3A_136 {strides = array<i32>} : memref<128xi32, #tpu.memory_space<vmem>>, vector<16xi32>,
    %get3A_139 = arith.constant 1 : i32
    %get3A_140 = arith.index_cast %get3A_139 : i32 to index
    %get3A_141 = arith.constant 32 : index
    %get3A_142 = tpu.vector_load %arg6[%get3A_140, %get3A_141] {strides = array<i32>} : memref<80x128xi32, #tpu.memory_space<vmem>>, vector<16xi32>,
    %and3A_143 = arith.constant 65535 : i32
    %and3A_144 = vector.broadcast %and3A_143 : i32 to vector<16xi32>
    %and3A_145 = arith.andi %get3A_142, %and3A_144 : vector<16xi32>
    %swap3A_146 = arith.constant 32 : index
    %swap3A_147 = tpu.vector_load %arg8[%swap3A_146] {strides = array<i32>} : memref<128xi32, #tpu.memory_space<vmem>>, vector<16xi32>,
    tpu.vector_store %arg8[%swap3A_146], %and3A_145 {strides = array<i32>} : memref<128xi32, #tpu.memory_space<vmem>>, vector<16xi32>,
    %shift_right_logical3A_148 = arith.constant 16 : i32
    %shift_right_logical3A_149 = vector.broadcast %shift_right_logical3A_148 : i32 to vector<16xi32>
    %shift_right_logical3A_150 = arith.shrui %get3A_142, %shift_right_logical3A_149 : vector<16xi32>
    %swap3A_151 = arith.constant 32 : index
    %swap3A_152 = tpu.vector_load %arg12[%swap3A_151] {strides = array<i32>} : memref<128xi32, #tpu.memory_space<vmem>>, vector<16xi32>,
    tpu.vector_store %arg12[%swap3A_151], %shift_right_logical3A_150 {strides = array<i32>} : memref<128xi32, #tpu.memory_space<vmem>>, vector<16xi32>,
    %get3A_153 = arith.constant 1 : i32
    %get3A_154 = arith.index_cast %get3A_153 : i32 to index
    %get3A_155 = arith.constant 48 : index
    %get3A_156 = tpu.vector_load %arg6[%get3A_154, %get3A_155] {strides = array<i32>} : memref<80x128xi32, #tpu.memory_space<vmem>>, vector<16xi32>,
    %and3A_157 = arith.constant 65535 : i32
    %and3A_158 = vector.broadcast %and3A_157 : i32 to vector<16xi32>
    %and3A_159 = arith.andi %get3A_156, %and3A_158 : vector<16xi32>
    %swap3A_160 = arith.constant 48 : index
    %swap3A_161 = tpu.vector_load %arg8[%swap3A_160] {strides = array<i32>} : memref<128xi32, #tpu.memory_space<vmem>>, vector<16xi32>,
    tpu.vector_store %arg8[%swap3A_160], %and3A_159 {strides = array<i32>} : memref<128xi32, #tpu.memory_space<vmem>>, vector<16xi32>,
    %shift_right_logical3A_162 = arith.constant 16 : i32
    %shift_right_logical3A_163 = vector.broadcast %shift_right_logical3A_162 : i32 to vector<16xi32>
    %shift_right_logical3A_164 = arith.shrui %get3A_156, %shift_right_logical3A_163 : vector<16xi32>
    %swap3A_165 = arith.constant 48 : index
    %swap3A_166 = tpu.vector_load %arg12[%swap3A_165] {strides = array<i32>} : memref<128xi32, #tpu.memory_space<vmem>>, vector<16xi32>,
    tpu.vector_store %arg12[%swap3A_165], %shift_right_logical3A_164 {strides = array<i32>} : memref<128xi32, #tpu.memory_space<vmem>>, vector<16xi32>,
    %get3A_167 = arith.constant 1 : i32
    %get3A_168 = arith.index_cast %get3A_167 : i32 to index
    %get3A_169 = arith.constant 64 : index
    %get3A_170 = tpu.vector_load %arg6[%get3A_168, %get3A_169] {strides = array<i32>} : memref<80x128xi32, #tpu.memory_space<vmem>>, vector<16xi32>,
    %and3A_171 = arith.constant 65535 : i32
    %and3A_172 = vector.broadcast %and3A_171 : i32 to vector<16xi32>
    %and3A_173 = arith.andi %get3A_170, %and3A_172 : vector<16xi32>
    %swap3A_174 = arith.constant 64 : index
    %swap3A_175 = tpu.vector_load %arg8[%swap3A_174] {strides = array<i32>} : memref<128xi32, #tpu.memory_space<vmem>>, vector<16xi32>,
    tpu.vector_store %arg8[%swap3A_174], %and3A_173 {strides = array<i32>} : memref<128xi32, #tpu.memory_space<vmem>>, vector<16xi32>,
    %shift_right_logical3A_176 = arith.constant 16 : i32
    %shift_right_logical3A_177 = vector.broadcast %shift_right_logical3A_176 : i32 to vector<16xi32>
    %shift_right_logical3A_178 = arith.shrui %get3A_170, %shift_right_logical3A_177 : vector<16xi32>
    %swap3A_179 = arith.constant 64 : index
    %swap3A_180 = tpu.vector_load %arg12[%swap3A_179] {strides = array<i32>} : memref<128xi32, #tpu.memory_space<vmem>>, vector<16xi32>,
    tpu.vector_store %arg12[%swap3A_179], %shift_right_logical3A_178 {strides = array<i32>} : memref<128xi32, #tpu.memory_space<vmem>>, vector<16xi32>,
    %get3A_181 = arith.constant 1 : i32
    %get3A_182 = arith.index_cast %get3A_181 : i32 to index
    %get3A_183 = arith.constant 80 : index
    %get3A_184 = tpu.vector_load %arg6[%get3A_182, %get3A_183] {strides = array<i32>} : memref<80x128xi32, #tpu.memory_space<vmem>>, vector<16xi32>,
    %and3A_185 = arith.constant 65535 : i32
    %and3A_186 = vector.broadcast %and3A_185 : i32 to vector<16xi32>
    %and3A_187 = arith.andi %get3A_184, %and3A_186 : vector<16xi32>
    %swap3A_188 = arith.constant 80 : index
    %swap3A_189 = tpu.vector_load %arg8[%swap3A_188] {strides = array<i32>} : memref<128xi32, #tpu.memory_space<vmem>>, vector<16xi32>,
    tpu.vector_store %arg8[%swap3A_188], %and3A_187 {strides = array<i32>} : memref<128xi32, #tpu.memory_space<vmem>>, vector<16xi32>,
    %shift_right_logical3A_190 = arith.constant 16 : i32
    %shift_right_logical3A_191 = vector.broadcast %shift_right_logical3A_190 : i32 to vector<16xi32>
    %shift_right_logical3A_192 = arith.shrui %get3A_184, %shift_right_logical3A_191 : vector<16xi32>
    %swap3A_193 = arith.constant 80 : index
    %swap3A_194 = tpu.vector_load %arg12[%swap3A_193] {strides = array<i32>} : memref<128xi32, #tpu.memory_space<vmem>>, vector<16xi32>,
    tpu.vector_store %arg12[%swap3A_193], %shift_right_logical3A_192 {strides = array<i32>} : memref<128xi32, #tpu.memory_space<vmem>>, vector<16xi32>,
    %get3A_195 = arith.constant 1 : i32
    %get3A_196 = arith.index_cast %get3A_195 : i32 to index
    %get3A_197 = arith.constant 96 : index
    %get3A_198 = tpu.vector_load %arg6[%get3A_196, %get3A_197] {strides = array<i32>} : memref<80x128xi32, #tpu.memory_space<vmem>>, vector<16xi32>,
    %and3A_199 = arith.constant 65535 : i32
    %and3A_200 = vector.broadcast %and3A_199 : i32 to vector<16xi32>
    %and3A_201 = arith.andi %get3A_198, %and3A_200 : vector<16xi32>
    %swap3A_202 = arith.constant 96 : index
    %swap3A_203 = tpu.vector_load %arg8[%swap3A_202] {strides = array<i32>} : memref<128xi32, #tpu.memory_space<vmem>>, vector<16xi32>,
    tpu.vector_store %arg8[%swap3A_202], %and3A_201 {strides = array<i32>} : memref<128xi32, #tpu.memory_space<vmem>>, vector<16xi32>,
    %shift_right_logical3A_204 = arith.constant 16 : i32
    %shift_right_logical3A_205 = vector.broadcast %shift_right_logical3A_204 : i32 to vector<16xi32>
    %shift_right_logical3A_206 = arith.shrui %get3A_198, %shift_right_logical3A_205 : vector<16xi32>
    %swap3A_207 = arith.constant 96 : index
    %swap3A_208 = tpu.vector_load %arg12[%swap3A_207] {strides = array<i32>} : memref<128xi32, #tpu.memory_space<vmem>>, vector<16xi32>,
    tpu.vector_store %arg12[%swap3A_207], %shift_right_logical3A_206 {strides = array<i32>} : memref<128xi32, #tpu.memory_space<vmem>>, vector<16xi32>,
    %get3A_209 = arith.constant 1 : i32
    %get3A_210 = arith.index_cast %get3A_209 : i32 to index
    %get3A_211 = arith.constant 112 : index
    %get3A_212 = tpu.vector_load %arg6[%get3A_210, %get3A_211] {strides = array<i32>} : memref<80x128xi32, #tpu.memory_space<vmem>>, vector<16xi32>,
    %and3A_213 = arith.constant 65535 : i32
    %and3A_214 = vector.broadcast %and3A_213 : i32 to vector<16xi32>
    %and3A_215 = arith.andi %get3A_212, %and3A_214 : vector<16xi32>
    %swap3A_216 = arith.constant 112 : index
    %swap3A_217 = tpu.vector_load %arg8[%swap3A_216] {strides = array<i32>} : memref<128xi32, #tpu.memory_space<vmem>>, vector<16xi32>,
    tpu.vector_store %arg8[%swap3A_216], %and3A_215 {strides = array<i32>} : memref<128xi32, #tpu.memory_space<vmem>>, vector<16xi32>,
    %shift_right_logical3A_218 = arith.constant 16 : i32
    %shift_right_logical3A_219 = vector.broadcast %shift_right_logical3A_218 : i32 to vector<16xi32>
    %shift_right_logical3A_220 = arith.shrui %get3A_212, %shift_right_logical3A_219 : vector<16xi32>
    %swap3A_221 = arith.constant 112 : index
    %swap3A_222 = tpu.vector_load %arg12[%swap3A_221] {strides = array<i32>} : memref<128xi32, #tpu.memory_space<vmem>>, vector<16xi32>,
    tpu.vector_store %arg12[%swap3A_221], %shift_right_logical3A_220 {strides = array<i32>} : memref<128xi32, #tpu.memory_space<vmem>>, vector<16xi32>,
    %dma_start3A = arith.constant 0 : i32
    %dma_start3A_223 = arith.constant 0 : i32
    %dma_start3A_224 = tpu.memref_slice %arg2[%dma_start3A, %dma_start3A_223] : memref<10112x128xf32, #tpu.memory_space<hbm>> -> memref<10112x128xf32, #tpu.memory_space<hbm>>
    tpu.enqueue_indirect_dma source(%dma_start3A_224 : memref<10112x128xf32, #tpu.memory_space<hbm>>) target(%arg15 : memref<128x128xf32, #tpu.memory_space<vmem>>) offsets(%arg7 : memref<128xi32, #tpu.memory_space<vmem>>) semaphore(%arg18 : memref<!tpu.dma_semaphore, #tpu.memory_space<semaphore_mem>>)
    %scan3A = arith.constant 0 : i32
    %scan3A_225 = arith.constant 0 : i32
    %scan3A_226 = arith.constant 20 : i32
    %scan3A_227 = arith.addi %scan3A_225, %scan3A_226 : i32
    %scan3A_228 = arith.constant 1 : i32
    scf.for %scan3A_237 = %scan3A_225 to %scan3A_227 step %scan3A_228  : i32 {
      %mul3A_238 = arith.constant 4 : i32
      %mul3A_239 = arith.muli %mul3A_238, %scan3A_237 : i32
      %add3A_240 = arith.constant 0 : i32
      %add3A_241 = arith.addi %mul3A_239, %add3A_240 : i32
      %dma_wait3A_242 = arith.constant 0 : i32
      %dma_wait3A_243 = arith.constant 0 : i32
      %dma_wait3A_244 = tpu.memref_slice %arg2[%dma_wait3A_242, %dma_wait3A_243] : memref<10112x128xf32, #tpu.memory_space<hbm>> -> memref<10112x128xf32, #tpu.memory_space<hbm>>
      tpu.wait_indirect_dma semaphore(%arg18 : memref<!tpu.dma_semaphore, #tpu.memory_space<semaphore_mem>>) src(%dma_wait3A_244 : memref<10112x128xf32, #tpu.memory_space<hbm>>) dst(%arg15 : memref<128x128xf32, #tpu.memory_space<vmem>>)
      %ge3A = arith.constant 1 : i32
      %ge3A_245 = arith.cmpi sge, %add3A_241, %ge3A : i32
      %convert_element_type3A = arith.extui %ge3A_245 : i1 to i32
      %cond3A = arith.constant 0 : i32
      %cond3A_246 = arith.cmpi ne, %convert_element_type3A, %cond3A : i32
      scf.if %cond3A_246 {
        %dma_wait3A_747 = arith.constant 0 : i32
        %dma_wait3A_748 = arith.constant 0 : i32
        %dma_wait3A_749 = tpu.memref_slice %arg17[%dma_wait3A_747, %dma_wait3A_748] : memref<10112x128xf32, #tpu.memory_space<vmem_shared>> -> memref<10112x128xf32, #tpu.memory_space<vmem_shared>>
        tpu.wait_indirect_dma semaphore(%arg21 : memref<!tpu.dma_semaphore, #tpu.memory_space<semaphore_mem>>) src(%arg16 : memref<128x128xf32, #tpu.memory_space<vmem>>) dst(%dma_wait3A_749 : memref<10112x128xf32, #tpu.memory_space<vmem_shared>>)
      } else {
      }
      %add3A_247 = arith.constant 1 : i32
      %add3A_248 = arith.addi %add3A_241, %add3A_247 : i32
      %lt3A = arith.constant 80 : i32
      %lt3A_249 = arith.cmpi slt, %add3A_248, %lt3A : i32
      %convert_element_type3A_250 = arith.extui %lt3A_249 : i1 to i32
      %cond3A_251 = arith.constant 0 : i32
      %cond3A_252 = arith.cmpi ne, %convert_element_type3A_250, %cond3A_251 : i32
      scf.if %cond3A_252 {
        %dma_start3A_747 = arith.constant 0 : i32
        %dma_start3A_748 = arith.constant 0 : i32
        %dma_start3A_749 = tpu.memref_slice %arg2[%dma_start3A_747, %dma_start3A_748] : memref<10112x128xf32, #tpu.memory_space<hbm>> -> memref<10112x128xf32, #tpu.memory_space<hbm>>
        tpu.enqueue_indirect_dma source(%dma_start3A_749 : memref<10112x128xf32, #tpu.memory_space<hbm>>) target(%arg16 : memref<128x128xf32, #tpu.memory_space<vmem>>) offsets(%arg8 : memref<128xi32, #tpu.memory_space<vmem>>) semaphore(%arg19 : memref<!tpu.dma_semaphore, #tpu.memory_space<semaphore_mem>>)
      } else {
      }
      %dma_start3A_253 = arith.constant 0 : i32
      %dma_start3A_254 = arith.constant 0 : i32
      %dma_start3A_255 = tpu.memref_slice %arg17[%dma_start3A_253, %dma_start3A_254] : memref<10112x128xf32, #tpu.memory_space<vmem_shared>> -> memref<10112x128xf32, #tpu.memory_space<vmem_shared>>
      tpu.enqueue_indirect_dma source(%arg15 : memref<128x128xf32, #tpu.memory_space<vmem>>) target(%dma_start3A_255 : memref<10112x128xf32, #tpu.memory_space<vmem_shared>>) offsets(%arg11 : memref<128xi32, #tpu.memory_space<vmem>>) semaphore(%arg20 : memref<!tpu.dma_semaphore, #tpu.memory_space<semaphore_mem>>) {add = true}
      %add3A_256 = arith.constant 2 : i32
      %add3A_257 = arith.addi %add3A_241, %add3A_256 : i32
      %min3A = arith.constant 79 : i32
      %min3A_258 = arith.minsi %add3A_257, %min3A : i32
      %get3A_259 = arith.index_cast %min3A_258 : i32 to index
      %get3A_260 = arith.constant 0 : index
      %get3A_261 = tpu.vector_load %arg6[%get3A_259, %get3A_260] {strides = array<i32>} : memref<80x128xi32, #tpu.memory_space<vmem>>, vector<16xi32>,
      %and3A_262 = arith.constant 65535 : i32
      %and3A_263 = vector.broadcast %and3A_262 : i32 to vector<16xi32>
      %and3A_264 = arith.andi %get3A_261, %and3A_263 : vector<16xi32>
      %swap3A_265 = arith.constant 0 : index
      %swap3A_266 = tpu.vector_load %arg9[%swap3A_265] {strides = array<i32>} : memref<128xi32, #tpu.memory_space<vmem>>, vector<16xi32>,
      tpu.vector_store %arg9[%swap3A_265], %and3A_264 {strides = array<i32>} : memref<128xi32, #tpu.memory_space<vmem>>, vector<16xi32>,
      %shift_right_logical3A_267 = arith.constant 16 : i32
      %shift_right_logical3A_268 = vector.broadcast %shift_right_logical3A_267 : i32 to vector<16xi32>
      %shift_right_logical3A_269 = arith.shrui %get3A_261, %shift_right_logical3A_268 : vector<16xi32>
      %swap3A_270 = arith.constant 0 : index
      %swap3A_271 = tpu.vector_load %arg13[%swap3A_270] {strides = array<i32>} : memref<128xi32, #tpu.memory_space<vmem>>, vector<16xi32>,
      tpu.vector_store %arg13[%swap3A_270], %shift_right_logical3A_269 {strides = array<i32>} : memref<128xi32, #tpu.memory_space<vmem>>, vector<16xi32>,
      %get3A_272 = arith.index_cast %min3A_258 : i32 to index
      %get3A_273 = arith.constant 16 : index
      %get3A_274 = tpu.vector_load %arg6[%get3A_272, %get3A_273] {strides = array<i32>} : memref<80x128xi32, #tpu.memory_space<vmem>>, vector<16xi32>,
      %and3A_275 = arith.constant 65535 : i32
      %and3A_276 = vector.broadcast %and3A_275 : i32 to vector<16xi32>
      %and3A_277 = arith.andi %get3A_274, %and3A_276 : vector<16xi32>
      %swap3A_278 = arith.constant 16 : index
      %swap3A_279 = tpu.vector_load %arg9[%swap3A_278] {strides = array<i32>} : memref<128xi32, #tpu.memory_space<vmem>>, vector<16xi32>,
      tpu.vector_store %arg9[%swap3A_278], %and3A_277 {strides = array<i32>} : memref<128xi32, #tpu.memory_space<vmem>>, vector<16xi32>,
      %shift_right_logical3A_280 = arith.constant 16 : i32
      %shift_right_logical3A_281 = vector.broadcast %shift_right_logical3A_280 : i32 to vector<16xi32>
      %shift_right_logical3A_282 = arith.shrui %get3A_274, %shift_right_logical3A_281 : vector<16xi32>
      %swap3A_283 = arith.constant 16 : index
      %swap3A_284 = tpu.vector_load %arg13[%swap3A_283] {strides = array<i32>} : memref<128xi32, #tpu.memory_space<vmem>>, vector<16xi32>,
      tpu.vector_store %arg13[%swap3A_283], %shift_right_logical3A_282 {strides = array<i32>} : memref<128xi32, #tpu.memory_space<vmem>>, vector<16xi32>,
      %get3A_285 = arith.index_cast %min3A_258 : i32 to index
      %get3A_286 = arith.constant 32 : index
      %get3A_287 = tpu.vector_load %arg6[%get3A_285, %get3A_286] {strides = array<i32>} : memref<80x128xi32, #tpu.memory_space<vmem>>, vector<16xi32>,
      %and3A_288 = arith.constant 65535 : i32
      %and3A_289 = vector.broadcast %and3A_288 : i32 to vector<16xi32>
      %and3A_290 = arith.andi %get3A_287, %and3A_289 : vector<16xi32>
      %swap3A_291 = arith.constant 32 : index
      %swap3A_292 = tpu.vector_load %arg9[%swap3A_291] {strides = array<i32>} : memref<128xi32, #tpu.memory_space<vmem>>, vector<16xi32>,
      tpu.vector_store %arg9[%swap3A_291], %and3A_290 {strides = array<i32>} : memref<128xi32, #tpu.memory_space<vmem>>, vector<16xi32>,
      %shift_right_logical3A_293 = arith.constant 16 : i32
      %shift_right_logical3A_294 = vector.broadcast %shift_right_logical3A_293 : i32 to vector<16xi32>
      %shift_right_logical3A_295 = arith.shrui %get3A_287, %shift_right_logical3A_294 : vector<16xi32>
      %swap3A_296 = arith.constant 32 : index
      %swap3A_297 = tpu.vector_load %arg13[%swap3A_296] {strides = array<i32>} : memref<128xi32, #tpu.memory_space<vmem>>, vector<16xi32>,
      tpu.vector_store %arg13[%swap3A_296], %shift_right_logical3A_295 {strides = array<i32>} : memref<128xi32, #tpu.memory_space<vmem>>, vector<16xi32>,
      %get3A_298 = arith.index_cast %min3A_258 : i32 to index
      %get3A_299 = arith.constant 48 : index
      %get3A_300 = tpu.vector_load %arg6[%get3A_298, %get3A_299] {strides = array<i32>} : memref<80x128xi32, #tpu.memory_space<vmem>>, vector<16xi32>,
      %and3A_301 = arith.constant 65535 : i32
      %and3A_302 = vector.broadcast %and3A_301 : i32 to vector<16xi32>
      %and3A_303 = arith.andi %get3A_300, %and3A_302 : vector<16xi32>
      %swap3A_304 = arith.constant 48 : index
      %swap3A_305 = tpu.vector_load %arg9[%swap3A_304] {strides = array<i32>} : memref<128xi32, #tpu.memory_space<vmem>>, vector<16xi32>,
      tpu.vector_store %arg9[%swap3A_304], %and3A_303 {strides = array<i32>} : memref<128xi32, #tpu.memory_space<vmem>>, vector<16xi32>,
      %shift_right_logical3A_306 = arith.constant 16 : i32
      %shift_right_logical3A_307 = vector.broadcast %shift_right_logical3A_306 : i32 to vector<16xi32>
      %shift_right_logical3A_308 = arith.shrui %get3A_300, %shift_right_logical3A_307 : vector<16xi32>
      %swap3A_309 = arith.constant 48 : index
      %swap3A_310 = tpu.vector_load %arg13[%swap3A_309] {strides = array<i32>} : memref<128xi32, #tpu.memory_space<vmem>>, vector<16xi32>,
      tpu.vector_store %arg13[%swap3A_309], %shift_right_logical3A_308 {strides = array<i32>} : memref<128xi32, #tpu.memory_space<vmem>>, vector<16xi32>,
      %get3A_311 = arith.index_cast %min3A_258 : i32 to index
      %get3A_312 = arith.constant 64 : index
      %get3A_313 = tpu.vector_load %arg6[%get3A_311, %get3A_312] {strides = array<i32>} : memref<80x128xi32, #tpu.memory_space<vmem>>, vector<16xi32>,
      %and3A_314 = arith.constant 65535 : i32
      %and3A_315 = vector.broadcast %and3A_314 : i32 to vector<16xi32>
      %and3A_316 = arith.andi %get3A_313, %and3A_315 : vector<16xi32>
      %swap3A_317 = arith.constant 64 : index
      %swap3A_318 = tpu.vector_load %arg9[%swap3A_317] {strides = array<i32>} : memref<128xi32, #tpu.memory_space<vmem>>, vector<16xi32>,
      tpu.vector_store %arg9[%swap3A_317], %and3A_316 {strides = array<i32>} : memref<128xi32, #tpu.memory_space<vmem>>, vector<16xi32>,
      %shift_right_logical3A_319 = arith.constant 16 : i32
      %shift_right_logical3A_320 = vector.broadcast %shift_right_logical3A_319 : i32 to vector<16xi32>
      %shift_right_logical3A_321 = arith.shrui %get3A_313, %shift_right_logical3A_320 : vector<16xi32>
      %swap3A_322 = arith.constant 64 : index
      %swap3A_323 = tpu.vector_load %arg13[%swap3A_322] {strides = array<i32>} : memref<128xi32, #tpu.memory_space<vmem>>, vector<16xi32>,
      tpu.vector_store %arg13[%swap3A_322], %shift_right_logical3A_321 {strides = array<i32>} : memref<128xi32, #tpu.memory_space<vmem>>, vector<16xi32>,
      %get3A_324 = arith.index_cast %min3A_258 : i32 to index
      %get3A_325 = arith.constant 80 : index
      %get3A_326 = tpu.vector_load %arg6[%get3A_324, %get3A_325] {strides = array<i32>} : memref<80x128xi32, #tpu.memory_space<vmem>>, vector<16xi32>,
      %and3A_327 = arith.constant 65535 : i32
      %and3A_328 = vector.broadcast %and3A_327 : i32 to vector<16xi32>
      %and3A_329 = arith.andi %get3A_326, %and3A_328 : vector<16xi32>
      %swap3A_330 = arith.constant 80 : index
      %swap3A_331 = tpu.vector_load %arg9[%swap3A_330] {strides = array<i32>} : memref<128xi32, #tpu.memory_space<vmem>>, vector<16xi32>,
      tpu.vector_store %arg9[%swap3A_330], %and3A_329 {strides = array<i32>} : memref<128xi32, #tpu.memory_space<vmem>>, vector<16xi32>,
      %shift_right_logical3A_332 = arith.constant 16 : i32
      %shift_right_logical3A_333 = vector.broadcast %shift_right_logical3A_332 : i32 to vector<16xi32>
      %shift_right_logical3A_334 = arith.shrui %get3A_326, %shift_right_logical3A_333 : vector<16xi32>
      %swap3A_335 = arith.constant 80 : index
      %swap3A_336 = tpu.vector_load %arg13[%swap3A_335] {strides = array<i32>} : memref<128xi32, #tpu.memory_space<vmem>>, vector<16xi32>,
      tpu.vector_store %arg13[%swap3A_335], %shift_right_logical3A_334 {strides = array<i32>} : memref<128xi32, #tpu.memory_space<vmem>>, vector<16xi32>,
      %get3A_337 = arith.index_cast %min3A_258 : i32 to index
      %get3A_338 = arith.constant 96 : index
      %get3A_339 = tpu.vector_load %arg6[%get3A_337, %get3A_338] {strides = array<i32>} : memref<80x128xi32, #tpu.memory_space<vmem>>, vector<16xi32>,
      %and3A_340 = arith.constant 65535 : i32
      %and3A_341 = vector.broadcast %and3A_340 : i32 to vector<16xi32>
      %and3A_342 = arith.andi %get3A_339, %and3A_341 : vector<16xi32>
      %swap3A_343 = arith.constant 96 : index
      %swap3A_344 = tpu.vector_load %arg9[%swap3A_343] {strides = array<i32>} : memref<128xi32, #tpu.memory_space<vmem>>, vector<16xi32>,
      tpu.vector_store %arg9[%swap3A_343], %and3A_342 {strides = array<i32>} : memref<128xi32, #tpu.memory_space<vmem>>, vector<16xi32>,
      %shift_right_logical3A_345 = arith.constant 16 : i32
      %shift_right_logical3A_346 = vector.broadcast %shift_right_logical3A_345 : i32 to vector<16xi32>
      %shift_right_logical3A_347 = arith.shrui %get3A_339, %shift_right_logical3A_346 : vector<16xi32>
      %swap3A_348 = arith.constant 96 : index
      %swap3A_349 = tpu.vector_load %arg13[%swap3A_348] {strides = array<i32>} : memref<128xi32, #tpu.memory_space<vmem>>, vector<16xi32>,
      tpu.vector_store %arg13[%swap3A_348], %shift_right_logical3A_347 {strides = array<i32>} : memref<128xi32, #tpu.memory_space<vmem>>, vector<16xi32>,
      %get3A_350 = arith.index_cast %min3A_258 : i32 to index
      %get3A_351 = arith.constant 112 : index
      %get3A_352 = tpu.vector_load %arg6[%get3A_350, %get3A_351] {strides = array<i32>} : memref<80x128xi32, #tpu.memory_space<vmem>>, vector<16xi32>,
      %and3A_353 = arith.constant 65535 : i32
      %and3A_354 = vector.broadcast %and3A_353 : i32 to vector<16xi32>
      %and3A_355 = arith.andi %get3A_352, %and3A_354 : vector<16xi32>
      %swap3A_356 = arith.constant 112 : index
      %swap3A_357 = tpu.vector_load %arg9[%swap3A_356] {strides = array<i32>} : memref<128xi32, #tpu.memory_space<vmem>>, vector<16xi32>,
      tpu.vector_store %arg9[%swap3A_356], %and3A_355 {strides = array<i32>} : memref<128xi32, #tpu.memory_space<vmem>>, vector<16xi32>,
      %shift_right_logical3A_358 = arith.constant 16 : i32
      %shift_right_logical3A_359 = vector.broadcast %shift_right_logical3A_358 : i32 to vector<16xi32>
      %shift_right_logical3A_360 = arith.shrui %get3A_352, %shift_right_logical3A_359 : vector<16xi32>
      %swap3A_361 = arith.constant 112 : index
      %swap3A_362 = tpu.vector_load %arg13[%swap3A_361] {strides = array<i32>} : memref<128xi32, #tpu.memory_space<vmem>>, vector<16xi32>,
      tpu.vector_store %arg13[%swap3A_361], %shift_right_logical3A_360 {strides = array<i32>} : memref<128xi32, #tpu.memory_space<vmem>>, vector<16xi32>,
      %add3A_363 = arith.constant 1 : i32
      %add3A_364 = arith.addi %mul3A_239, %add3A_363 : i32
      %dma_wait3A_365 = arith.constant 0 : i32
      %dma_wait3A_366 = arith.constant 0 : i32
      %dma_wait3A_367 = tpu.memref_slice %arg2[%dma_wait3A_365, %dma_wait3A_366] : memref<10112x128xf32, #tpu.memory_space<hbm>> -> memref<10112x128xf32, #tpu.memory_space<hbm>>
      tpu.wait_indirect_dma semaphore(%arg19 : memref<!tpu.dma_semaphore, #tpu.memory_space<semaphore_mem>>) src(%dma_wait3A_367 : memref<10112x128xf32, #tpu.memory_space<hbm>>) dst(%arg16 : memref<128x128xf32, #tpu.memory_space<vmem>>)
      %ge3A_368 = arith.constant 1 : i32
      %ge3A_369 = arith.cmpi sge, %add3A_364, %ge3A_368 : i32
      %convert_element_type3A_370 = arith.extui %ge3A_369 : i1 to i32
      %cond3A_371 = arith.constant 0 : i32
      %cond3A_372 = arith.cmpi ne, %convert_element_type3A_370, %cond3A_371 : i32
      scf.if %cond3A_372 {
        %dma_wait3A_747 = arith.constant 0 : i32
        %dma_wait3A_748 = arith.constant 0 : i32
        %dma_wait3A_749 = tpu.memref_slice %arg17[%dma_wait3A_747, %dma_wait3A_748] : memref<10112x128xf32, #tpu.memory_space<vmem_shared>> -> memref<10112x128xf32, #tpu.memory_space<vmem_shared>>
        tpu.wait_indirect_dma semaphore(%arg20 : memref<!tpu.dma_semaphore, #tpu.memory_space<semaphore_mem>>) src(%arg15 : memref<128x128xf32, #tpu.memory_space<vmem>>) dst(%dma_wait3A_749 : memref<10112x128xf32, #tpu.memory_space<vmem_shared>>)
      } else {
      }
      %add3A_373 = arith.constant 1 : i32
      %add3A_374 = arith.addi %add3A_364, %add3A_373 : i32
      %lt3A_375 = arith.constant 80 : i32
      %lt3A_376 = arith.cmpi slt, %add3A_374, %lt3A_375 : i32
      %convert_element_type3A_377 = arith.extui %lt3A_376 : i1 to i32
      %cond3A_378 = arith.constant 0 : i32
      %cond3A_379 = arith.cmpi ne, %convert_element_type3A_377, %cond3A_378 : i32
      scf.if %cond3A_379 {
        %dma_start3A_747 = arith.constant 0 : i32
        %dma_start3A_748 = arith.constant 0 : i32
        %dma_start3A_749 = tpu.memref_slice %arg2[%dma_start3A_747, %dma_start3A_748] : memref<10112x128xf32, #tpu.memory_space<hbm>> -> memref<10112x128xf32, #tpu.memory_space<hbm>>
        tpu.enqueue_indirect_dma source(%dma_start3A_749 : memref<10112x128xf32, #tpu.memory_space<hbm>>) target(%arg15 : memref<128x128xf32, #tpu.memory_space<vmem>>) offsets(%arg9 : memref<128xi32, #tpu.memory_space<vmem>>) semaphore(%arg18 : memref<!tpu.dma_semaphore, #tpu.memory_space<semaphore_mem>>)
      } else {
      }
      %dma_start3A_380 = arith.constant 0 : i32
      %dma_start3A_381 = arith.constant 0 : i32
      %dma_start3A_382 = tpu.memref_slice %arg17[%dma_start3A_380, %dma_start3A_381] : memref<10112x128xf32, #tpu.memory_space<vmem_shared>> -> memref<10112x128xf32, #tpu.memory_space<vmem_shared>>
      tpu.enqueue_indirect_dma source(%arg16 : memref<128x128xf32, #tpu.memory_space<vmem>>) target(%dma_start3A_382 : memref<10112x128xf32, #tpu.memory_space<vmem_shared>>) offsets(%arg12 : memref<128xi32, #tpu.memory_space<vmem>>) semaphore(%arg21 : memref<!tpu.dma_semaphore, #tpu.memory_space<semaphore_mem>>) {add = true}
      %add3A_383 = arith.constant 2 : i32
      %add3A_384 = arith.addi %add3A_364, %add3A_383 : i32
      %min3A_385 = arith.constant 79 : i32
      %min3A_386 = arith.minsi %add3A_384, %min3A_385 : i32
      %get3A_387 = arith.index_cast %min3A_386 : i32 to index
      %get3A_388 = arith.constant 0 : index
      %get3A_389 = tpu.vector_load %arg6[%get3A_387, %get3A_388] {strides = array<i32>} : memref<80x128xi32, #tpu.memory_space<vmem>>, vector<16xi32>,
      %and3A_390 = arith.constant 65535 : i32
      %and3A_391 = vector.broadcast %and3A_390 : i32 to vector<16xi32>
      %and3A_392 = arith.andi %get3A_389, %and3A_391 : vector<16xi32>
      %swap3A_393 = arith.constant 0 : index
      %swap3A_394 = tpu.vector_load %arg10[%swap3A_393] {strides = array<i32>} : memref<128xi32, #tpu.memory_space<vmem>>, vector<16xi32>,
      tpu.vector_store %arg10[%swap3A_393], %and3A_392 {strides = array<i32>} : memref<128xi32, #tpu.memory_space<vmem>>, vector<16xi32>,
      %shift_right_logical3A_395 = arith.constant 16 : i32
      %shift_right_logical3A_396 = vector.broadcast %shift_right_logical3A_395 : i32 to vector<16xi32>
      %shift_right_logical3A_397 = arith.shrui %get3A_389, %shift_right_logical3A_396 : vector<16xi32>
      %swap3A_398 = arith.constant 0 : index
      %swap3A_399 = tpu.vector_load %arg14[%swap3A_398] {strides = array<i32>} : memref<128xi32, #tpu.memory_space<vmem>>, vector<16xi32>,
      tpu.vector_store %arg14[%swap3A_398], %shift_right_logical3A_397 {strides = array<i32>} : memref<128xi32, #tpu.memory_space<vmem>>, vector<16xi32>,
      %get3A_400 = arith.index_cast %min3A_386 : i32 to index
      %get3A_401 = arith.constant 16 : index
      %get3A_402 = tpu.vector_load %arg6[%get3A_400, %get3A_401] {strides = array<i32>} : memref<80x128xi32, #tpu.memory_space<vmem>>, vector<16xi32>,
      %and3A_403 = arith.constant 65535 : i32
      %and3A_404 = vector.broadcast %and3A_403 : i32 to vector<16xi32>
      %and3A_405 = arith.andi %get3A_402, %and3A_404 : vector<16xi32>
      %swap3A_406 = arith.constant 16 : index
      %swap3A_407 = tpu.vector_load %arg10[%swap3A_406] {strides = array<i32>} : memref<128xi32, #tpu.memory_space<vmem>>, vector<16xi32>,
      tpu.vector_store %arg10[%swap3A_406], %and3A_405 {strides = array<i32>} : memref<128xi32, #tpu.memory_space<vmem>>, vector<16xi32>,
      %shift_right_logical3A_408 = arith.constant 16 : i32
      %shift_right_logical3A_409 = vector.broadcast %shift_right_logical3A_408 : i32 to vector<16xi32>
      %shift_right_logical3A_410 = arith.shrui %get3A_402, %shift_right_logical3A_409 : vector<16xi32>
      %swap3A_411 = arith.constant 16 : index
      %swap3A_412 = tpu.vector_load %arg14[%swap3A_411] {strides = array<i32>} : memref<128xi32, #tpu.memory_space<vmem>>, vector<16xi32>,
      tpu.vector_store %arg14[%swap3A_411], %shift_right_logical3A_410 {strides = array<i32>} : memref<128xi32, #tpu.memory_space<vmem>>, vector<16xi32>,
      %get3A_413 = arith.index_cast %min3A_386 : i32 to index
      %get3A_414 = arith.constant 32 : index
      %get3A_415 = tpu.vector_load %arg6[%get3A_413, %get3A_414] {strides = array<i32>} : memref<80x128xi32, #tpu.memory_space<vmem>>, vector<16xi32>,
      %and3A_416 = arith.constant 65535 : i32
      %and3A_417 = vector.broadcast %and3A_416 : i32 to vector<16xi32>
      %and3A_418 = arith.andi %get3A_415, %and3A_417 : vector<16xi32>
      %swap3A_419 = arith.constant 32 : index
      %swap3A_420 = tpu.vector_load %arg10[%swap3A_419] {strides = array<i32>} : memref<128xi32, #tpu.memory_space<vmem>>, vector<16xi32>,
      tpu.vector_store %arg10[%swap3A_419], %and3A_418 {strides = array<i32>} : memref<128xi32, #tpu.memory_space<vmem>>, vector<16xi32>,
      %shift_right_logical3A_421 = arith.constant 16 : i32
      %shift_right_logical3A_422 = vector.broadcast %shift_right_logical3A_421 : i32 to vector<16xi32>
      %shift_right_logical3A_423 = arith.shrui %get3A_415, %shift_right_logical3A_422 : vector<16xi32>
      %swap3A_424 = arith.constant 32 : index
      %swap3A_425 = tpu.vector_load %arg14[%swap3A_424] {strides = array<i32>} : memref<128xi32, #tpu.memory_space<vmem>>, vector<16xi32>,
      tpu.vector_store %arg14[%swap3A_424], %shift_right_logical3A_423 {strides = array<i32>} : memref<128xi32, #tpu.memory_space<vmem>>, vector<16xi32>,
      %get3A_426 = arith.index_cast %min3A_386 : i32 to index
      %get3A_427 = arith.constant 48 : index
      %get3A_428 = tpu.vector_load %arg6[%get3A_426, %get3A_427] {strides = array<i32>} : memref<80x128xi32, #tpu.memory_space<vmem>>, vector<16xi32>,
      %and3A_429 = arith.constant 65535 : i32
      %and3A_430 = vector.broadcast %and3A_429 : i32 to vector<16xi32>
      %and3A_431 = arith.andi %get3A_428, %and3A_430 : vector<16xi32>
      %swap3A_432 = arith.constant 48 : index
      %swap3A_433 = tpu.vector_load %arg10[%swap3A_432] {strides = array<i32>} : memref<128xi32, #tpu.memory_space<vmem>>, vector<16xi32>,
      tpu.vector_store %arg10[%swap3A_432], %and3A_431 {strides = array<i32>} : memref<128xi32, #tpu.memory_space<vmem>>, vector<16xi32>,
      %shift_right_logical3A_434 = arith.constant 16 : i32
      %shift_right_logical3A_435 = vector.broadcast %shift_right_logical3A_434 : i32 to vector<16xi32>
      %shift_right_logical3A_436 = arith.shrui %get3A_428, %shift_right_logical3A_435 : vector<16xi32>
      %swap3A_437 = arith.constant 48 : index
      %swap3A_438 = tpu.vector_load %arg14[%swap3A_437] {strides = array<i32>} : memref<128xi32, #tpu.memory_space<vmem>>, vector<16xi32>,
      tpu.vector_store %arg14[%swap3A_437], %shift_right_logical3A_436 {strides = array<i32>} : memref<128xi32, #tpu.memory_space<vmem>>, vector<16xi32>,
      %get3A_439 = arith.index_cast %min3A_386 : i32 to index
      %get3A_440 = arith.constant 64 : index
      %get3A_441 = tpu.vector_load %arg6[%get3A_439, %get3A_440] {strides = array<i32>} : memref<80x128xi32, #tpu.memory_space<vmem>>, vector<16xi32>,
      %and3A_442 = arith.constant 65535 : i32
      %and3A_443 = vector.broadcast %and3A_442 : i32 to vector<16xi32>
      %and3A_444 = arith.andi %get3A_441, %and3A_443 : vector<16xi32>
      %swap3A_445 = arith.constant 64 : index
      %swap3A_446 = tpu.vector_load %arg10[%swap3A_445] {strides = array<i32>} : memref<128xi32, #tpu.memory_space<vmem>>, vector<16xi32>,
      tpu.vector_store %arg10[%swap3A_445], %and3A_444 {strides = array<i32>} : memref<128xi32, #tpu.memory_space<vmem>>, vector<16xi32>,
      %shift_right_logical3A_447 = arith.constant 16 : i32
      %shift_right_logical3A_448 = vector.broadcast %shift_right_logical3A_447 : i32 to vector<16xi32>
      %shift_right_logical3A_449 = arith.shrui %get3A_441, %shift_right_logical3A_448 : vector<16xi32>
      %swap3A_450 = arith.constant 64 : index
      %swap3A_451 = tpu.vector_load %arg14[%swap3A_450] {strides = array<i32>} : memref<128xi32, #tpu.memory_space<vmem>>, vector<16xi32>,
      tpu.vector_store %arg14[%swap3A_450], %shift_right_logical3A_449 {strides = array<i32>} : memref<128xi32, #tpu.memory_space<vmem>>, vector<16xi32>,
      %get3A_452 = arith.index_cast %min3A_386 : i32 to index
      %get3A_453 = arith.constant 80 : index
      %get3A_454 = tpu.vector_load %arg6[%get3A_452, %get3A_453] {strides = array<i32>} : memref<80x128xi32, #tpu.memory_space<vmem>>, vector<16xi32>,
      %and3A_455 = arith.constant 65535 : i32
      %and3A_456 = vector.broadcast %and3A_455 : i32 to vector<16xi32>
      %and3A_457 = arith.andi %get3A_454, %and3A_456 : vector<16xi32>
      %swap3A_458 = arith.constant 80 : index
      %swap3A_459 = tpu.vector_load %arg10[%swap3A_458] {strides = array<i32>} : memref<128xi32, #tpu.memory_space<vmem>>, vector<16xi32>,
      tpu.vector_store %arg10[%swap3A_458], %and3A_457 {strides = array<i32>} : memref<128xi32, #tpu.memory_space<vmem>>, vector<16xi32>,
      %shift_right_logical3A_460 = arith.constant 16 : i32
      %shift_right_logical3A_461 = vector.broadcast %shift_right_logical3A_460 : i32 to vector<16xi32>
      %shift_right_logical3A_462 = arith.shrui %get3A_454, %shift_right_logical3A_461 : vector<16xi32>
      %swap3A_463 = arith.constant 80 : index
      %swap3A_464 = tpu.vector_load %arg14[%swap3A_463] {strides = array<i32>} : memref<128xi32, #tpu.memory_space<vmem>>, vector<16xi32>,
      tpu.vector_store %arg14[%swap3A_463], %shift_right_logical3A_462 {strides = array<i32>} : memref<128xi32, #tpu.memory_space<vmem>>, vector<16xi32>,
      %get3A_465 = arith.index_cast %min3A_386 : i32 to index
      %get3A_466 = arith.constant 96 : index
      %get3A_467 = tpu.vector_load %arg6[%get3A_465, %get3A_466] {strides = array<i32>} : memref<80x128xi32, #tpu.memory_space<vmem>>, vector<16xi32>,
      %and3A_468 = arith.constant 65535 : i32
      %and3A_469 = vector.broadcast %and3A_468 : i32 to vector<16xi32>
      %and3A_470 = arith.andi %get3A_467, %and3A_469 : vector<16xi32>
      %swap3A_471 = arith.constant 96 : index
      %swap3A_472 = tpu.vector_load %arg10[%swap3A_471] {strides = array<i32>} : memref<128xi32, #tpu.memory_space<vmem>>, vector<16xi32>,
      tpu.vector_store %arg10[%swap3A_471], %and3A_470 {strides = array<i32>} : memref<128xi32, #tpu.memory_space<vmem>>, vector<16xi32>,
      %shift_right_logical3A_473 = arith.constant 16 : i32
      %shift_right_logical3A_474 = vector.broadcast %shift_right_logical3A_473 : i32 to vector<16xi32>
      %shift_right_logical3A_475 = arith.shrui %get3A_467, %shift_right_logical3A_474 : vector<16xi32>
      %swap3A_476 = arith.constant 96 : index
      %swap3A_477 = tpu.vector_load %arg14[%swap3A_476] {strides = array<i32>} : memref<128xi32, #tpu.memory_space<vmem>>, vector<16xi32>,
      tpu.vector_store %arg14[%swap3A_476], %shift_right_logical3A_475 {strides = array<i32>} : memref<128xi32, #tpu.memory_space<vmem>>, vector<16xi32>,
      %get3A_478 = arith.index_cast %min3A_386 : i32 to index
      %get3A_479 = arith.constant 112 : index
      %get3A_480 = tpu.vector_load %arg6[%get3A_478, %get3A_479] {strides = array<i32>} : memref<80x128xi32, #tpu.memory_space<vmem>>, vector<16xi32>,
      %and3A_481 = arith.constant 65535 : i32
      %and3A_482 = vector.broadcast %and3A_481 : i32 to vector<16xi32>
      %and3A_483 = arith.andi %get3A_480, %and3A_482 : vector<16xi32>
      %swap3A_484 = arith.constant 112 : index
      %swap3A_485 = tpu.vector_load %arg10[%swap3A_484] {strides = array<i32>} : memref<128xi32, #tpu.memory_space<vmem>>, vector<16xi32>,
      tpu.vector_store %arg10[%swap3A_484], %and3A_483 {strides = array<i32>} : memref<128xi32, #tpu.memory_space<vmem>>, vector<16xi32>,
      %shift_right_logical3A_486 = arith.constant 16 : i32
      %shift_right_logical3A_487 = vector.broadcast %shift_right_logical3A_486 : i32 to vector<16xi32>
      %shift_right_logical3A_488 = arith.shrui %get3A_480, %shift_right_logical3A_487 : vector<16xi32>
      %swap3A_489 = arith.constant 112 : index
      %swap3A_490 = tpu.vector_load %arg14[%swap3A_489] {strides = array<i32>} : memref<128xi32, #tpu.memory_space<vmem>>, vector<16xi32>,
      tpu.vector_store %arg14[%swap3A_489], %shift_right_logical3A_488 {strides = array<i32>} : memref<128xi32, #tpu.memory_space<vmem>>, vector<16xi32>,
      %add3A_491 = arith.constant 2 : i32
      %add3A_492 = arith.addi %mul3A_239, %add3A_491 : i32
      %dma_wait3A_493 = arith.constant 0 : i32
      %dma_wait3A_494 = arith.constant 0 : i32
      %dma_wait3A_495 = tpu.memref_slice %arg2[%dma_wait3A_493, %dma_wait3A_494] : memref<10112x128xf32, #tpu.memory_space<hbm>> -> memref<10112x128xf32, #tpu.memory_space<hbm>>
      tpu.wait_indirect_dma semaphore(%arg18 : memref<!tpu.dma_semaphore, #tpu.memory_space<semaphore_mem>>) src(%dma_wait3A_495 : memref<10112x128xf32, #tpu.memory_space<hbm>>) dst(%arg15 : memref<128x128xf32, #tpu.memory_space<vmem>>)
      %ge3A_496 = arith.constant 1 : i32
      %ge3A_497 = arith.cmpi sge, %add3A_492, %ge3A_496 : i32
      %convert_element_type3A_498 = arith.extui %ge3A_497 : i1 to i32
      %cond3A_499 = arith.constant 0 : i32
      %cond3A_500 = arith.cmpi ne, %convert_element_type3A_498, %cond3A_499 : i32
      scf.if %cond3A_500 {
        %dma_wait3A_747 = arith.constant 0 : i32
        %dma_wait3A_748 = arith.constant 0 : i32
        %dma_wait3A_749 = tpu.memref_slice %arg17[%dma_wait3A_747, %dma_wait3A_748] : memref<10112x128xf32, #tpu.memory_space<vmem_shared>> -> memref<10112x128xf32, #tpu.memory_space<vmem_shared>>
        tpu.wait_indirect_dma semaphore(%arg21 : memref<!tpu.dma_semaphore, #tpu.memory_space<semaphore_mem>>) src(%arg16 : memref<128x128xf32, #tpu.memory_space<vmem>>) dst(%dma_wait3A_749 : memref<10112x128xf32, #tpu.memory_space<vmem_shared>>)
      } else {
      }
      %add3A_501 = arith.constant 1 : i32
      %add3A_502 = arith.addi %add3A_492, %add3A_501 : i32
      %lt3A_503 = arith.constant 80 : i32
      %lt3A_504 = arith.cmpi slt, %add3A_502, %lt3A_503 : i32
      %convert_element_type3A_505 = arith.extui %lt3A_504 : i1 to i32
      %cond3A_506 = arith.constant 0 : i32
      %cond3A_507 = arith.cmpi ne, %convert_element_type3A_505, %cond3A_506 : i32
      scf.if %cond3A_507 {
        %dma_start3A_747 = arith.constant 0 : i32
        %dma_start3A_748 = arith.constant 0 : i32
        %dma_start3A_749 = tpu.memref_slice %arg2[%dma_start3A_747, %dma_start3A_748] : memref<10112x128xf32, #tpu.memory_space<hbm>> -> memref<10112x128xf32, #tpu.memory_space<hbm>>
        tpu.enqueue_indirect_dma source(%dma_start3A_749 : memref<10112x128xf32, #tpu.memory_space<hbm>>) target(%arg16 : memref<128x128xf32, #tpu.memory_space<vmem>>) offsets(%arg10 : memref<128xi32, #tpu.memory_space<vmem>>) semaphore(%arg19 : memref<!tpu.dma_semaphore, #tpu.memory_space<semaphore_mem>>)
      } else {
      }
      %dma_start3A_508 = arith.constant 0 : i32
      %dma_start3A_509 = arith.constant 0 : i32
      %dma_start3A_510 = tpu.memref_slice %arg17[%dma_start3A_508, %dma_start3A_509] : memref<10112x128xf32, #tpu.memory_space<vmem_shared>> -> memref<10112x128xf32, #tpu.memory_space<vmem_shared>>
      tpu.enqueue_indirect_dma source(%arg15 : memref<128x128xf32, #tpu.memory_space<vmem>>) target(%dma_start3A_510 : memref<10112x128xf32, #tpu.memory_space<vmem_shared>>) offsets(%arg13 : memref<128xi32, #tpu.memory_space<vmem>>) semaphore(%arg20 : memref<!tpu.dma_semaphore, #tpu.memory_space<semaphore_mem>>) {add = true}
      %add3A_511 = arith.constant 2 : i32
      %add3A_512 = arith.addi %add3A_492, %add3A_511 : i32
      %min3A_513 = arith.constant 79 : i32
      %min3A_514 = arith.minsi %add3A_512, %min3A_513 : i32
      %get3A_515 = arith.index_cast %min3A_514 : i32 to index
      %get3A_516 = arith.constant 0 : index
      %get3A_517 = tpu.vector_load %arg6[%get3A_515, %get3A_516] {strides = array<i32>} : memref<80x128xi32, #tpu.memory_space<vmem>>, vector<16xi32>,
      %and3A_518 = arith.constant 65535 : i32
      %and3A_519 = vector.broadcast %and3A_518 : i32 to vector<16xi32>
      %and3A_520 = arith.andi %get3A_517, %and3A_519 : vector<16xi32>
      %swap3A_521 = arith.constant 0 : index
      %swap3A_522 = tpu.vector_load %arg7[%swap3A_521] {strides = array<i32>} : memref<128xi32, #tpu.memory_space<vmem>>, vector<16xi32>,
      tpu.vector_store %arg7[%swap3A_521], %and3A_520 {strides = array<i32>} : memref<128xi32, #tpu.memory_space<vmem>>, vector<16xi32>,
      %shift_right_logical3A_523 = arith.constant 16 : i32
      %shift_right_logical3A_524 = vector.broadcast %shift_right_logical3A_523 : i32 to vector<16xi32>
      %shift_right_logical3A_525 = arith.shrui %get3A_517, %shift_right_logical3A_524 : vector<16xi32>
      %swap3A_526 = arith.constant 0 : index
      %swap3A_527 = tpu.vector_load %arg11[%swap3A_526] {strides = array<i32>} : memref<128xi32, #tpu.memory_space<vmem>>, vector<16xi32>,
      tpu.vector_store %arg11[%swap3A_526], %shift_right_logical3A_525 {strides = array<i32>} : memref<128xi32, #tpu.memory_space<vmem>>, vector<16xi32>,
      %get3A_528 = arith.index_cast %min3A_514 : i32 to index
      %get3A_529 = arith.constant 16 : index
      %get3A_530 = tpu.vector_load %arg6[%get3A_528, %get3A_529] {strides = array<i32>} : memref<80x128xi32, #tpu.memory_space<vmem>>, vector<16xi32>,
      %and3A_531 = arith.constant 65535 : i32
      %and3A_532 = vector.broadcast %and3A_531 : i32 to vector<16xi32>
      %and3A_533 = arith.andi %get3A_530, %and3A_532 : vector<16xi32>
      %swap3A_534 = arith.constant 16 : index
      %swap3A_535 = tpu.vector_load %arg7[%swap3A_534] {strides = array<i32>} : memref<128xi32, #tpu.memory_space<vmem>>, vector<16xi32>,
      tpu.vector_store %arg7[%swap3A_534], %and3A_533 {strides = array<i32>} : memref<128xi32, #tpu.memory_space<vmem>>, vector<16xi32>,
      %shift_right_logical3A_536 = arith.constant 16 : i32
      %shift_right_logical3A_537 = vector.broadcast %shift_right_logical3A_536 : i32 to vector<16xi32>
      %shift_right_logical3A_538 = arith.shrui %get3A_530, %shift_right_logical3A_537 : vector<16xi32>
      %swap3A_539 = arith.constant 16 : index
      %swap3A_540 = tpu.vector_load %arg11[%swap3A_539] {strides = array<i32>} : memref<128xi32, #tpu.memory_space<vmem>>, vector<16xi32>,
      tpu.vector_store %arg11[%swap3A_539], %shift_right_logical3A_538 {strides = array<i32>} : memref<128xi32, #tpu.memory_space<vmem>>, vector<16xi32>,
      %get3A_541 = arith.index_cast %min3A_514 : i32 to index
      %get3A_542 = arith.constant 32 : index
      %get3A_543 = tpu.vector_load %arg6[%get3A_541, %get3A_542] {strides = array<i32>} : memref<80x128xi32, #tpu.memory_space<vmem>>, vector<16xi32>,
      %and3A_544 = arith.constant 65535 : i32
      %and3A_545 = vector.broadcast %and3A_544 : i32 to vector<16xi32>
      %and3A_546 = arith.andi %get3A_543, %and3A_545 : vector<16xi32>
      %swap3A_547 = arith.constant 32 : index
      %swap3A_548 = tpu.vector_load %arg7[%swap3A_547] {strides = array<i32>} : memref<128xi32, #tpu.memory_space<vmem>>, vector<16xi32>,
      tpu.vector_store %arg7[%swap3A_547], %and3A_546 {strides = array<i32>} : memref<128xi32, #tpu.memory_space<vmem>>, vector<16xi32>,
      %shift_right_logical3A_549 = arith.constant 16 : i32
      %shift_right_logical3A_550 = vector.broadcast %shift_right_logical3A_549 : i32 to vector<16xi32>
      %shift_right_logical3A_551 = arith.shrui %get3A_543, %shift_right_logical3A_550 : vector<16xi32>
      %swap3A_552 = arith.constant 32 : index
      %swap3A_553 = tpu.vector_load %arg11[%swap3A_552] {strides = array<i32>} : memref<128xi32, #tpu.memory_space<vmem>>, vector<16xi32>,
      tpu.vector_store %arg11[%swap3A_552], %shift_right_logical3A_551 {strides = array<i32>} : memref<128xi32, #tpu.memory_space<vmem>>, vector<16xi32>,
      %get3A_554 = arith.index_cast %min3A_514 : i32 to index
      %get3A_555 = arith.constant 48 : index
      %get3A_556 = tpu.vector_load %arg6[%get3A_554, %get3A_555] {strides = array<i32>} : memref<80x128xi32, #tpu.memory_space<vmem>>, vector<16xi32>,
      %and3A_557 = arith.constant 65535 : i32
      %and3A_558 = vector.broadcast %and3A_557 : i32 to vector<16xi32>
      %and3A_559 = arith.andi %get3A_556, %and3A_558 : vector<16xi32>
      %swap3A_560 = arith.constant 48 : index
      %swap3A_561 = tpu.vector_load %arg7[%swap3A_560] {strides = array<i32>} : memref<128xi32, #tpu.memory_space<vmem>>, vector<16xi32>,
      tpu.vector_store %arg7[%swap3A_560], %and3A_559 {strides = array<i32>} : memref<128xi32, #tpu.memory_space<vmem>>, vector<16xi32>,
      %shift_right_logical3A_562 = arith.constant 16 : i32
      %shift_right_logical3A_563 = vector.broadcast %shift_right_logical3A_562 : i32 to vector<16xi32>
      %shift_right_logical3A_564 = arith.shrui %get3A_556, %shift_right_logical3A_563 : vector<16xi32>
      %swap3A_565 = arith.constant 48 : index
      %swap3A_566 = tpu.vector_load %arg11[%swap3A_565] {strides = array<i32>} : memref<128xi32, #tpu.memory_space<vmem>>, vector<16xi32>,
      tpu.vector_store %arg11[%swap3A_565], %shift_right_logical3A_564 {strides = array<i32>} : memref<128xi32, #tpu.memory_space<vmem>>, vector<16xi32>,
      %get3A_567 = arith.index_cast %min3A_514 : i32 to index
      %get3A_568 = arith.constant 64 : index
      %get3A_569 = tpu.vector_load %arg6[%get3A_567, %get3A_568] {strides = array<i32>} : memref<80x128xi32, #tpu.memory_space<vmem>>, vector<16xi32>,
      %and3A_570 = arith.constant 65535 : i32
      %and3A_571 = vector.broadcast %and3A_570 : i32 to vector<16xi32>
      %and3A_572 = arith.andi %get3A_569, %and3A_571 : vector<16xi32>
      %swap3A_573 = arith.constant 64 : index
      %swap3A_574 = tpu.vector_load %arg7[%swap3A_573] {strides = array<i32>} : memref<128xi32, #tpu.memory_space<vmem>>, vector<16xi32>,
      tpu.vector_store %arg7[%swap3A_573], %and3A_572 {strides = array<i32>} : memref<128xi32, #tpu.memory_space<vmem>>, vector<16xi32>,
      %shift_right_logical3A_575 = arith.constant 16 : i32
      %shift_right_logical3A_576 = vector.broadcast %shift_right_logical3A_575 : i32 to vector<16xi32>
      %shift_right_logical3A_577 = arith.shrui %get3A_569, %shift_right_logical3A_576 : vector<16xi32>
      %swap3A_578 = arith.constant 64 : index
      %swap3A_579 = tpu.vector_load %arg11[%swap3A_578] {strides = array<i32>} : memref<128xi32, #tpu.memory_space<vmem>>, vector<16xi32>,
      tpu.vector_store %arg11[%swap3A_578], %shift_right_logical3A_577 {strides = array<i32>} : memref<128xi32, #tpu.memory_space<vmem>>, vector<16xi32>,
      %get3A_580 = arith.index_cast %min3A_514 : i32 to index
      %get3A_581 = arith.constant 80 : index
      %get3A_582 = tpu.vector_load %arg6[%get3A_580, %get3A_581] {strides = array<i32>} : memref<80x128xi32, #tpu.memory_space<vmem>>, vector<16xi32>,
      %and3A_583 = arith.constant 65535 : i32
      %and3A_584 = vector.broadcast %and3A_583 : i32 to vector<16xi32>
      %and3A_585 = arith.andi %get3A_582, %and3A_584 : vector<16xi32>
      %swap3A_586 = arith.constant 80 : index
      %swap3A_587 = tpu.vector_load %arg7[%swap3A_586] {strides = array<i32>} : memref<128xi32, #tpu.memory_space<vmem>>, vector<16xi32>,
      tpu.vector_store %arg7[%swap3A_586], %and3A_585 {strides = array<i32>} : memref<128xi32, #tpu.memory_space<vmem>>, vector<16xi32>,
      %shift_right_logical3A_588 = arith.constant 16 : i32
      %shift_right_logical3A_589 = vector.broadcast %shift_right_logical3A_588 : i32 to vector<16xi32>
      %shift_right_logical3A_590 = arith.shrui %get3A_582, %shift_right_logical3A_589 : vector<16xi32>
      %swap3A_591 = arith.constant 80 : index
      %swap3A_592 = tpu.vector_load %arg11[%swap3A_591] {strides = array<i32>} : memref<128xi32, #tpu.memory_space<vmem>>, vector<16xi32>,
      tpu.vector_store %arg11[%swap3A_591], %shift_right_logical3A_590 {strides = array<i32>} : memref<128xi32, #tpu.memory_space<vmem>>, vector<16xi32>,
      %get3A_593 = arith.index_cast %min3A_514 : i32 to index
      %get3A_594 = arith.constant 96 : index
      %get3A_595 = tpu.vector_load %arg6[%get3A_593, %get3A_594] {strides = array<i32>} : memref<80x128xi32, #tpu.memory_space<vmem>>, vector<16xi32>,
      %and3A_596 = arith.constant 65535 : i32
      %and3A_597 = vector.broadcast %and3A_596 : i32 to vector<16xi32>
      %and3A_598 = arith.andi %get3A_595, %and3A_597 : vector<16xi32>
      %swap3A_599 = arith.constant 96 : index
      %swap3A_600 = tpu.vector_load %arg7[%swap3A_599] {strides = array<i32>} : memref<128xi32, #tpu.memory_space<vmem>>, vector<16xi32>,
      tpu.vector_store %arg7[%swap3A_599], %and3A_598 {strides = array<i32>} : memref<128xi32, #tpu.memory_space<vmem>>, vector<16xi32>,
      %shift_right_logical3A_601 = arith.constant 16 : i32
      %shift_right_logical3A_602 = vector.broadcast %shift_right_logical3A_601 : i32 to vector<16xi32>
      %shift_right_logical3A_603 = arith.shrui %get3A_595, %shift_right_logical3A_602 : vector<16xi32>
      %swap3A_604 = arith.constant 96 : index
      %swap3A_605 = tpu.vector_load %arg11[%swap3A_604] {strides = array<i32>} : memref<128xi32, #tpu.memory_space<vmem>>, vector<16xi32>,
      tpu.vector_store %arg11[%swap3A_604], %shift_right_logical3A_603 {strides = array<i32>} : memref<128xi32, #tpu.memory_space<vmem>>, vector<16xi32>,
      %get3A_606 = arith.index_cast %min3A_514 : i32 to index
      %get3A_607 = arith.constant 112 : index
      %get3A_608 = tpu.vector_load %arg6[%get3A_606, %get3A_607] {strides = array<i32>} : memref<80x128xi32, #tpu.memory_space<vmem>>, vector<16xi32>,
      %and3A_609 = arith.constant 65535 : i32
      %and3A_610 = vector.broadcast %and3A_609 : i32 to vector<16xi32>
      %and3A_611 = arith.andi %get3A_608, %and3A_610 : vector<16xi32>
      %swap3A_612 = arith.constant 112 : index
      %swap3A_613 = tpu.vector_load %arg7[%swap3A_612] {strides = array<i32>} : memref<128xi32, #tpu.memory_space<vmem>>, vector<16xi32>,
      tpu.vector_store %arg7[%swap3A_612], %and3A_611 {strides = array<i32>} : memref<128xi32, #tpu.memory_space<vmem>>, vector<16xi32>,
      %shift_right_logical3A_614 = arith.constant 16 : i32
      %shift_right_logical3A_615 = vector.broadcast %shift_right_logical3A_614 : i32 to vector<16xi32>
      %shift_right_logical3A_616 = arith.shrui %get3A_608, %shift_right_logical3A_615 : vector<16xi32>
      %swap3A_617 = arith.constant 112 : index
      %swap3A_618 = tpu.vector_load %arg11[%swap3A_617] {strides = array<i32>} : memref<128xi32, #tpu.memory_space<vmem>>, vector<16xi32>,
      tpu.vector_store %arg11[%swap3A_617], %shift_right_logical3A_616 {strides = array<i32>} : memref<128xi32, #tpu.memory_space<vmem>>, vector<16xi32>,
      %add3A_619 = arith.constant 3 : i32
      %add3A_620 = arith.addi %mul3A_239, %add3A_619 : i32
      %dma_wait3A_621 = arith.constant 0 : i32
      %dma_wait3A_622 = arith.constant 0 : i32
      %dma_wait3A_623 = tpu.memref_slice %arg2[%dma_wait3A_621, %dma_wait3A_622] : memref<10112x128xf32, #tpu.memory_space<hbm>> -> memref<10112x128xf32, #tpu.memory_space<hbm>>
      tpu.wait_indirect_dma semaphore(%arg19 : memref<!tpu.dma_semaphore, #tpu.memory_space<semaphore_mem>>) src(%dma_wait3A_623 : memref<10112x128xf32, #tpu.memory_space<hbm>>) dst(%arg16 : memref<128x128xf32, #tpu.memory_space<vmem>>)
      %ge3A_624 = arith.constant 1 : i32
      %ge3A_625 = arith.cmpi sge, %add3A_620, %ge3A_624 : i32
      %convert_element_type3A_626 = arith.extui %ge3A_625 : i1 to i32
      %cond3A_627 = arith.constant 0 : i32
      %cond3A_628 = arith.cmpi ne, %convert_element_type3A_626, %cond3A_627 : i32
      scf.if %cond3A_628 {
        %dma_wait3A_747 = arith.constant 0 : i32
        %dma_wait3A_748 = arith.constant 0 : i32
        %dma_wait3A_749 = tpu.memref_slice %arg17[%dma_wait3A_747, %dma_wait3A_748] : memref<10112x128xf32, #tpu.memory_space<vmem_shared>> -> memref<10112x128xf32, #tpu.memory_space<vmem_shared>>
        tpu.wait_indirect_dma semaphore(%arg20 : memref<!tpu.dma_semaphore, #tpu.memory_space<semaphore_mem>>) src(%arg15 : memref<128x128xf32, #tpu.memory_space<vmem>>) dst(%dma_wait3A_749 : memref<10112x128xf32, #tpu.memory_space<vmem_shared>>)
      } else {
      }
      %add3A_629 = arith.constant 1 : i32
      %add3A_630 = arith.addi %add3A_620, %add3A_629 : i32
      %lt3A_631 = arith.constant 80 : i32
      %lt3A_632 = arith.cmpi slt, %add3A_630, %lt3A_631 : i32
      %convert_element_type3A_633 = arith.extui %lt3A_632 : i1 to i32
      %cond3A_634 = arith.constant 0 : i32
      %cond3A_635 = arith.cmpi ne, %convert_element_type3A_633, %cond3A_634 : i32
      scf.if %cond3A_635 {
        %dma_start3A_747 = arith.constant 0 : i32
        %dma_start3A_748 = arith.constant 0 : i32
        %dma_start3A_749 = tpu.memref_slice %arg2[%dma_start3A_747, %dma_start3A_748] : memref<10112x128xf32, #tpu.memory_space<hbm>> -> memref<10112x128xf32, #tpu.memory_space<hbm>>
        tpu.enqueue_indirect_dma source(%dma_start3A_749 : memref<10112x128xf32, #tpu.memory_space<hbm>>) target(%arg15 : memref<128x128xf32, #tpu.memory_space<vmem>>) offsets(%arg7 : memref<128xi32, #tpu.memory_space<vmem>>) semaphore(%arg18 : memref<!tpu.dma_semaphore, #tpu.memory_space<semaphore_mem>>)
      } else {
      }
      %dma_start3A_636 = arith.constant 0 : i32
      %dma_start3A_637 = arith.constant 0 : i32
      %dma_start3A_638 = tpu.memref_slice %arg17[%dma_start3A_636, %dma_start3A_637] : memref<10112x128xf32, #tpu.memory_space<vmem_shared>> -> memref<10112x128xf32, #tpu.memory_space<vmem_shared>>
      tpu.enqueue_indirect_dma source(%arg16 : memref<128x128xf32, #tpu.memory_space<vmem>>) target(%dma_start3A_638 : memref<10112x128xf32, #tpu.memory_space<vmem_shared>>) offsets(%arg14 : memref<128xi32, #tpu.memory_space<vmem>>) semaphore(%arg21 : memref<!tpu.dma_semaphore, #tpu.memory_space<semaphore_mem>>) {add = true}
      %add3A_639 = arith.constant 2 : i32
      %add3A_640 = arith.addi %add3A_620, %add3A_639 : i32
      %min3A_641 = arith.constant 79 : i32
      %min3A_642 = arith.minsi %add3A_640, %min3A_641 : i32
      %get3A_643 = arith.index_cast %min3A_642 : i32 to index
      %get3A_644 = arith.constant 0 : index
      %get3A_645 = tpu.vector_load %arg6[%get3A_643, %get3A_644] {strides = array<i32>} : memref<80x128xi32, #tpu.memory_space<vmem>>, vector<16xi32>,
      %and3A_646 = arith.constant 65535 : i32
      %and3A_647 = vector.broadcast %and3A_646 : i32 to vector<16xi32>
      %and3A_648 = arith.andi %get3A_645, %and3A_647 : vector<16xi32>
      %swap3A_649 = arith.constant 0 : index
      %swap3A_650 = tpu.vector_load %arg8[%swap3A_649] {strides = array<i32>} : memref<128xi32, #tpu.memory_space<vmem>>, vector<16xi32>,
      tpu.vector_store %arg8[%swap3A_649], %and3A_648 {strides = array<i32>} : memref<128xi32, #tpu.memory_space<vmem>>, vector<16xi32>,
      %shift_right_logical3A_651 = arith.constant 16 : i32
      %shift_right_logical3A_652 = vector.broadcast %shift_right_logical3A_651 : i32 to vector<16xi32>
      %shift_right_logical3A_653 = arith.shrui %get3A_645, %shift_right_logical3A_652 : vector<16xi32>
      %swap3A_654 = arith.constant 0 : index
      %swap3A_655 = tpu.vector_load %arg12[%swap3A_654] {strides = array<i32>} : memref<128xi32, #tpu.memory_space<vmem>>, vector<16xi32>,
      tpu.vector_store %arg12[%swap3A_654], %shift_right_logical3A_653 {strides = array<i32>} : memref<128xi32, #tpu.memory_space<vmem>>, vector<16xi32>,
      %get3A_656 = arith.index_cast %min3A_642 : i32 to index
      %get3A_657 = arith.constant 16 : index
      %get3A_658 = tpu.vector_load %arg6[%get3A_656, %get3A_657] {strides = array<i32>} : memref<80x128xi32, #tpu.memory_space<vmem>>, vector<16xi32>,
      %and3A_659 = arith.constant 65535 : i32
      %and3A_660 = vector.broadcast %and3A_659 : i32 to vector<16xi32>
      %and3A_661 = arith.andi %get3A_658, %and3A_660 : vector<16xi32>
      %swap3A_662 = arith.constant 16 : index
      %swap3A_663 = tpu.vector_load %arg8[%swap3A_662] {strides = array<i32>} : memref<128xi32, #tpu.memory_space<vmem>>, vector<16xi32>,
      tpu.vector_store %arg8[%swap3A_662], %and3A_661 {strides = array<i32>} : memref<128xi32, #tpu.memory_space<vmem>>, vector<16xi32>,
      %shift_right_logical3A_664 = arith.constant 16 : i32
      %shift_right_logical3A_665 = vector.broadcast %shift_right_logical3A_664 : i32 to vector<16xi32>
      %shift_right_logical3A_666 = arith.shrui %get3A_658, %shift_right_logical3A_665 : vector<16xi32>
      %swap3A_667 = arith.constant 16 : index
      %swap3A_668 = tpu.vector_load %arg12[%swap3A_667] {strides = array<i32>} : memref<128xi32, #tpu.memory_space<vmem>>, vector<16xi32>,
      tpu.vector_store %arg12[%swap3A_667], %shift_right_logical3A_666 {strides = array<i32>} : memref<128xi32, #tpu.memory_space<vmem>>, vector<16xi32>,
      %get3A_669 = arith.index_cast %min3A_642 : i32 to index
      %get3A_670 = arith.constant 32 : index
      %get3A_671 = tpu.vector_load %arg6[%get3A_669, %get3A_670] {strides = array<i32>} : memref<80x128xi32, #tpu.memory_space<vmem>>, vector<16xi32>,
      %and3A_672 = arith.constant 65535 : i32
      %and3A_673 = vector.broadcast %and3A_672 : i32 to vector<16xi32>
      %and3A_674 = arith.andi %get3A_671, %and3A_673 : vector<16xi32>
      %swap3A_675 = arith.constant 32 : index
      %swap3A_676 = tpu.vector_load %arg8[%swap3A_675] {strides = array<i32>} : memref<128xi32, #tpu.memory_space<vmem>>, vector<16xi32>,
      tpu.vector_store %arg8[%swap3A_675], %and3A_674 {strides = array<i32>} : memref<128xi32, #tpu.memory_space<vmem>>, vector<16xi32>,
      %shift_right_logical3A_677 = arith.constant 16 : i32
      %shift_right_logical3A_678 = vector.broadcast %shift_right_logical3A_677 : i32 to vector<16xi32>
      %shift_right_logical3A_679 = arith.shrui %get3A_671, %shift_right_logical3A_678 : vector<16xi32>
      %swap3A_680 = arith.constant 32 : index
      %swap3A_681 = tpu.vector_load %arg12[%swap3A_680] {strides = array<i32>} : memref<128xi32, #tpu.memory_space<vmem>>, vector<16xi32>,
      tpu.vector_store %arg12[%swap3A_680], %shift_right_logical3A_679 {strides = array<i32>} : memref<128xi32, #tpu.memory_space<vmem>>, vector<16xi32>,
      %get3A_682 = arith.index_cast %min3A_642 : i32 to index
      %get3A_683 = arith.constant 48 : index
      %get3A_684 = tpu.vector_load %arg6[%get3A_682, %get3A_683] {strides = array<i32>} : memref<80x128xi32, #tpu.memory_space<vmem>>, vector<16xi32>,
      %and3A_685 = arith.constant 65535 : i32
      %and3A_686 = vector.broadcast %and3A_685 : i32 to vector<16xi32>
      %and3A_687 = arith.andi %get3A_684, %and3A_686 : vector<16xi32>
      %swap3A_688 = arith.constant 48 : index
      %swap3A_689 = tpu.vector_load %arg8[%swap3A_688] {strides = array<i32>} : memref<128xi32, #tpu.memory_space<vmem>>, vector<16xi32>,
      tpu.vector_store %arg8[%swap3A_688], %and3A_687 {strides = array<i32>} : memref<128xi32, #tpu.memory_space<vmem>>, vector<16xi32>,
      %shift_right_logical3A_690 = arith.constant 16 : i32
      %shift_right_logical3A_691 = vector.broadcast %shift_right_logical3A_690 : i32 to vector<16xi32>
      %shift_right_logical3A_692 = arith.shrui %get3A_684, %shift_right_logical3A_691 : vector<16xi32>
      %swap3A_693 = arith.constant 48 : index
      %swap3A_694 = tpu.vector_load %arg12[%swap3A_693] {strides = array<i32>} : memref<128xi32, #tpu.memory_space<vmem>>, vector<16xi32>,
      tpu.vector_store %arg12[%swap3A_693], %shift_right_logical3A_692 {strides = array<i32>} : memref<128xi32, #tpu.memory_space<vmem>>, vector<16xi32>,
      %get3A_695 = arith.index_cast %min3A_642 : i32 to index
      %get3A_696 = arith.constant 64 : index
      %get3A_697 = tpu.vector_load %arg6[%get3A_695, %get3A_696] {strides = array<i32>} : memref<80x128xi32, #tpu.memory_space<vmem>>, vector<16xi32>,
      %and3A_698 = arith.constant 65535 : i32
      %and3A_699 = vector.broadcast %and3A_698 : i32 to vector<16xi32>
      %and3A_700 = arith.andi %get3A_697, %and3A_699 : vector<16xi32>
      %swap3A_701 = arith.constant 64 : index
      %swap3A_702 = tpu.vector_load %arg8[%swap3A_701] {strides = array<i32>} : memref<128xi32, #tpu.memory_space<vmem>>, vector<16xi32>,
      tpu.vector_store %arg8[%swap3A_701], %and3A_700 {strides = array<i32>} : memref<128xi32, #tpu.memory_space<vmem>>, vector<16xi32>,
      %shift_right_logical3A_703 = arith.constant 16 : i32
      %shift_right_logical3A_704 = vector.broadcast %shift_right_logical3A_703 : i32 to vector<16xi32>
      %shift_right_logical3A_705 = arith.shrui %get3A_697, %shift_right_logical3A_704 : vector<16xi32>
      %swap3A_706 = arith.constant 64 : index
      %swap3A_707 = tpu.vector_load %arg12[%swap3A_706] {strides = array<i32>} : memref<128xi32, #tpu.memory_space<vmem>>, vector<16xi32>,
      tpu.vector_store %arg12[%swap3A_706], %shift_right_logical3A_705 {strides = array<i32>} : memref<128xi32, #tpu.memory_space<vmem>>, vector<16xi32>,
      %get3A_708 = arith.index_cast %min3A_642 : i32 to index
      %get3A_709 = arith.constant 80 : index
      %get3A_710 = tpu.vector_load %arg6[%get3A_708, %get3A_709] {strides = array<i32>} : memref<80x128xi32, #tpu.memory_space<vmem>>, vector<16xi32>,
      %and3A_711 = arith.constant 65535 : i32
      %and3A_712 = vector.broadcast %and3A_711 : i32 to vector<16xi32>
      %and3A_713 = arith.andi %get3A_710, %and3A_712 : vector<16xi32>
      %swap3A_714 = arith.constant 80 : index
      %swap3A_715 = tpu.vector_load %arg8[%swap3A_714] {strides = array<i32>} : memref<128xi32, #tpu.memory_space<vmem>>, vector<16xi32>,
      tpu.vector_store %arg8[%swap3A_714], %and3A_713 {strides = array<i32>} : memref<128xi32, #tpu.memory_space<vmem>>, vector<16xi32>,
      %shift_right_logical3A_716 = arith.constant 16 : i32
      %shift_right_logical3A_717 = vector.broadcast %shift_right_logical3A_716 : i32 to vector<16xi32>
      %shift_right_logical3A_718 = arith.shrui %get3A_710, %shift_right_logical3A_717 : vector<16xi32>
      %swap3A_719 = arith.constant 80 : index
      %swap3A_720 = tpu.vector_load %arg12[%swap3A_719] {strides = array<i32>} : memref<128xi32, #tpu.memory_space<vmem>>, vector<16xi32>,
      tpu.vector_store %arg12[%swap3A_719], %shift_right_logical3A_718 {strides = array<i32>} : memref<128xi32, #tpu.memory_space<vmem>>, vector<16xi32>,
      %get3A_721 = arith.index_cast %min3A_642 : i32 to index
      %get3A_722 = arith.constant 96 : index
      %get3A_723 = tpu.vector_load %arg6[%get3A_721, %get3A_722] {strides = array<i32>} : memref<80x128xi32, #tpu.memory_space<vmem>>, vector<16xi32>,
      %and3A_724 = arith.constant 65535 : i32
      %and3A_725 = vector.broadcast %and3A_724 : i32 to vector<16xi32>
      %and3A_726 = arith.andi %get3A_723, %and3A_725 : vector<16xi32>
      %swap3A_727 = arith.constant 96 : index
      %swap3A_728 = tpu.vector_load %arg8[%swap3A_727] {strides = array<i32>} : memref<128xi32, #tpu.memory_space<vmem>>, vector<16xi32>,
      tpu.vector_store %arg8[%swap3A_727], %and3A_726 {strides = array<i32>} : memref<128xi32, #tpu.memory_space<vmem>>, vector<16xi32>,
      %shift_right_logical3A_729 = arith.constant 16 : i32
      %shift_right_logical3A_730 = vector.broadcast %shift_right_logical3A_729 : i32 to vector<16xi32>
      %shift_right_logical3A_731 = arith.shrui %get3A_723, %shift_right_logical3A_730 : vector<16xi32>
      %swap3A_732 = arith.constant 96 : index
      %swap3A_733 = tpu.vector_load %arg12[%swap3A_732] {strides = array<i32>} : memref<128xi32, #tpu.memory_space<vmem>>, vector<16xi32>,
      tpu.vector_store %arg12[%swap3A_732], %shift_right_logical3A_731 {strides = array<i32>} : memref<128xi32, #tpu.memory_space<vmem>>, vector<16xi32>,
      %get3A_734 = arith.index_cast %min3A_642 : i32 to index
      %get3A_735 = arith.constant 112 : index
      %get3A_736 = tpu.vector_load %arg6[%get3A_734, %get3A_735] {strides = array<i32>} : memref<80x128xi32, #tpu.memory_space<vmem>>, vector<16xi32>,
      %and3A_737 = arith.constant 65535 : i32
      %and3A_738 = vector.broadcast %and3A_737 : i32 to vector<16xi32>
      %and3A_739 = arith.andi %get3A_736, %and3A_738 : vector<16xi32>
      %swap3A_740 = arith.constant 112 : index
      %swap3A_741 = tpu.vector_load %arg8[%swap3A_740] {strides = array<i32>} : memref<128xi32, #tpu.memory_space<vmem>>, vector<16xi32>,
      tpu.vector_store %arg8[%swap3A_740], %and3A_739 {strides = array<i32>} : memref<128xi32, #tpu.memory_space<vmem>>, vector<16xi32>,
      %shift_right_logical3A_742 = arith.constant 16 : i32
      %shift_right_logical3A_743 = vector.broadcast %shift_right_logical3A_742 : i32 to vector<16xi32>
      %shift_right_logical3A_744 = arith.shrui %get3A_736, %shift_right_logical3A_743 : vector<16xi32>
      %swap3A_745 = arith.constant 112 : index
      %swap3A_746 = tpu.vector_load %arg12[%swap3A_745] {strides = array<i32>} : memref<128xi32, #tpu.memory_space<vmem>>, vector<16xi32>,
      tpu.vector_store %arg12[%swap3A_745], %shift_right_logical3A_744 {strides = array<i32>} : memref<128xi32, #tpu.memory_space<vmem>>, vector<16xi32>,
    }
    %scan3A_229 = arith.constant 20 : i32
    %dma_wait3A = arith.constant 0 : i32
    %dma_wait3A_230 = arith.constant 0 : i32
    %dma_wait3A_231 = tpu.memref_slice %arg17[%dma_wait3A, %dma_wait3A_230] : memref<10112x128xf32, #tpu.memory_space<vmem_shared>> -> memref<10112x128xf32, #tpu.memory_space<vmem_shared>>
    tpu.wait_indirect_dma semaphore(%arg21 : memref<!tpu.dma_semaphore, #tpu.memory_space<semaphore_mem>>) src(%arg16 : memref<128x128xf32, #tpu.memory_space<vmem>>) dst(%dma_wait3A_231 : memref<10112x128xf32, #tpu.memory_space<vmem_shared>>)
    %barrier3A_232 = arith.constant 0 : index
    tpu.barrier barrier_id(%barrier3A_232)
    %mul3A_233 = arith.constant 632 : i32
    %mul3A_234 = arith.muli %arg1, %mul3A_233 : i32
    %mul3A_235 = arith.constant 632 : i32
    %mul3A_236 = arith.muli %arg1, %mul3A_235 : i32
    "tpu.region"() ({
      %run_scoped3A = tpu.sem_alloc : memref<!tpu.dma_semaphore, #tpu.memory_space<semaphore_mem>>
      %dma_start3A_237 = arith.constant 0 : i32
      %dma_start3A_238 = tpu.memref_slice %arg5[%arg0, %mul3A_236, %dma_start3A_237] : memref<2x10112x128xf32, #tpu.memory_space<hbm>> -> memref<1x632x128xf32, #tpu.memory_space<hbm>>
      %dma_start3A_239 = tpu.memref_squeeze %dma_start3A_238 : memref<1x632x128xf32, #tpu.memory_space<hbm>> -> memref<632x128xf32, #tpu.memory_space<hbm>>
      %dma_start3A_240 = arith.constant 0 : i32
      %dma_start3A_241 = tpu.memref_slice %arg17[%mul3A_234, %dma_start3A_240] : memref<10112x128xf32, #tpu.memory_space<vmem_shared>> -> memref<632x128xf32, #tpu.memory_space<vmem_shared>>
      tpu.enqueue_dma source(%dma_start3A_241 : memref<632x128xf32, #tpu.memory_space<vmem_shared>>) target(%dma_start3A_239 : memref<632x128xf32, #tpu.memory_space<hbm>>) target_semaphore(%run_scoped3A : memref<!tpu.dma_semaphore, #tpu.memory_space<semaphore_mem>>)
      %dma_wait3A_242 = arith.constant 0 : i32
      %dma_wait3A_243 = tpu.memref_slice %arg5[%arg0, %mul3A_236, %dma_wait3A_242] : memref<2x10112x128xf32, #tpu.memory_space<hbm>> -> memref<1x632x128xf32, #tpu.memory_space<hbm>>
      %dma_wait3A_244 = tpu.memref_squeeze %dma_wait3A_243 : memref<1x632x128xf32, #tpu.memory_space<hbm>> -> memref<632x128xf32, #tpu.memory_space<hbm>>
      %dma_wait3A_245 = arith.constant 0 : i32
      %dma_wait3A_246 = tpu.memref_slice %arg17[%mul3A_234, %dma_wait3A_245] : memref<10112x128xf32, #tpu.memory_space<vmem_shared>> -> memref<632x128xf32, #tpu.memory_space<vmem_shared>>
      tpu.wait_dma2 semaphore(%run_scoped3A : memref<!tpu.dma_semaphore, #tpu.memory_space<semaphore_mem>>) src(%dma_wait3A_246 : memref<632x128xf32, #tpu.memory_space<vmem_shared>>) dst(%dma_wait3A_244 : memref<632x128xf32, #tpu.memory_space<hbm>>)
      tpu.yield
    }) : () -> ()
    return
  }
}

#map = affine_map<(d0, d1) -> (0, 0)>
#map1 = affine_map<(d0, d1) -> (0, 0, 0)>
module attributes {stable_mosaic.version = 14 : i64} {
  func.func @_edge_body(%arg0: i32, %arg1: i32, %arg2: memref<10112x128xf32, #tpu.memory_space<hbm>>, %arg3: memref<32x80x128xi32, #tpu.memory_space<hbm>>, %arg4: memref<632x128xf32, #tpu.memory_space<hbm>>, %arg5: memref<2x10112x128xf32, #tpu.memory_space<hbm>>, %arg6: memref<80x128xi32, #tpu.memory_space<vmem>>, %arg7: memref<128xi32, #tpu.memory_space<vmem>>, %arg8: memref<128xi32, #tpu.memory_space<vmem>>, %arg9: memref<128xi32, #tpu.memory_space<vmem>>, %arg10: memref<128xi32, #tpu.memory_space<vmem>>, %arg11: memref<128xi32, #tpu.memory_space<vmem>>, %arg12: memref<128xi32, #tpu.memory_space<vmem>>, %arg13: memref<128xi32, #tpu.memory_space<vmem>>, %arg14: memref<128xi32, #tpu.memory_space<vmem>>, %arg15: memref<128x128xf32, #tpu.memory_space<vmem>>, %arg16: memref<128x128xf32, #tpu.memory_space<vmem>>, %arg17: memref<10112x128xf32, #tpu.memory_space<vmem_shared>>, %arg18: memref<!tpu.dma_semaphore, #tpu.memory_space<semaphore_mem>>, %arg19: memref<!tpu.dma_semaphore, #tpu.memory_space<semaphore_mem>>, %arg20: memref<!tpu.dma_semaphore, #tpu.memory_space<semaphore_mem>>, %arg21: memref<!tpu.dma_semaphore, #tpu.memory_space<semaphore_mem>>) attributes {dimension_semantics = [#tpu.dimension_semantics<core_parallel>, #tpu.dimension_semantics<subcore_parallel>], iteration_bounds = array<i64: 2, 16>, scalar_prefetch = 0 : i64, scratch_operands = 16 : i64, tpu.core_type = #tpu.core_type<sc_vector_subcore>, window_params = [{transform_indices = #map}, {transform_indices = #map1}, {transform_indices = #map}, {transform_indices = #map1}]} {
    %mul3A = arith.constant 2 : i32
    %mul3A_0 = arith.muli %arg1, %mul3A : i32
    %add3A = arith.addi %mul3A_0, %arg0 : i32
    "tpu.region"() ({
      %run_scoped3A = tpu.sem_alloc : memref<!tpu.dma_semaphore, #tpu.memory_space<semaphore_mem>>
      %dma_start3A_237 = arith.constant 0 : i32
      %dma_start3A_238 = arith.constant 0 : i32
      %dma_start3A_239 = tpu.memref_slice %arg3[%add3A, %dma_start3A_237, %dma_start3A_238] : memref<32x80x128xi32, #tpu.memory_space<hbm>> -> memref<1x80x128xi32, #tpu.memory_space<hbm>>
      %dma_start3A_240 = tpu.memref_squeeze %dma_start3A_239 : memref<1x80x128xi32, #tpu.memory_space<hbm>> -> memref<80x128xi32, #tpu.memory_space<hbm>>
      %dma_start3A_241 = arith.constant 0 : i32
      %dma_start3A_242 = arith.constant 0 : i32
      %dma_start3A_243 = tpu.memref_slice %arg3[%add3A, %dma_start3A_241, %dma_start3A_242] : memref<32x80x128xi32, #tpu.memory_space<hbm>> -> memref<1x80x128xi32, #tpu.memory_space<hbm>>
      %dma_start3A_244 = tpu.memref_squeeze %dma_start3A_243 : memref<1x80x128xi32, #tpu.memory_space<hbm>> -> memref<80x128xi32, #tpu.memory_space<hbm>>
      tpu.enqueue_dma source(%dma_start3A_244 : memref<80x128xi32, #tpu.memory_space<hbm>>) target(%arg6 : memref<80x128xi32, #tpu.memory_space<vmem>>) target_semaphore(%run_scoped3A : memref<!tpu.dma_semaphore, #tpu.memory_space<semaphore_mem>>)
      %dma_wait3A_245 = arith.constant 0 : i32
      %dma_wait3A_246 = arith.constant 0 : i32
      %dma_wait3A_247 = tpu.memref_slice %arg3[%add3A, %dma_wait3A_245, %dma_wait3A_246] : memref<32x80x128xi32, #tpu.memory_space<hbm>> -> memref<1x80x128xi32, #tpu.memory_space<hbm>>
      %dma_wait3A_248 = tpu.memref_squeeze %dma_wait3A_247 : memref<1x80x128xi32, #tpu.memory_space<hbm>> -> memref<80x128xi32, #tpu.memory_space<hbm>>
      %dma_wait3A_249 = arith.constant 0 : i32
      %dma_wait3A_250 = arith.constant 0 : i32
      %dma_wait3A_251 = tpu.memref_slice %arg3[%add3A, %dma_wait3A_249, %dma_wait3A_250] : memref<32x80x128xi32, #tpu.memory_space<hbm>> -> memref<1x80x128xi32, #tpu.memory_space<hbm>>
      %dma_wait3A_252 = tpu.memref_squeeze %dma_wait3A_251 : memref<1x80x128xi32, #tpu.memory_space<hbm>> -> memref<80x128xi32, #tpu.memory_space<hbm>>
      tpu.wait_dma2 semaphore(%run_scoped3A : memref<!tpu.dma_semaphore, #tpu.memory_space<semaphore_mem>>) src(%dma_wait3A_252 : memref<80x128xi32, #tpu.memory_space<hbm>>) dst(%arg6 : memref<80x128xi32, #tpu.memory_space<vmem>>)
      tpu.yield
    }) : () -> ()
    %mul3A_1 = arith.constant 632 : i32
    %mul3A_2 = arith.muli %arg1, %mul3A_1 : i32
    "tpu.region"() ({
      %run_scoped3A = tpu.sem_alloc : memref<!tpu.dma_semaphore, #tpu.memory_space<semaphore_mem>>
      %dma_start3A_237 = arith.constant 0 : i32
      %dma_start3A_238 = tpu.memref_slice %arg17[%mul3A_2, %dma_start3A_237] : memref<10112x128xf32, #tpu.memory_space<vmem_shared>> -> memref<632x128xf32, #tpu.memory_space<vmem_shared>>
      tpu.enqueue_dma source(%arg4 : memref<632x128xf32, #tpu.memory_space<hbm>>) target(%dma_start3A_238 : memref<632x128xf32, #tpu.memory_space<vmem_shared>>) target_semaphore(%run_scoped3A : memref<!tpu.dma_semaphore, #tpu.memory_space<semaphore_mem>>)
      %dma_wait3A_239 = arith.constant 0 : i32
      %dma_wait3A_240 = tpu.memref_slice %arg17[%mul3A_2, %dma_wait3A_239] : memref<10112x128xf32, #tpu.memory_space<vmem_shared>> -> memref<632x128xf32, #tpu.memory_space<vmem_shared>>
      tpu.wait_dma2 semaphore(%run_scoped3A : memref<!tpu.dma_semaphore, #tpu.memory_space<semaphore_mem>>) src(%arg4 : memref<632x128xf32, #tpu.memory_space<hbm>>) dst(%dma_wait3A_240 : memref<632x128xf32, #tpu.memory_space<vmem_shared>>)
      tpu.yield
    }) : () -> ()
    %barrier3A = arith.constant 0 : index
    tpu.barrier barrier_id(%barrier3A)
    %get3A = arith.constant 0 : i32
    %get3A_3 = arith.index_cast %get3A : i32 to index
    %get3A_4 = arith.constant 0 : index
    %get3A_5 = tpu.vector_load %arg6[%get3A_3, %get3A_4] {strides = array<i32>} : memref<80x128xi32, #tpu.memory_space<vmem>>, vector<16xi32>,
    %and3A = arith.constant 65535 : i32
    %and3A_6 = vector.broadcast %and3A : i32 to vector<16xi32>
    %and3A_7 = arith.andi %get3A_5, %and3A_6 : vector<16xi32>
    %swap3A = arith.constant 0 : index
    %swap3A_8 = tpu.vector_load %arg7[%swap3A] {strides = array<i32>} : memref<128xi32, #tpu.memory_space<vmem>>, vector<16xi32>,
    tpu.vector_store %arg7[%swap3A], %and3A_7 {strides = array<i32>} : memref<128xi32, #tpu.memory_space<vmem>>, vector<16xi32>,
    %shift_right_logical3A = arith.constant 16 : i32
    %shift_right_logical3A_9 = vector.broadcast %shift_right_logical3A : i32 to vector<16xi32>
    %shift_right_logical3A_10 = arith.shrui %get3A_5, %shift_right_logical3A_9 : vector<16xi32>
    %swap3A_11 = arith.constant 0 : index
    %swap3A_12 = tpu.vector_load %arg11[%swap3A_11] {strides = array<i32>} : memref<128xi32, #tpu.memory_space<vmem>>, vector<16xi32>,
    tpu.vector_store %arg11[%swap3A_11], %shift_right_logical3A_10 {strides = array<i32>} : memref<128xi32, #tpu.memory_space<vmem>>, vector<16xi32>,
    %get3A_13 = arith.constant 0 : i32
    %get3A_14 = arith.index_cast %get3A_13 : i32 to index
    %get3A_15 = arith.constant 16 : index
    %get3A_16 = tpu.vector_load %arg6[%get3A_14, %get3A_15] {strides = array<i32>} : memref<80x128xi32, #tpu.memory_space<vmem>>, vector<16xi32>,
    %and3A_17 = arith.constant 65535 : i32
    %and3A_18 = vector.broadcast %and3A_17 : i32 to vector<16xi32>
    %and3A_19 = arith.andi %get3A_16, %and3A_18 : vector<16xi32>
    %swap3A_20 = arith.constant 16 : index
    %swap3A_21 = tpu.vector_load %arg7[%swap3A_20] {strides = array<i32>} : memref<128xi32, #tpu.memory_space<vmem>>, vector<16xi32>,
    tpu.vector_store %arg7[%swap3A_20], %and3A_19 {strides = array<i32>} : memref<128xi32, #tpu.memory_space<vmem>>, vector<16xi32>,
    %shift_right_logical3A_22 = arith.constant 16 : i32
    %shift_right_logical3A_23 = vector.broadcast %shift_right_logical3A_22 : i32 to vector<16xi32>
    %shift_right_logical3A_24 = arith.shrui %get3A_16, %shift_right_logical3A_23 : vector<16xi32>
    %swap3A_25 = arith.constant 16 : index
    %swap3A_26 = tpu.vector_load %arg11[%swap3A_25] {strides = array<i32>} : memref<128xi32, #tpu.memory_space<vmem>>, vector<16xi32>,
    tpu.vector_store %arg11[%swap3A_25], %shift_right_logical3A_24 {strides = array<i32>} : memref<128xi32, #tpu.memory_space<vmem>>, vector<16xi32>,
    %get3A_27 = arith.constant 0 : i32
    %get3A_28 = arith.index_cast %get3A_27 : i32 to index
    %get3A_29 = arith.constant 32 : index
    %get3A_30 = tpu.vector_load %arg6[%get3A_28, %get3A_29] {strides = array<i32>} : memref<80x128xi32, #tpu.memory_space<vmem>>, vector<16xi32>,
    %and3A_31 = arith.constant 65535 : i32
    %and3A_32 = vector.broadcast %and3A_31 : i32 to vector<16xi32>
    %and3A_33 = arith.andi %get3A_30, %and3A_32 : vector<16xi32>
    %swap3A_34 = arith.constant 32 : index
    %swap3A_35 = tpu.vector_load %arg7[%swap3A_34] {strides = array<i32>} : memref<128xi32, #tpu.memory_space<vmem>>, vector<16xi32>,
    tpu.vector_store %arg7[%swap3A_34], %and3A_33 {strides = array<i32>} : memref<128xi32, #tpu.memory_space<vmem>>, vector<16xi32>,
    %shift_right_logical3A_36 = arith.constant 16 : i32
    %shift_right_logical3A_37 = vector.broadcast %shift_right_logical3A_36 : i32 to vector<16xi32>
    %shift_right_logical3A_38 = arith.shrui %get3A_30, %shift_right_logical3A_37 : vector<16xi32>
    %swap3A_39 = arith.constant 32 : index
    %swap3A_40 = tpu.vector_load %arg11[%swap3A_39] {strides = array<i32>} : memref<128xi32, #tpu.memory_space<vmem>>, vector<16xi32>,
    tpu.vector_store %arg11[%swap3A_39], %shift_right_logical3A_38 {strides = array<i32>} : memref<128xi32, #tpu.memory_space<vmem>>, vector<16xi32>,
    %get3A_41 = arith.constant 0 : i32
    %get3A_42 = arith.index_cast %get3A_41 : i32 to index
    %get3A_43 = arith.constant 48 : index
    %get3A_44 = tpu.vector_load %arg6[%get3A_42, %get3A_43] {strides = array<i32>} : memref<80x128xi32, #tpu.memory_space<vmem>>, vector<16xi32>,
    %and3A_45 = arith.constant 65535 : i32
    %and3A_46 = vector.broadcast %and3A_45 : i32 to vector<16xi32>
    %and3A_47 = arith.andi %get3A_44, %and3A_46 : vector<16xi32>
    %swap3A_48 = arith.constant 48 : index
    %swap3A_49 = tpu.vector_load %arg7[%swap3A_48] {strides = array<i32>} : memref<128xi32, #tpu.memory_space<vmem>>, vector<16xi32>,
    tpu.vector_store %arg7[%swap3A_48], %and3A_47 {strides = array<i32>} : memref<128xi32, #tpu.memory_space<vmem>>, vector<16xi32>,
    %shift_right_logical3A_50 = arith.constant 16 : i32
    %shift_right_logical3A_51 = vector.broadcast %shift_right_logical3A_50 : i32 to vector<16xi32>
    %shift_right_logical3A_52 = arith.shrui %get3A_44, %shift_right_logical3A_51 : vector<16xi32>
    %swap3A_53 = arith.constant 48 : index
    %swap3A_54 = tpu.vector_load %arg11[%swap3A_53] {strides = array<i32>} : memref<128xi32, #tpu.memory_space<vmem>>, vector<16xi32>,
    tpu.vector_store %arg11[%swap3A_53], %shift_right_logical3A_52 {strides = array<i32>} : memref<128xi32, #tpu.memory_space<vmem>>, vector<16xi32>,
    %get3A_55 = arith.constant 0 : i32
    %get3A_56 = arith.index_cast %get3A_55 : i32 to index
    %get3A_57 = arith.constant 64 : index
    %get3A_58 = tpu.vector_load %arg6[%get3A_56, %get3A_57] {strides = array<i32>} : memref<80x128xi32, #tpu.memory_space<vmem>>, vector<16xi32>,
    %and3A_59 = arith.constant 65535 : i32
    %and3A_60 = vector.broadcast %and3A_59 : i32 to vector<16xi32>
    %and3A_61 = arith.andi %get3A_58, %and3A_60 : vector<16xi32>
    %swap3A_62 = arith.constant 64 : index
    %swap3A_63 = tpu.vector_load %arg7[%swap3A_62] {strides = array<i32>} : memref<128xi32, #tpu.memory_space<vmem>>, vector<16xi32>,
    tpu.vector_store %arg7[%swap3A_62], %and3A_61 {strides = array<i32>} : memref<128xi32, #tpu.memory_space<vmem>>, vector<16xi32>,
    %shift_right_logical3A_64 = arith.constant 16 : i32
    %shift_right_logical3A_65 = vector.broadcast %shift_right_logical3A_64 : i32 to vector<16xi32>
    %shift_right_logical3A_66 = arith.shrui %get3A_58, %shift_right_logical3A_65 : vector<16xi32>
    %swap3A_67 = arith.constant 64 : index
    %swap3A_68 = tpu.vector_load %arg11[%swap3A_67] {strides = array<i32>} : memref<128xi32, #tpu.memory_space<vmem>>, vector<16xi32>,
    tpu.vector_store %arg11[%swap3A_67], %shift_right_logical3A_66 {strides = array<i32>} : memref<128xi32, #tpu.memory_space<vmem>>, vector<16xi32>,
    %get3A_69 = arith.constant 0 : i32
    %get3A_70 = arith.index_cast %get3A_69 : i32 to index
    %get3A_71 = arith.constant 80 : index
    %get3A_72 = tpu.vector_load %arg6[%get3A_70, %get3A_71] {strides = array<i32>} : memref<80x128xi32, #tpu.memory_space<vmem>>, vector<16xi32>,
    %and3A_73 = arith.constant 65535 : i32
    %and3A_74 = vector.broadcast %and3A_73 : i32 to vector<16xi32>
    %and3A_75 = arith.andi %get3A_72, %and3A_74 : vector<16xi32>
    %swap3A_76 = arith.constant 80 : index
    %swap3A_77 = tpu.vector_load %arg7[%swap3A_76] {strides = array<i32>} : memref<128xi32, #tpu.memory_space<vmem>>, vector<16xi32>,
    tpu.vector_store %arg7[%swap3A_76], %and3A_75 {strides = array<i32>} : memref<128xi32, #tpu.memory_space<vmem>>, vector<16xi32>,
    %shift_right_logical3A_78 = arith.constant 16 : i32
    %shift_right_logical3A_79 = vector.broadcast %shift_right_logical3A_78 : i32 to vector<16xi32>
    %shift_right_logical3A_80 = arith.shrui %get3A_72, %shift_right_logical3A_79 : vector<16xi32>
    %swap3A_81 = arith.constant 80 : index
    %swap3A_82 = tpu.vector_load %arg11[%swap3A_81] {strides = array<i32>} : memref<128xi32, #tpu.memory_space<vmem>>, vector<16xi32>,
    tpu.vector_store %arg11[%swap3A_81], %shift_right_logical3A_80 {strides = array<i32>} : memref<128xi32, #tpu.memory_space<vmem>>, vector<16xi32>,
    %get3A_83 = arith.constant 0 : i32
    %get3A_84 = arith.index_cast %get3A_83 : i32 to index
    %get3A_85 = arith.constant 96 : index
    %get3A_86 = tpu.vector_load %arg6[%get3A_84, %get3A_85] {strides = array<i32>} : memref<80x128xi32, #tpu.memory_space<vmem>>, vector<16xi32>,
    %and3A_87 = arith.constant 65535 : i32
    %and3A_88 = vector.broadcast %and3A_87 : i32 to vector<16xi32>
    %and3A_89 = arith.andi %get3A_86, %and3A_88 : vector<16xi32>
    %swap3A_90 = arith.constant 96 : index
    %swap3A_91 = tpu.vector_load %arg7[%swap3A_90] {strides = array<i32>} : memref<128xi32, #tpu.memory_space<vmem>>, vector<16xi32>,
    tpu.vector_store %arg7[%swap3A_90], %and3A_89 {strides = array<i32>} : memref<128xi32, #tpu.memory_space<vmem>>, vector<16xi32>,
    %shift_right_logical3A_92 = arith.constant 16 : i32
    %shift_right_logical3A_93 = vector.broadcast %shift_right_logical3A_92 : i32 to vector<16xi32>
    %shift_right_logical3A_94 = arith.shrui %get3A_86, %shift_right_logical3A_93 : vector<16xi32>
    %swap3A_95 = arith.constant 96 : index
    %swap3A_96 = tpu.vector_load %arg11[%swap3A_95] {strides = array<i32>} : memref<128xi32, #tpu.memory_space<vmem>>, vector<16xi32>,
    tpu.vector_store %arg11[%swap3A_95], %shift_right_logical3A_94 {strides = array<i32>} : memref<128xi32, #tpu.memory_space<vmem>>, vector<16xi32>,
    %get3A_97 = arith.constant 0 : i32
    %get3A_98 = arith.index_cast %get3A_97 : i32 to index
    %get3A_99 = arith.constant 112 : index
    %get3A_100 = tpu.vector_load %arg6[%get3A_98, %get3A_99] {strides = array<i32>} : memref<80x128xi32, #tpu.memory_space<vmem>>, vector<16xi32>,
    %and3A_101 = arith.constant 65535 : i32
    %and3A_102 = vector.broadcast %and3A_101 : i32 to vector<16xi32>
    %and3A_103 = arith.andi %get3A_100, %and3A_102 : vector<16xi32>
    %swap3A_104 = arith.constant 112 : index
    %swap3A_105 = tpu.vector_load %arg7[%swap3A_104] {strides = array<i32>} : memref<128xi32, #tpu.memory_space<vmem>>, vector<16xi32>,
    tpu.vector_store %arg7[%swap3A_104], %and3A_103 {strides = array<i32>} : memref<128xi32, #tpu.memory_space<vmem>>, vector<16xi32>,
    %shift_right_logical3A_106 = arith.constant 16 : i32
    %shift_right_logical3A_107 = vector.broadcast %shift_right_logical3A_106 : i32 to vector<16xi32>
    %shift_right_logical3A_108 = arith.shrui %get3A_100, %shift_right_logical3A_107 : vector<16xi32>
    %swap3A_109 = arith.constant 112 : index
    %swap3A_110 = tpu.vector_load %arg11[%swap3A_109] {strides = array<i32>} : memref<128xi32, #tpu.memory_space<vmem>>, vector<16xi32>,
    tpu.vector_store %arg11[%swap3A_109], %shift_right_logical3A_108 {strides = array<i32>} : memref<128xi32, #tpu.memory_space<vmem>>, vector<16xi32>,
    %get3A_111 = arith.constant 1 : i32
    %get3A_112 = arith.index_cast %get3A_111 : i32 to index
    %get3A_113 = arith.constant 0 : index
    %get3A_114 = tpu.vector_load %arg6[%get3A_112, %get3A_113] {strides = array<i32>} : memref<80x128xi32, #tpu.memory_space<vmem>>, vector<16xi32>,
    %and3A_115 = arith.constant 65535 : i32
    %and3A_116 = vector.broadcast %and3A_115 : i32 to vector<16xi32>
    %and3A_117 = arith.andi %get3A_114, %and3A_116 : vector<16xi32>
    %swap3A_118 = arith.constant 0 : index
    %swap3A_119 = tpu.vector_load %arg8[%swap3A_118] {strides = array<i32>} : memref<128xi32, #tpu.memory_space<vmem>>, vector<16xi32>,
    tpu.vector_store %arg8[%swap3A_118], %and3A_117 {strides = array<i32>} : memref<128xi32, #tpu.memory_space<vmem>>, vector<16xi32>,
    %shift_right_logical3A_120 = arith.constant 16 : i32
    %shift_right_logical3A_121 = vector.broadcast %shift_right_logical3A_120 : i32 to vector<16xi32>
    %shift_right_logical3A_122 = arith.shrui %get3A_114, %shift_right_logical3A_121 : vector<16xi32>
    %swap3A_123 = arith.constant 0 : index
    %swap3A_124 = tpu.vector_load %arg12[%swap3A_123] {strides = array<i32>} : memref<128xi32, #tpu.memory_space<vmem>>, vector<16xi32>,
    tpu.vector_store %arg12[%swap3A_123], %shift_right_logical3A_122 {strides = array<i32>} : memref<128xi32, #tpu.memory_space<vmem>>, vector<16xi32>,
    %get3A_125 = arith.constant 1 : i32
    %get3A_126 = arith.index_cast %get3A_125 : i32 to index
    %get3A_127 = arith.constant 16 : index
    %get3A_128 = tpu.vector_load %arg6[%get3A_126, %get3A_127] {strides = array<i32>} : memref<80x128xi32, #tpu.memory_space<vmem>>, vector<16xi32>,
    %and3A_129 = arith.constant 65535 : i32
    %and3A_130 = vector.broadcast %and3A_129 : i32 to vector<16xi32>
    %and3A_131 = arith.andi %get3A_128, %and3A_130 : vector<16xi32>
    %swap3A_132 = arith.constant 16 : index
    %swap3A_133 = tpu.vector_load %arg8[%swap3A_132] {strides = array<i32>} : memref<128xi32, #tpu.memory_space<vmem>>, vector<16xi32>,
    tpu.vector_store %arg8[%swap3A_132], %and3A_131 {strides = array<i32>} : memref<128xi32, #tpu.memory_space<vmem>>, vector<16xi32>,
    %shift_right_logical3A_134 = arith.constant 16 : i32
    %shift_right_logical3A_135 = vector.broadcast %shift_right_logical3A_134 : i32 to vector<16xi32>
    %shift_right_logical3A_136 = arith.shrui %get3A_128, %shift_right_logical3A_135 : vector<16xi32>
    %swap3A_137 = arith.constant 16 : index
    %swap3A_138 = tpu.vector_load %arg12[%swap3A_137] {strides = array<i32>} : memref<128xi32, #tpu.memory_space<vmem>>, vector<16xi32>,
    tpu.vector_store %arg12[%swap3A_137], %shift_right_logical3A_136 {strides = array<i32>} : memref<128xi32, #tpu.memory_space<vmem>>, vector<16xi32>,
    %get3A_139 = arith.constant 1 : i32
    %get3A_140 = arith.index_cast %get3A_139 : i32 to index
    %get3A_141 = arith.constant 32 : index
    %get3A_142 = tpu.vector_load %arg6[%get3A_140, %get3A_141] {strides = array<i32>} : memref<80x128xi32, #tpu.memory_space<vmem>>, vector<16xi32>,
    %and3A_143 = arith.constant 65535 : i32
    %and3A_144 = vector.broadcast %and3A_143 : i32 to vector<16xi32>
    %and3A_145 = arith.andi %get3A_142, %and3A_144 : vector<16xi32>
    %swap3A_146 = arith.constant 32 : index
    %swap3A_147 = tpu.vector_load %arg8[%swap3A_146] {strides = array<i32>} : memref<128xi32, #tpu.memory_space<vmem>>, vector<16xi32>,
    tpu.vector_store %arg8[%swap3A_146], %and3A_145 {strides = array<i32>} : memref<128xi32, #tpu.memory_space<vmem>>, vector<16xi32>,
    %shift_right_logical3A_148 = arith.constant 16 : i32
    %shift_right_logical3A_149 = vector.broadcast %shift_right_logical3A_148 : i32 to vector<16xi32>
    %shift_right_logical3A_150 = arith.shrui %get3A_142, %shift_right_logical3A_149 : vector<16xi32>
    %swap3A_151 = arith.constant 32 : index
    %swap3A_152 = tpu.vector_load %arg12[%swap3A_151] {strides = array<i32>} : memref<128xi32, #tpu.memory_space<vmem>>, vector<16xi32>,
    tpu.vector_store %arg12[%swap3A_151], %shift_right_logical3A_150 {strides = array<i32>} : memref<128xi32, #tpu.memory_space<vmem>>, vector<16xi32>,
    %get3A_153 = arith.constant 1 : i32
    %get3A_154 = arith.index_cast %get3A_153 : i32 to index
    %get3A_155 = arith.constant 48 : index
    %get3A_156 = tpu.vector_load %arg6[%get3A_154, %get3A_155] {strides = array<i32>} : memref<80x128xi32, #tpu.memory_space<vmem>>, vector<16xi32>,
    %and3A_157 = arith.constant 65535 : i32
    %and3A_158 = vector.broadcast %and3A_157 : i32 to vector<16xi32>
    %and3A_159 = arith.andi %get3A_156, %and3A_158 : vector<16xi32>
    %swap3A_160 = arith.constant 48 : index
    %swap3A_161 = tpu.vector_load %arg8[%swap3A_160] {strides = array<i32>} : memref<128xi32, #tpu.memory_space<vmem>>, vector<16xi32>,
    tpu.vector_store %arg8[%swap3A_160], %and3A_159 {strides = array<i32>} : memref<128xi32, #tpu.memory_space<vmem>>, vector<16xi32>,
    %shift_right_logical3A_162 = arith.constant 16 : i32
    %shift_right_logical3A_163 = vector.broadcast %shift_right_logical3A_162 : i32 to vector<16xi32>
    %shift_right_logical3A_164 = arith.shrui %get3A_156, %shift_right_logical3A_163 : vector<16xi32>
    %swap3A_165 = arith.constant 48 : index
    %swap3A_166 = tpu.vector_load %arg12[%swap3A_165] {strides = array<i32>} : memref<128xi32, #tpu.memory_space<vmem>>, vector<16xi32>,
    tpu.vector_store %arg12[%swap3A_165], %shift_right_logical3A_164 {strides = array<i32>} : memref<128xi32, #tpu.memory_space<vmem>>, vector<16xi32>,
    %get3A_167 = arith.constant 1 : i32
    %get3A_168 = arith.index_cast %get3A_167 : i32 to index
    %get3A_169 = arith.constant 64 : index
    %get3A_170 = tpu.vector_load %arg6[%get3A_168, %get3A_169] {strides = array<i32>} : memref<80x128xi32, #tpu.memory_space<vmem>>, vector<16xi32>,
    %and3A_171 = arith.constant 65535 : i32
    %and3A_172 = vector.broadcast %and3A_171 : i32 to vector<16xi32>
    %and3A_173 = arith.andi %get3A_170, %and3A_172 : vector<16xi32>
    %swap3A_174 = arith.constant 64 : index
    %swap3A_175 = tpu.vector_load %arg8[%swap3A_174] {strides = array<i32>} : memref<128xi32, #tpu.memory_space<vmem>>, vector<16xi32>,
    tpu.vector_store %arg8[%swap3A_174], %and3A_173 {strides = array<i32>} : memref<128xi32, #tpu.memory_space<vmem>>, vector<16xi32>,
    %shift_right_logical3A_176 = arith.constant 16 : i32
    %shift_right_logical3A_177 = vector.broadcast %shift_right_logical3A_176 : i32 to vector<16xi32>
    %shift_right_logical3A_178 = arith.shrui %get3A_170, %shift_right_logical3A_177 : vector<16xi32>
    %swap3A_179 = arith.constant 64 : index
    %swap3A_180 = tpu.vector_load %arg12[%swap3A_179] {strides = array<i32>} : memref<128xi32, #tpu.memory_space<vmem>>, vector<16xi32>,
    tpu.vector_store %arg12[%swap3A_179], %shift_right_logical3A_178 {strides = array<i32>} : memref<128xi32, #tpu.memory_space<vmem>>, vector<16xi32>,
    %get3A_181 = arith.constant 1 : i32
    %get3A_182 = arith.index_cast %get3A_181 : i32 to index
    %get3A_183 = arith.constant 80 : index
    %get3A_184 = tpu.vector_load %arg6[%get3A_182, %get3A_183] {strides = array<i32>} : memref<80x128xi32, #tpu.memory_space<vmem>>, vector<16xi32>,
    %and3A_185 = arith.constant 65535 : i32
    %and3A_186 = vector.broadcast %and3A_185 : i32 to vector<16xi32>
    %and3A_187 = arith.andi %get3A_184, %and3A_186 : vector<16xi32>
    %swap3A_188 = arith.constant 80 : index
    %swap3A_189 = tpu.vector_load %arg8[%swap3A_188] {strides = array<i32>} : memref<128xi32, #tpu.memory_space<vmem>>, vector<16xi32>,
    tpu.vector_store %arg8[%swap3A_188], %and3A_187 {strides = array<i32>} : memref<128xi32, #tpu.memory_space<vmem>>, vector<16xi32>,
    %shift_right_logical3A_190 = arith.constant 16 : i32
    %shift_right_logical3A_191 = vector.broadcast %shift_right_logical3A_190 : i32 to vector<16xi32>
    %shift_right_logical3A_192 = arith.shrui %get3A_184, %shift_right_logical3A_191 : vector<16xi32>
    %swap3A_193 = arith.constant 80 : index
    %swap3A_194 = tpu.vector_load %arg12[%swap3A_193] {strides = array<i32>} : memref<128xi32, #tpu.memory_space<vmem>>, vector<16xi32>,
    tpu.vector_store %arg12[%swap3A_193], %shift_right_logical3A_192 {strides = array<i32>} : memref<128xi32, #tpu.memory_space<vmem>>, vector<16xi32>,
    %get3A_195 = arith.constant 1 : i32
    %get3A_196 = arith.index_cast %get3A_195 : i32 to index
    %get3A_197 = arith.constant 96 : index
    %get3A_198 = tpu.vector_load %arg6[%get3A_196, %get3A_197] {strides = array<i32>} : memref<80x128xi32, #tpu.memory_space<vmem>>, vector<16xi32>,
    %and3A_199 = arith.constant 65535 : i32
    %and3A_200 = vector.broadcast %and3A_199 : i32 to vector<16xi32>
    %and3A_201 = arith.andi %get3A_198, %and3A_200 : vector<16xi32>
    %swap3A_202 = arith.constant 96 : index
    %swap3A_203 = tpu.vector_load %arg8[%swap3A_202] {strides = array<i32>} : memref<128xi32, #tpu.memory_space<vmem>>, vector<16xi32>,
    tpu.vector_store %arg8[%swap3A_202], %and3A_201 {strides = array<i32>} : memref<128xi32, #tpu.memory_space<vmem>>, vector<16xi32>,
    %shift_right_logical3A_204 = arith.constant 16 : i32
    %shift_right_logical3A_205 = vector.broadcast %shift_right_logical3A_204 : i32 to vector<16xi32>
    %shift_right_logical3A_206 = arith.shrui %get3A_198, %shift_right_logical3A_205 : vector<16xi32>
    %swap3A_207 = arith.constant 96 : index
    %swap3A_208 = tpu.vector_load %arg12[%swap3A_207] {strides = array<i32>} : memref<128xi32, #tpu.memory_space<vmem>>, vector<16xi32>,
    tpu.vector_store %arg12[%swap3A_207], %shift_right_logical3A_206 {strides = array<i32>} : memref<128xi32, #tpu.memory_space<vmem>>, vector<16xi32>,
    %get3A_209 = arith.constant 1 : i32
    %get3A_210 = arith.index_cast %get3A_209 : i32 to index
    %get3A_211 = arith.constant 112 : index
    %get3A_212 = tpu.vector_load %arg6[%get3A_210, %get3A_211] {strides = array<i32>} : memref<80x128xi32, #tpu.memory_space<vmem>>, vector<16xi32>,
    %and3A_213 = arith.constant 65535 : i32
    %and3A_214 = vector.broadcast %and3A_213 : i32 to vector<16xi32>
    %and3A_215 = arith.andi %get3A_212, %and3A_214 : vector<16xi32>
    %swap3A_216 = arith.constant 112 : index
    %swap3A_217 = tpu.vector_load %arg8[%swap3A_216] {strides = array<i32>} : memref<128xi32, #tpu.memory_space<vmem>>, vector<16xi32>,
    tpu.vector_store %arg8[%swap3A_216], %and3A_215 {strides = array<i32>} : memref<128xi32, #tpu.memory_space<vmem>>, vector<16xi32>,
    %shift_right_logical3A_218 = arith.constant 16 : i32
    %shift_right_logical3A_219 = vector.broadcast %shift_right_logical3A_218 : i32 to vector<16xi32>
    %shift_right_logical3A_220 = arith.shrui %get3A_212, %shift_right_logical3A_219 : vector<16xi32>
    %swap3A_221 = arith.constant 112 : index
    %swap3A_222 = tpu.vector_load %arg12[%swap3A_221] {strides = array<i32>} : memref<128xi32, #tpu.memory_space<vmem>>, vector<16xi32>,
    tpu.vector_store %arg12[%swap3A_221], %shift_right_logical3A_220 {strides = array<i32>} : memref<128xi32, #tpu.memory_space<vmem>>, vector<16xi32>,
    %dma_start3A = arith.constant 0 : i32
    %dma_start3A_223 = arith.constant 0 : i32
    %dma_start3A_224 = tpu.memref_slice %arg2[%dma_start3A, %dma_start3A_223] : memref<10112x128xf32, #tpu.memory_space<hbm>> -> memref<10112x128xf32, #tpu.memory_space<hbm>>
    tpu.enqueue_indirect_dma source(%dma_start3A_224 : memref<10112x128xf32, #tpu.memory_space<hbm>>) target(%arg15 : memref<128x128xf32, #tpu.memory_space<vmem>>) offsets(%arg7 : memref<128xi32, #tpu.memory_space<vmem>>) semaphore(%arg18 : memref<!tpu.dma_semaphore, #tpu.memory_space<semaphore_mem>>)
    %scan3A = arith.constant 0 : i32
    %scan3A_225 = arith.constant 0 : i32
    %scan3A_226 = arith.constant 20 : i32
    %scan3A_227 = arith.addi %scan3A_225, %scan3A_226 : i32
    %scan3A_228 = arith.constant 1 : i32
    scf.for %scan3A_237 = %scan3A_225 to %scan3A_227 step %scan3A_228  : i32 {
      %mul3A_238 = arith.constant 4 : i32
      %mul3A_239 = arith.muli %mul3A_238, %scan3A_237 : i32
      %add3A_240 = arith.constant 0 : i32
      %add3A_241 = arith.addi %mul3A_239, %add3A_240 : i32
      %dma_wait3A_242 = arith.constant 0 : i32
      %dma_wait3A_243 = arith.constant 0 : i32
      %dma_wait3A_244 = tpu.memref_slice %arg2[%dma_wait3A_242, %dma_wait3A_243] : memref<10112x128xf32, #tpu.memory_space<hbm>> -> memref<10112x128xf32, #tpu.memory_space<hbm>>
      tpu.wait_indirect_dma semaphore(%arg18 : memref<!tpu.dma_semaphore, #tpu.memory_space<semaphore_mem>>) src(%dma_wait3A_244 : memref<10112x128xf32, #tpu.memory_space<hbm>>) dst(%arg15 : memref<128x128xf32, #tpu.memory_space<vmem>>)
      %ge3A = arith.constant 1 : i32
      %ge3A_245 = arith.cmpi sge, %add3A_241, %ge3A : i32
      %convert_element_type3A = arith.extui %ge3A_245 : i1 to i32
      %cond3A = arith.constant 0 : i32
      %cond3A_246 = arith.cmpi ne, %convert_element_type3A, %cond3A : i32
      scf.if %cond3A_246 {
        %dma_wait3A_747 = arith.constant 0 : i32
        %dma_wait3A_748 = arith.constant 0 : i32
        %dma_wait3A_749 = tpu.memref_slice %arg17[%dma_wait3A_747, %dma_wait3A_748] : memref<10112x128xf32, #tpu.memory_space<vmem_shared>> -> memref<10112x128xf32, #tpu.memory_space<vmem_shared>>
        tpu.wait_indirect_dma semaphore(%arg21 : memref<!tpu.dma_semaphore, #tpu.memory_space<semaphore_mem>>) src(%arg16 : memref<128x128xf32, #tpu.memory_space<vmem>>) dst(%dma_wait3A_749 : memref<10112x128xf32, #tpu.memory_space<vmem_shared>>)
      } else {
      }
      %add3A_247 = arith.constant 1 : i32
      %add3A_248 = arith.addi %add3A_241, %add3A_247 : i32
      %lt3A = arith.constant 80 : i32
      %lt3A_249 = arith.cmpi slt, %add3A_248, %lt3A : i32
      %convert_element_type3A_250 = arith.extui %lt3A_249 : i1 to i32
      %cond3A_251 = arith.constant 0 : i32
      %cond3A_252 = arith.cmpi ne, %convert_element_type3A_250, %cond3A_251 : i32
      scf.if %cond3A_252 {
        %dma_start3A_747 = arith.constant 0 : i32
        %dma_start3A_748 = arith.constant 0 : i32
        %dma_start3A_749 = tpu.memref_slice %arg2[%dma_start3A_747, %dma_start3A_748] : memref<10112x128xf32, #tpu.memory_space<hbm>> -> memref<10112x128xf32, #tpu.memory_space<hbm>>
        tpu.enqueue_indirect_dma source(%dma_start3A_749 : memref<10112x128xf32, #tpu.memory_space<hbm>>) target(%arg16 : memref<128x128xf32, #tpu.memory_space<vmem>>) offsets(%arg8 : memref<128xi32, #tpu.memory_space<vmem>>) semaphore(%arg19 : memref<!tpu.dma_semaphore, #tpu.memory_space<semaphore_mem>>)
      } else {
      }
      %dma_start3A_253 = arith.constant 0 : i32
      %dma_start3A_254 = arith.constant 0 : i32
      %dma_start3A_255 = tpu.memref_slice %arg17[%dma_start3A_253, %dma_start3A_254] : memref<10112x128xf32, #tpu.memory_space<vmem_shared>> -> memref<10112x128xf32, #tpu.memory_space<vmem_shared>>
      tpu.enqueue_indirect_dma source(%arg15 : memref<128x128xf32, #tpu.memory_space<vmem>>) target(%dma_start3A_255 : memref<10112x128xf32, #tpu.memory_space<vmem_shared>>) offsets(%arg11 : memref<128xi32, #tpu.memory_space<vmem>>) semaphore(%arg20 : memref<!tpu.dma_semaphore, #tpu.memory_space<semaphore_mem>>) {add = true}
      %add3A_256 = arith.constant 2 : i32
      %add3A_257 = arith.addi %add3A_241, %add3A_256 : i32
      %min3A = arith.constant 79 : i32
      %min3A_258 = arith.minsi %add3A_257, %min3A : i32
      %get3A_259 = arith.index_cast %min3A_258 : i32 to index
      %get3A_260 = arith.constant 0 : index
      %get3A_261 = tpu.vector_load %arg6[%get3A_259, %get3A_260] {strides = array<i32>} : memref<80x128xi32, #tpu.memory_space<vmem>>, vector<16xi32>,
      %and3A_262 = arith.constant 65535 : i32
      %and3A_263 = vector.broadcast %and3A_262 : i32 to vector<16xi32>
      %and3A_264 = arith.andi %get3A_261, %and3A_263 : vector<16xi32>
      %swap3A_265 = arith.constant 0 : index
      %swap3A_266 = tpu.vector_load %arg9[%swap3A_265] {strides = array<i32>} : memref<128xi32, #tpu.memory_space<vmem>>, vector<16xi32>,
      tpu.vector_store %arg9[%swap3A_265], %and3A_264 {strides = array<i32>} : memref<128xi32, #tpu.memory_space<vmem>>, vector<16xi32>,
      %shift_right_logical3A_267 = arith.constant 16 : i32
      %shift_right_logical3A_268 = vector.broadcast %shift_right_logical3A_267 : i32 to vector<16xi32>
      %shift_right_logical3A_269 = arith.shrui %get3A_261, %shift_right_logical3A_268 : vector<16xi32>
      %swap3A_270 = arith.constant 0 : index
      %swap3A_271 = tpu.vector_load %arg13[%swap3A_270] {strides = array<i32>} : memref<128xi32, #tpu.memory_space<vmem>>, vector<16xi32>,
      tpu.vector_store %arg13[%swap3A_270], %shift_right_logical3A_269 {strides = array<i32>} : memref<128xi32, #tpu.memory_space<vmem>>, vector<16xi32>,
      %get3A_272 = arith.index_cast %min3A_258 : i32 to index
      %get3A_273 = arith.constant 16 : index
      %get3A_274 = tpu.vector_load %arg6[%get3A_272, %get3A_273] {strides = array<i32>} : memref<80x128xi32, #tpu.memory_space<vmem>>, vector<16xi32>,
      %and3A_275 = arith.constant 65535 : i32
      %and3A_276 = vector.broadcast %and3A_275 : i32 to vector<16xi32>
      %and3A_277 = arith.andi %get3A_274, %and3A_276 : vector<16xi32>
      %swap3A_278 = arith.constant 16 : index
      %swap3A_279 = tpu.vector_load %arg9[%swap3A_278] {strides = array<i32>} : memref<128xi32, #tpu.memory_space<vmem>>, vector<16xi32>,
      tpu.vector_store %arg9[%swap3A_278], %and3A_277 {strides = array<i32>} : memref<128xi32, #tpu.memory_space<vmem>>, vector<16xi32>,
      %shift_right_logical3A_280 = arith.constant 16 : i32
      %shift_right_logical3A_281 = vector.broadcast %shift_right_logical3A_280 : i32 to vector<16xi32>
      %shift_right_logical3A_282 = arith.shrui %get3A_274, %shift_right_logical3A_281 : vector<16xi32>
      %swap3A_283 = arith.constant 16 : index
      %swap3A_284 = tpu.vector_load %arg13[%swap3A_283] {strides = array<i32>} : memref<128xi32, #tpu.memory_space<vmem>>, vector<16xi32>,
      tpu.vector_store %arg13[%swap3A_283], %shift_right_logical3A_282 {strides = array<i32>} : memref<128xi32, #tpu.memory_space<vmem>>, vector<16xi32>,
      %get3A_285 = arith.index_cast %min3A_258 : i32 to index
      %get3A_286 = arith.constant 32 : index
      %get3A_287 = tpu.vector_load %arg6[%get3A_285, %get3A_286] {strides = array<i32>} : memref<80x128xi32, #tpu.memory_space<vmem>>, vector<16xi32>,
      %and3A_288 = arith.constant 65535 : i32
      %and3A_289 = vector.broadcast %and3A_288 : i32 to vector<16xi32>
      %and3A_290 = arith.andi %get3A_287, %and3A_289 : vector<16xi32>
      %swap3A_291 = arith.constant 32 : index
      %swap3A_292 = tpu.vector_load %arg9[%swap3A_291] {strides = array<i32>} : memref<128xi32, #tpu.memory_space<vmem>>, vector<16xi32>,
      tpu.vector_store %arg9[%swap3A_291], %and3A_290 {strides = array<i32>} : memref<128xi32, #tpu.memory_space<vmem>>, vector<16xi32>,
      %shift_right_logical3A_293 = arith.constant 16 : i32
      %shift_right_logical3A_294 = vector.broadcast %shift_right_logical3A_293 : i32 to vector<16xi32>
      %shift_right_logical3A_295 = arith.shrui %get3A_287, %shift_right_logical3A_294 : vector<16xi32>
      %swap3A_296 = arith.constant 32 : index
      %swap3A_297 = tpu.vector_load %arg13[%swap3A_296] {strides = array<i32>} : memref<128xi32, #tpu.memory_space<vmem>>, vector<16xi32>,
      tpu.vector_store %arg13[%swap3A_296], %shift_right_logical3A_295 {strides = array<i32>} : memref<128xi32, #tpu.memory_space<vmem>>, vector<16xi32>,
      %get3A_298 = arith.index_cast %min3A_258 : i32 to index
      %get3A_299 = arith.constant 48 : index
      %get3A_300 = tpu.vector_load %arg6[%get3A_298, %get3A_299] {strides = array<i32>} : memref<80x128xi32, #tpu.memory_space<vmem>>, vector<16xi32>,
      %and3A_301 = arith.constant 65535 : i32
      %and3A_302 = vector.broadcast %and3A_301 : i32 to vector<16xi32>
      %and3A_303 = arith.andi %get3A_300, %and3A_302 : vector<16xi32>
      %swap3A_304 = arith.constant 48 : index
      %swap3A_305 = tpu.vector_load %arg9[%swap3A_304] {strides = array<i32>} : memref<128xi32, #tpu.memory_space<vmem>>, vector<16xi32>,
      tpu.vector_store %arg9[%swap3A_304], %and3A_303 {strides = array<i32>} : memref<128xi32, #tpu.memory_space<vmem>>, vector<16xi32>,
      %shift_right_logical3A_306 = arith.constant 16 : i32
      %shift_right_logical3A_307 = vector.broadcast %shift_right_logical3A_306 : i32 to vector<16xi32>
      %shift_right_logical3A_308 = arith.shrui %get3A_300, %shift_right_logical3A_307 : vector<16xi32>
      %swap3A_309 = arith.constant 48 : index
      %swap3A_310 = tpu.vector_load %arg13[%swap3A_309] {strides = array<i32>} : memref<128xi32, #tpu.memory_space<vmem>>, vector<16xi32>,
      tpu.vector_store %arg13[%swap3A_309], %shift_right_logical3A_308 {strides = array<i32>} : memref<128xi32, #tpu.memory_space<vmem>>, vector<16xi32>,
      %get3A_311 = arith.index_cast %min3A_258 : i32 to index
      %get3A_312 = arith.constant 64 : index
      %get3A_313 = tpu.vector_load %arg6[%get3A_311, %get3A_312] {strides = array<i32>} : memref<80x128xi32, #tpu.memory_space<vmem>>, vector<16xi32>,
      %and3A_314 = arith.constant 65535 : i32
      %and3A_315 = vector.broadcast %and3A_314 : i32 to vector<16xi32>
      %and3A_316 = arith.andi %get3A_313, %and3A_315 : vector<16xi32>
      %swap3A_317 = arith.constant 64 : index
      %swap3A_318 = tpu.vector_load %arg9[%swap3A_317] {strides = array<i32>} : memref<128xi32, #tpu.memory_space<vmem>>, vector<16xi32>,
      tpu.vector_store %arg9[%swap3A_317], %and3A_316 {strides = array<i32>} : memref<128xi32, #tpu.memory_space<vmem>>, vector<16xi32>,
      %shift_right_logical3A_319 = arith.constant 16 : i32
      %shift_right_logical3A_320 = vector.broadcast %shift_right_logical3A_319 : i32 to vector<16xi32>
      %shift_right_logical3A_321 = arith.shrui %get3A_313, %shift_right_logical3A_320 : vector<16xi32>
      %swap3A_322 = arith.constant 64 : index
      %swap3A_323 = tpu.vector_load %arg13[%swap3A_322] {strides = array<i32>} : memref<128xi32, #tpu.memory_space<vmem>>, vector<16xi32>,
      tpu.vector_store %arg13[%swap3A_322], %shift_right_logical3A_321 {strides = array<i32>} : memref<128xi32, #tpu.memory_space<vmem>>, vector<16xi32>,
      %get3A_324 = arith.index_cast %min3A_258 : i32 to index
      %get3A_325 = arith.constant 80 : index
      %get3A_326 = tpu.vector_load %arg6[%get3A_324, %get3A_325] {strides = array<i32>} : memref<80x128xi32, #tpu.memory_space<vmem>>, vector<16xi32>,
      %and3A_327 = arith.constant 65535 : i32
      %and3A_328 = vector.broadcast %and3A_327 : i32 to vector<16xi32>
      %and3A_329 = arith.andi %get3A_326, %and3A_328 : vector<16xi32>
      %swap3A_330 = arith.constant 80 : index
      %swap3A_331 = tpu.vector_load %arg9[%swap3A_330] {strides = array<i32>} : memref<128xi32, #tpu.memory_space<vmem>>, vector<16xi32>,
      tpu.vector_store %arg9[%swap3A_330], %and3A_329 {strides = array<i32>} : memref<128xi32, #tpu.memory_space<vmem>>, vector<16xi32>,
      %shift_right_logical3A_332 = arith.constant 16 : i32
      %shift_right_logical3A_333 = vector.broadcast %shift_right_logical3A_332 : i32 to vector<16xi32>
      %shift_right_logical3A_334 = arith.shrui %get3A_326, %shift_right_logical3A_333 : vector<16xi32>
      %swap3A_335 = arith.constant 80 : index
      %swap3A_336 = tpu.vector_load %arg13[%swap3A_335] {strides = array<i32>} : memref<128xi32, #tpu.memory_space<vmem>>, vector<16xi32>,
      tpu.vector_store %arg13[%swap3A_335], %shift_right_logical3A_334 {strides = array<i32>} : memref<128xi32, #tpu.memory_space<vmem>>, vector<16xi32>,
      %get3A_337 = arith.index_cast %min3A_258 : i32 to index
      %get3A_338 = arith.constant 96 : index
      %get3A_339 = tpu.vector_load %arg6[%get3A_337, %get3A_338] {strides = array<i32>} : memref<80x128xi32, #tpu.memory_space<vmem>>, vector<16xi32>,
      %and3A_340 = arith.constant 65535 : i32
      %and3A_341 = vector.broadcast %and3A_340 : i32 to vector<16xi32>
      %and3A_342 = arith.andi %get3A_339, %and3A_341 : vector<16xi32>
      %swap3A_343 = arith.constant 96 : index
      %swap3A_344 = tpu.vector_load %arg9[%swap3A_343] {strides = array<i32>} : memref<128xi32, #tpu.memory_space<vmem>>, vector<16xi32>,
      tpu.vector_store %arg9[%swap3A_343], %and3A_342 {strides = array<i32>} : memref<128xi32, #tpu.memory_space<vmem>>, vector<16xi32>,
      %shift_right_logical3A_345 = arith.constant 16 : i32
      %shift_right_logical3A_346 = vector.broadcast %shift_right_logical3A_345 : i32 to vector<16xi32>
      %shift_right_logical3A_347 = arith.shrui %get3A_339, %shift_right_logical3A_346 : vector<16xi32>
      %swap3A_348 = arith.constant 96 : index
      %swap3A_349 = tpu.vector_load %arg13[%swap3A_348] {strides = array<i32>} : memref<128xi32, #tpu.memory_space<vmem>>, vector<16xi32>,
      tpu.vector_store %arg13[%swap3A_348], %shift_right_logical3A_347 {strides = array<i32>} : memref<128xi32, #tpu.memory_space<vmem>>, vector<16xi32>,
      %get3A_350 = arith.index_cast %min3A_258 : i32 to index
      %get3A_351 = arith.constant 112 : index
      %get3A_352 = tpu.vector_load %arg6[%get3A_350, %get3A_351] {strides = array<i32>} : memref<80x128xi32, #tpu.memory_space<vmem>>, vector<16xi32>,
      %and3A_353 = arith.constant 65535 : i32
      %and3A_354 = vector.broadcast %and3A_353 : i32 to vector<16xi32>
      %and3A_355 = arith.andi %get3A_352, %and3A_354 : vector<16xi32>
      %swap3A_356 = arith.constant 112 : index
      %swap3A_357 = tpu.vector_load %arg9[%swap3A_356] {strides = array<i32>} : memref<128xi32, #tpu.memory_space<vmem>>, vector<16xi32>,
      tpu.vector_store %arg9[%swap3A_356], %and3A_355 {strides = array<i32>} : memref<128xi32, #tpu.memory_space<vmem>>, vector<16xi32>,
      %shift_right_logical3A_358 = arith.constant 16 : i32
      %shift_right_logical3A_359 = vector.broadcast %shift_right_logical3A_358 : i32 to vector<16xi32>
      %shift_right_logical3A_360 = arith.shrui %get3A_352, %shift_right_logical3A_359 : vector<16xi32>
      %swap3A_361 = arith.constant 112 : index
      %swap3A_362 = tpu.vector_load %arg13[%swap3A_361] {strides = array<i32>} : memref<128xi32, #tpu.memory_space<vmem>>, vector<16xi32>,
      tpu.vector_store %arg13[%swap3A_361], %shift_right_logical3A_360 {strides = array<i32>} : memref<128xi32, #tpu.memory_space<vmem>>, vector<16xi32>,
      %add3A_363 = arith.constant 1 : i32
      %add3A_364 = arith.addi %mul3A_239, %add3A_363 : i32
      %dma_wait3A_365 = arith.constant 0 : i32
      %dma_wait3A_366 = arith.constant 0 : i32
      %dma_wait3A_367 = tpu.memref_slice %arg2[%dma_wait3A_365, %dma_wait3A_366] : memref<10112x128xf32, #tpu.memory_space<hbm>> -> memref<10112x128xf32, #tpu.memory_space<hbm>>
      tpu.wait_indirect_dma semaphore(%arg19 : memref<!tpu.dma_semaphore, #tpu.memory_space<semaphore_mem>>) src(%dma_wait3A_367 : memref<10112x128xf32, #tpu.memory_space<hbm>>) dst(%arg16 : memref<128x128xf32, #tpu.memory_space<vmem>>)
      %ge3A_368 = arith.constant 1 : i32
      %ge3A_369 = arith.cmpi sge, %add3A_364, %ge3A_368 : i32
      %convert_element_type3A_370 = arith.extui %ge3A_369 : i1 to i32
      %cond3A_371 = arith.constant 0 : i32
      %cond3A_372 = arith.cmpi ne, %convert_element_type3A_370, %cond3A_371 : i32
      scf.if %cond3A_372 {
        %dma_wait3A_747 = arith.constant 0 : i32
        %dma_wait3A_748 = arith.constant 0 : i32
        %dma_wait3A_749 = tpu.memref_slice %arg17[%dma_wait3A_747, %dma_wait3A_748] : memref<10112x128xf32, #tpu.memory_space<vmem_shared>> -> memref<10112x128xf32, #tpu.memory_space<vmem_shared>>
        tpu.wait_indirect_dma semaphore(%arg20 : memref<!tpu.dma_semaphore, #tpu.memory_space<semaphore_mem>>) src(%arg15 : memref<128x128xf32, #tpu.memory_space<vmem>>) dst(%dma_wait3A_749 : memref<10112x128xf32, #tpu.memory_space<vmem_shared>>)
      } else {
      }
      %add3A_373 = arith.constant 1 : i32
      %add3A_374 = arith.addi %add3A_364, %add3A_373 : i32
      %lt3A_375 = arith.constant 80 : i32
      %lt3A_376 = arith.cmpi slt, %add3A_374, %lt3A_375 : i32
      %convert_element_type3A_377 = arith.extui %lt3A_376 : i1 to i32
      %cond3A_378 = arith.constant 0 : i32
      %cond3A_379 = arith.cmpi ne, %convert_element_type3A_377, %cond3A_378 : i32
      scf.if %cond3A_379 {
        %dma_start3A_747 = arith.constant 0 : i32
        %dma_start3A_748 = arith.constant 0 : i32
        %dma_start3A_749 = tpu.memref_slice %arg2[%dma_start3A_747, %dma_start3A_748] : memref<10112x128xf32, #tpu.memory_space<hbm>> -> memref<10112x128xf32, #tpu.memory_space<hbm>>
        tpu.enqueue_indirect_dma source(%dma_start3A_749 : memref<10112x128xf32, #tpu.memory_space<hbm>>) target(%arg15 : memref<128x128xf32, #tpu.memory_space<vmem>>) offsets(%arg9 : memref<128xi32, #tpu.memory_space<vmem>>) semaphore(%arg18 : memref<!tpu.dma_semaphore, #tpu.memory_space<semaphore_mem>>)
      } else {
      }
      %dma_start3A_380 = arith.constant 0 : i32
      %dma_start3A_381 = arith.constant 0 : i32
      %dma_start3A_382 = tpu.memref_slice %arg17[%dma_start3A_380, %dma_start3A_381] : memref<10112x128xf32, #tpu.memory_space<vmem_shared>> -> memref<10112x128xf32, #tpu.memory_space<vmem_shared>>
      tpu.enqueue_indirect_dma source(%arg16 : memref<128x128xf32, #tpu.memory_space<vmem>>) target(%dma_start3A_382 : memref<10112x128xf32, #tpu.memory_space<vmem_shared>>) offsets(%arg12 : memref<128xi32, #tpu.memory_space<vmem>>) semaphore(%arg21 : memref<!tpu.dma_semaphore, #tpu.memory_space<semaphore_mem>>) {add = true}
      %add3A_383 = arith.constant 2 : i32
      %add3A_384 = arith.addi %add3A_364, %add3A_383 : i32
      %min3A_385 = arith.constant 79 : i32
      %min3A_386 = arith.minsi %add3A_384, %min3A_385 : i32
      %get3A_387 = arith.index_cast %min3A_386 : i32 to index
      %get3A_388 = arith.constant 0 : index
      %get3A_389 = tpu.vector_load %arg6[%get3A_387, %get3A_388] {strides = array<i32>} : memref<80x128xi32, #tpu.memory_space<vmem>>, vector<16xi32>,
      %and3A_390 = arith.constant 65535 : i32
      %and3A_391 = vector.broadcast %and3A_390 : i32 to vector<16xi32>
      %and3A_392 = arith.andi %get3A_389, %and3A_391 : vector<16xi32>
      %swap3A_393 = arith.constant 0 : index
      %swap3A_394 = tpu.vector_load %arg10[%swap3A_393] {strides = array<i32>} : memref<128xi32, #tpu.memory_space<vmem>>, vector<16xi32>,
      tpu.vector_store %arg10[%swap3A_393], %and3A_392 {strides = array<i32>} : memref<128xi32, #tpu.memory_space<vmem>>, vector<16xi32>,
      %shift_right_logical3A_395 = arith.constant 16 : i32
      %shift_right_logical3A_396 = vector.broadcast %shift_right_logical3A_395 : i32 to vector<16xi32>
      %shift_right_logical3A_397 = arith.shrui %get3A_389, %shift_right_logical3A_396 : vector<16xi32>
      %swap3A_398 = arith.constant 0 : index
      %swap3A_399 = tpu.vector_load %arg14[%swap3A_398] {strides = array<i32>} : memref<128xi32, #tpu.memory_space<vmem>>, vector<16xi32>,
      tpu.vector_store %arg14[%swap3A_398], %shift_right_logical3A_397 {strides = array<i32>} : memref<128xi32, #tpu.memory_space<vmem>>, vector<16xi32>,
      %get3A_400 = arith.index_cast %min3A_386 : i32 to index
      %get3A_401 = arith.constant 16 : index
      %get3A_402 = tpu.vector_load %arg6[%get3A_400, %get3A_401] {strides = array<i32>} : memref<80x128xi32, #tpu.memory_space<vmem>>, vector<16xi32>,
      %and3A_403 = arith.constant 65535 : i32
      %and3A_404 = vector.broadcast %and3A_403 : i32 to vector<16xi32>
      %and3A_405 = arith.andi %get3A_402, %and3A_404 : vector<16xi32>
      %swap3A_406 = arith.constant 16 : index
      %swap3A_407 = tpu.vector_load %arg10[%swap3A_406] {strides = array<i32>} : memref<128xi32, #tpu.memory_space<vmem>>, vector<16xi32>,
      tpu.vector_store %arg10[%swap3A_406], %and3A_405 {strides = array<i32>} : memref<128xi32, #tpu.memory_space<vmem>>, vector<16xi32>,
      %shift_right_logical3A_408 = arith.constant 16 : i32
      %shift_right_logical3A_409 = vector.broadcast %shift_right_logical3A_408 : i32 to vector<16xi32>
      %shift_right_logical3A_410 = arith.shrui %get3A_402, %shift_right_logical3A_409 : vector<16xi32>
      %swap3A_411 = arith.constant 16 : index
      %swap3A_412 = tpu.vector_load %arg14[%swap3A_411] {strides = array<i32>} : memref<128xi32, #tpu.memory_space<vmem>>, vector<16xi32>,
      tpu.vector_store %arg14[%swap3A_411], %shift_right_logical3A_410 {strides = array<i32>} : memref<128xi32, #tpu.memory_space<vmem>>, vector<16xi32>,
      %get3A_413 = arith.index_cast %min3A_386 : i32 to index
      %get3A_414 = arith.constant 32 : index
      %get3A_415 = tpu.vector_load %arg6[%get3A_413, %get3A_414] {strides = array<i32>} : memref<80x128xi32, #tpu.memory_space<vmem>>, vector<16xi32>,
      %and3A_416 = arith.constant 65535 : i32
      %and3A_417 = vector.broadcast %and3A_416 : i32 to vector<16xi32>
      %and3A_418 = arith.andi %get3A_415, %and3A_417 : vector<16xi32>
      %swap3A_419 = arith.constant 32 : index
      %swap3A_420 = tpu.vector_load %arg10[%swap3A_419] {strides = array<i32>} : memref<128xi32, #tpu.memory_space<vmem>>, vector<16xi32>,
      tpu.vector_store %arg10[%swap3A_419], %and3A_418 {strides = array<i32>} : memref<128xi32, #tpu.memory_space<vmem>>, vector<16xi32>,
      %shift_right_logical3A_421 = arith.constant 16 : i32
      %shift_right_logical3A_422 = vector.broadcast %shift_right_logical3A_421 : i32 to vector<16xi32>
      %shift_right_logical3A_423 = arith.shrui %get3A_415, %shift_right_logical3A_422 : vector<16xi32>
      %swap3A_424 = arith.constant 32 : index
      %swap3A_425 = tpu.vector_load %arg14[%swap3A_424] {strides = array<i32>} : memref<128xi32, #tpu.memory_space<vmem>>, vector<16xi32>,
      tpu.vector_store %arg14[%swap3A_424], %shift_right_logical3A_423 {strides = array<i32>} : memref<128xi32, #tpu.memory_space<vmem>>, vector<16xi32>,
      %get3A_426 = arith.index_cast %min3A_386 : i32 to index
      %get3A_427 = arith.constant 48 : index
      %get3A_428 = tpu.vector_load %arg6[%get3A_426, %get3A_427] {strides = array<i32>} : memref<80x128xi32, #tpu.memory_space<vmem>>, vector<16xi32>,
      %and3A_429 = arith.constant 65535 : i32
      %and3A_430 = vector.broadcast %and3A_429 : i32 to vector<16xi32>
      %and3A_431 = arith.andi %get3A_428, %and3A_430 : vector<16xi32>
      %swap3A_432 = arith.constant 48 : index
      %swap3A_433 = tpu.vector_load %arg10[%swap3A_432] {strides = array<i32>} : memref<128xi32, #tpu.memory_space<vmem>>, vector<16xi32>,
      tpu.vector_store %arg10[%swap3A_432], %and3A_431 {strides = array<i32>} : memref<128xi32, #tpu.memory_space<vmem>>, vector<16xi32>,
      %shift_right_logical3A_434 = arith.constant 16 : i32
      %shift_right_logical3A_435 = vector.broadcast %shift_right_logical3A_434 : i32 to vector<16xi32>
      %shift_right_logical3A_436 = arith.shrui %get3A_428, %shift_right_logical3A_435 : vector<16xi32>
      %swap3A_437 = arith.constant 48 : index
      %swap3A_438 = tpu.vector_load %arg14[%swap3A_437] {strides = array<i32>} : memref<128xi32, #tpu.memory_space<vmem>>, vector<16xi32>,
      tpu.vector_store %arg14[%swap3A_437], %shift_right_logical3A_436 {strides = array<i32>} : memref<128xi32, #tpu.memory_space<vmem>>, vector<16xi32>,
      %get3A_439 = arith.index_cast %min3A_386 : i32 to index
      %get3A_440 = arith.constant 64 : index
      %get3A_441 = tpu.vector_load %arg6[%get3A_439, %get3A_440] {strides = array<i32>} : memref<80x128xi32, #tpu.memory_space<vmem>>, vector<16xi32>,
      %and3A_442 = arith.constant 65535 : i32
      %and3A_443 = vector.broadcast %and3A_442 : i32 to vector<16xi32>
      %and3A_444 = arith.andi %get3A_441, %and3A_443 : vector<16xi32>
      %swap3A_445 = arith.constant 64 : index
      %swap3A_446 = tpu.vector_load %arg10[%swap3A_445] {strides = array<i32>} : memref<128xi32, #tpu.memory_space<vmem>>, vector<16xi32>,
      tpu.vector_store %arg10[%swap3A_445], %and3A_444 {strides = array<i32>} : memref<128xi32, #tpu.memory_space<vmem>>, vector<16xi32>,
      %shift_right_logical3A_447 = arith.constant 16 : i32
      %shift_right_logical3A_448 = vector.broadcast %shift_right_logical3A_447 : i32 to vector<16xi32>
      %shift_right_logical3A_449 = arith.shrui %get3A_441, %shift_right_logical3A_448 : vector<16xi32>
      %swap3A_450 = arith.constant 64 : index
      %swap3A_451 = tpu.vector_load %arg14[%swap3A_450] {strides = array<i32>} : memref<128xi32, #tpu.memory_space<vmem>>, vector<16xi32>,
      tpu.vector_store %arg14[%swap3A_450], %shift_right_logical3A_449 {strides = array<i32>} : memref<128xi32, #tpu.memory_space<vmem>>, vector<16xi32>,
      %get3A_452 = arith.index_cast %min3A_386 : i32 to index
      %get3A_453 = arith.constant 80 : index
      %get3A_454 = tpu.vector_load %arg6[%get3A_452, %get3A_453] {strides = array<i32>} : memref<80x128xi32, #tpu.memory_space<vmem>>, vector<16xi32>,
      %and3A_455 = arith.constant 65535 : i32
      %and3A_456 = vector.broadcast %and3A_455 : i32 to vector<16xi32>
      %and3A_457 = arith.andi %get3A_454, %and3A_456 : vector<16xi32>
      %swap3A_458 = arith.constant 80 : index
      %swap3A_459 = tpu.vector_load %arg10[%swap3A_458] {strides = array<i32>} : memref<128xi32, #tpu.memory_space<vmem>>, vector<16xi32>,
      tpu.vector_store %arg10[%swap3A_458], %and3A_457 {strides = array<i32>} : memref<128xi32, #tpu.memory_space<vmem>>, vector<16xi32>,
      %shift_right_logical3A_460 = arith.constant 16 : i32
      %shift_right_logical3A_461 = vector.broadcast %shift_right_logical3A_460 : i32 to vector<16xi32>
      %shift_right_logical3A_462 = arith.shrui %get3A_454, %shift_right_logical3A_461 : vector<16xi32>
      %swap3A_463 = arith.constant 80 : index
      %swap3A_464 = tpu.vector_load %arg14[%swap3A_463] {strides = array<i32>} : memref<128xi32, #tpu.memory_space<vmem>>, vector<16xi32>,
      tpu.vector_store %arg14[%swap3A_463], %shift_right_logical3A_462 {strides = array<i32>} : memref<128xi32, #tpu.memory_space<vmem>>, vector<16xi32>,
      %get3A_465 = arith.index_cast %min3A_386 : i32 to index
      %get3A_466 = arith.constant 96 : index
      %get3A_467 = tpu.vector_load %arg6[%get3A_465, %get3A_466] {strides = array<i32>} : memref<80x128xi32, #tpu.memory_space<vmem>>, vector<16xi32>,
      %and3A_468 = arith.constant 65535 : i32
      %and3A_469 = vector.broadcast %and3A_468 : i32 to vector<16xi32>
      %and3A_470 = arith.andi %get3A_467, %and3A_469 : vector<16xi32>
      %swap3A_471 = arith.constant 96 : index
      %swap3A_472 = tpu.vector_load %arg10[%swap3A_471] {strides = array<i32>} : memref<128xi32, #tpu.memory_space<vmem>>, vector<16xi32>,
      tpu.vector_store %arg10[%swap3A_471], %and3A_470 {strides = array<i32>} : memref<128xi32, #tpu.memory_space<vmem>>, vector<16xi32>,
      %shift_right_logical3A_473 = arith.constant 16 : i32
      %shift_right_logical3A_474 = vector.broadcast %shift_right_logical3A_473 : i32 to vector<16xi32>
      %shift_right_logical3A_475 = arith.shrui %get3A_467, %shift_right_logical3A_474 : vector<16xi32>
      %swap3A_476 = arith.constant 96 : index
      %swap3A_477 = tpu.vector_load %arg14[%swap3A_476] {strides = array<i32>} : memref<128xi32, #tpu.memory_space<vmem>>, vector<16xi32>,
      tpu.vector_store %arg14[%swap3A_476], %shift_right_logical3A_475 {strides = array<i32>} : memref<128xi32, #tpu.memory_space<vmem>>, vector<16xi32>,
      %get3A_478 = arith.index_cast %min3A_386 : i32 to index
      %get3A_479 = arith.constant 112 : index
      %get3A_480 = tpu.vector_load %arg6[%get3A_478, %get3A_479] {strides = array<i32>} : memref<80x128xi32, #tpu.memory_space<vmem>>, vector<16xi32>,
      %and3A_481 = arith.constant 65535 : i32
      %and3A_482 = vector.broadcast %and3A_481 : i32 to vector<16xi32>
      %and3A_483 = arith.andi %get3A_480, %and3A_482 : vector<16xi32>
      %swap3A_484 = arith.constant 112 : index
      %swap3A_485 = tpu.vector_load %arg10[%swap3A_484] {strides = array<i32>} : memref<128xi32, #tpu.memory_space<vmem>>, vector<16xi32>,
      tpu.vector_store %arg10[%swap3A_484], %and3A_483 {strides = array<i32>} : memref<128xi32, #tpu.memory_space<vmem>>, vector<16xi32>,
      %shift_right_logical3A_486 = arith.constant 16 : i32
      %shift_right_logical3A_487 = vector.broadcast %shift_right_logical3A_486 : i32 to vector<16xi32>
      %shift_right_logical3A_488 = arith.shrui %get3A_480, %shift_right_logical3A_487 : vector<16xi32>
      %swap3A_489 = arith.constant 112 : index
      %swap3A_490 = tpu.vector_load %arg14[%swap3A_489] {strides = array<i32>} : memref<128xi32, #tpu.memory_space<vmem>>, vector<16xi32>,
      tpu.vector_store %arg14[%swap3A_489], %shift_right_logical3A_488 {strides = array<i32>} : memref<128xi32, #tpu.memory_space<vmem>>, vector<16xi32>,
      %add3A_491 = arith.constant 2 : i32
      %add3A_492 = arith.addi %mul3A_239, %add3A_491 : i32
      %dma_wait3A_493 = arith.constant 0 : i32
      %dma_wait3A_494 = arith.constant 0 : i32
      %dma_wait3A_495 = tpu.memref_slice %arg2[%dma_wait3A_493, %dma_wait3A_494] : memref<10112x128xf32, #tpu.memory_space<hbm>> -> memref<10112x128xf32, #tpu.memory_space<hbm>>
      tpu.wait_indirect_dma semaphore(%arg18 : memref<!tpu.dma_semaphore, #tpu.memory_space<semaphore_mem>>) src(%dma_wait3A_495 : memref<10112x128xf32, #tpu.memory_space<hbm>>) dst(%arg15 : memref<128x128xf32, #tpu.memory_space<vmem>>)
      %ge3A_496 = arith.constant 1 : i32
      %ge3A_497 = arith.cmpi sge, %add3A_492, %ge3A_496 : i32
      %convert_element_type3A_498 = arith.extui %ge3A_497 : i1 to i32
      %cond3A_499 = arith.constant 0 : i32
      %cond3A_500 = arith.cmpi ne, %convert_element_type3A_498, %cond3A_499 : i32
      scf.if %cond3A_500 {
        %dma_wait3A_747 = arith.constant 0 : i32
        %dma_wait3A_748 = arith.constant 0 : i32
        %dma_wait3A_749 = tpu.memref_slice %arg17[%dma_wait3A_747, %dma_wait3A_748] : memref<10112x128xf32, #tpu.memory_space<vmem_shared>> -> memref<10112x128xf32, #tpu.memory_space<vmem_shared>>
        tpu.wait_indirect_dma semaphore(%arg21 : memref<!tpu.dma_semaphore, #tpu.memory_space<semaphore_mem>>) src(%arg16 : memref<128x128xf32, #tpu.memory_space<vmem>>) dst(%dma_wait3A_749 : memref<10112x128xf32, #tpu.memory_space<vmem_shared>>)
      } else {
      }
      %add3A_501 = arith.constant 1 : i32
      %add3A_502 = arith.addi %add3A_492, %add3A_501 : i32
      %lt3A_503 = arith.constant 80 : i32
      %lt3A_504 = arith.cmpi slt, %add3A_502, %lt3A_503 : i32
      %convert_element_type3A_505 = arith.extui %lt3A_504 : i1 to i32
      %cond3A_506 = arith.constant 0 : i32
      %cond3A_507 = arith.cmpi ne, %convert_element_type3A_505, %cond3A_506 : i32
      scf.if %cond3A_507 {
        %dma_start3A_747 = arith.constant 0 : i32
        %dma_start3A_748 = arith.constant 0 : i32
        %dma_start3A_749 = tpu.memref_slice %arg2[%dma_start3A_747, %dma_start3A_748] : memref<10112x128xf32, #tpu.memory_space<hbm>> -> memref<10112x128xf32, #tpu.memory_space<hbm>>
        tpu.enqueue_indirect_dma source(%dma_start3A_749 : memref<10112x128xf32, #tpu.memory_space<hbm>>) target(%arg16 : memref<128x128xf32, #tpu.memory_space<vmem>>) offsets(%arg10 : memref<128xi32, #tpu.memory_space<vmem>>) semaphore(%arg19 : memref<!tpu.dma_semaphore, #tpu.memory_space<semaphore_mem>>)
      } else {
      }
      %dma_start3A_508 = arith.constant 0 : i32
      %dma_start3A_509 = arith.constant 0 : i32
      %dma_start3A_510 = tpu.memref_slice %arg17[%dma_start3A_508, %dma_start3A_509] : memref<10112x128xf32, #tpu.memory_space<vmem_shared>> -> memref<10112x128xf32, #tpu.memory_space<vmem_shared>>
      tpu.enqueue_indirect_dma source(%arg15 : memref<128x128xf32, #tpu.memory_space<vmem>>) target(%dma_start3A_510 : memref<10112x128xf32, #tpu.memory_space<vmem_shared>>) offsets(%arg13 : memref<128xi32, #tpu.memory_space<vmem>>) semaphore(%arg20 : memref<!tpu.dma_semaphore, #tpu.memory_space<semaphore_mem>>) {add = true}
      %add3A_511 = arith.constant 2 : i32
      %add3A_512 = arith.addi %add3A_492, %add3A_511 : i32
      %min3A_513 = arith.constant 79 : i32
      %min3A_514 = arith.minsi %add3A_512, %min3A_513 : i32
      %get3A_515 = arith.index_cast %min3A_514 : i32 to index
      %get3A_516 = arith.constant 0 : index
      %get3A_517 = tpu.vector_load %arg6[%get3A_515, %get3A_516] {strides = array<i32>} : memref<80x128xi32, #tpu.memory_space<vmem>>, vector<16xi32>,
      %and3A_518 = arith.constant 65535 : i32
      %and3A_519 = vector.broadcast %and3A_518 : i32 to vector<16xi32>
      %and3A_520 = arith.andi %get3A_517, %and3A_519 : vector<16xi32>
      %swap3A_521 = arith.constant 0 : index
      %swap3A_522 = tpu.vector_load %arg7[%swap3A_521] {strides = array<i32>} : memref<128xi32, #tpu.memory_space<vmem>>, vector<16xi32>,
      tpu.vector_store %arg7[%swap3A_521], %and3A_520 {strides = array<i32>} : memref<128xi32, #tpu.memory_space<vmem>>, vector<16xi32>,
      %shift_right_logical3A_523 = arith.constant 16 : i32
      %shift_right_logical3A_524 = vector.broadcast %shift_right_logical3A_523 : i32 to vector<16xi32>
      %shift_right_logical3A_525 = arith.shrui %get3A_517, %shift_right_logical3A_524 : vector<16xi32>
      %swap3A_526 = arith.constant 0 : index
      %swap3A_527 = tpu.vector_load %arg11[%swap3A_526] {strides = array<i32>} : memref<128xi32, #tpu.memory_space<vmem>>, vector<16xi32>,
      tpu.vector_store %arg11[%swap3A_526], %shift_right_logical3A_525 {strides = array<i32>} : memref<128xi32, #tpu.memory_space<vmem>>, vector<16xi32>,
      %get3A_528 = arith.index_cast %min3A_514 : i32 to index
      %get3A_529 = arith.constant 16 : index
      %get3A_530 = tpu.vector_load %arg6[%get3A_528, %get3A_529] {strides = array<i32>} : memref<80x128xi32, #tpu.memory_space<vmem>>, vector<16xi32>,
      %and3A_531 = arith.constant 65535 : i32
      %and3A_532 = vector.broadcast %and3A_531 : i32 to vector<16xi32>
      %and3A_533 = arith.andi %get3A_530, %and3A_532 : vector<16xi32>
      %swap3A_534 = arith.constant 16 : index
      %swap3A_535 = tpu.vector_load %arg7[%swap3A_534] {strides = array<i32>} : memref<128xi32, #tpu.memory_space<vmem>>, vector<16xi32>,
      tpu.vector_store %arg7[%swap3A_534], %and3A_533 {strides = array<i32>} : memref<128xi32, #tpu.memory_space<vmem>>, vector<16xi32>,
      %shift_right_logical3A_536 = arith.constant 16 : i32
      %shift_right_logical3A_537 = vector.broadcast %shift_right_logical3A_536 : i32 to vector<16xi32>
      %shift_right_logical3A_538 = arith.shrui %get3A_530, %shift_right_logical3A_537 : vector<16xi32>
      %swap3A_539 = arith.constant 16 : index
      %swap3A_540 = tpu.vector_load %arg11[%swap3A_539] {strides = array<i32>} : memref<128xi32, #tpu.memory_space<vmem>>, vector<16xi32>,
      tpu.vector_store %arg11[%swap3A_539], %shift_right_logical3A_538 {strides = array<i32>} : memref<128xi32, #tpu.memory_space<vmem>>, vector<16xi32>,
      %get3A_541 = arith.index_cast %min3A_514 : i32 to index
      %get3A_542 = arith.constant 32 : index
      %get3A_543 = tpu.vector_load %arg6[%get3A_541, %get3A_542] {strides = array<i32>} : memref<80x128xi32, #tpu.memory_space<vmem>>, vector<16xi32>,
      %and3A_544 = arith.constant 65535 : i32
      %and3A_545 = vector.broadcast %and3A_544 : i32 to vector<16xi32>
      %and3A_546 = arith.andi %get3A_543, %and3A_545 : vector<16xi32>
      %swap3A_547 = arith.constant 32 : index
      %swap3A_548 = tpu.vector_load %arg7[%swap3A_547] {strides = array<i32>} : memref<128xi32, #tpu.memory_space<vmem>>, vector<16xi32>,
      tpu.vector_store %arg7[%swap3A_547], %and3A_546 {strides = array<i32>} : memref<128xi32, #tpu.memory_space<vmem>>, vector<16xi32>,
      %shift_right_logical3A_549 = arith.constant 16 : i32
      %shift_right_logical3A_550 = vector.broadcast %shift_right_logical3A_549 : i32 to vector<16xi32>
      %shift_right_logical3A_551 = arith.shrui %get3A_543, %shift_right_logical3A_550 : vector<16xi32>
      %swap3A_552 = arith.constant 32 : index
      %swap3A_553 = tpu.vector_load %arg11[%swap3A_552] {strides = array<i32>} : memref<128xi32, #tpu.memory_space<vmem>>, vector<16xi32>,
      tpu.vector_store %arg11[%swap3A_552], %shift_right_logical3A_551 {strides = array<i32>} : memref<128xi32, #tpu.memory_space<vmem>>, vector<16xi32>,
      %get3A_554 = arith.index_cast %min3A_514 : i32 to index
      %get3A_555 = arith.constant 48 : index
      %get3A_556 = tpu.vector_load %arg6[%get3A_554, %get3A_555] {strides = array<i32>} : memref<80x128xi32, #tpu.memory_space<vmem>>, vector<16xi32>,
      %and3A_557 = arith.constant 65535 : i32
      %and3A_558 = vector.broadcast %and3A_557 : i32 to vector<16xi32>
      %and3A_559 = arith.andi %get3A_556, %and3A_558 : vector<16xi32>
      %swap3A_560 = arith.constant 48 : index
      %swap3A_561 = tpu.vector_load %arg7[%swap3A_560] {strides = array<i32>} : memref<128xi32, #tpu.memory_space<vmem>>, vector<16xi32>,
      tpu.vector_store %arg7[%swap3A_560], %and3A_559 {strides = array<i32>} : memref<128xi32, #tpu.memory_space<vmem>>, vector<16xi32>,
      %shift_right_logical3A_562 = arith.constant 16 : i32
      %shift_right_logical3A_563 = vector.broadcast %shift_right_logical3A_562 : i32 to vector<16xi32>
      %shift_right_logical3A_564 = arith.shrui %get3A_556, %shift_right_logical3A_563 : vector<16xi32>
      %swap3A_565 = arith.constant 48 : index
      %swap3A_566 = tpu.vector_load %arg11[%swap3A_565] {strides = array<i32>} : memref<128xi32, #tpu.memory_space<vmem>>, vector<16xi32>,
      tpu.vector_store %arg11[%swap3A_565], %shift_right_logical3A_564 {strides = array<i32>} : memref<128xi32, #tpu.memory_space<vmem>>, vector<16xi32>,
      %get3A_567 = arith.index_cast %min3A_514 : i32 to index
      %get3A_568 = arith.constant 64 : index
      %get3A_569 = tpu.vector_load %arg6[%get3A_567, %get3A_568] {strides = array<i32>} : memref<80x128xi32, #tpu.memory_space<vmem>>, vector<16xi32>,
      %and3A_570 = arith.constant 65535 : i32
      %and3A_571 = vector.broadcast %and3A_570 : i32 to vector<16xi32>
      %and3A_572 = arith.andi %get3A_569, %and3A_571 : vector<16xi32>
      %swap3A_573 = arith.constant 64 : index
      %swap3A_574 = tpu.vector_load %arg7[%swap3A_573] {strides = array<i32>} : memref<128xi32, #tpu.memory_space<vmem>>, vector<16xi32>,
      tpu.vector_store %arg7[%swap3A_573], %and3A_572 {strides = array<i32>} : memref<128xi32, #tpu.memory_space<vmem>>, vector<16xi32>,
      %shift_right_logical3A_575 = arith.constant 16 : i32
      %shift_right_logical3A_576 = vector.broadcast %shift_right_logical3A_575 : i32 to vector<16xi32>
      %shift_right_logical3A_577 = arith.shrui %get3A_569, %shift_right_logical3A_576 : vector<16xi32>
      %swap3A_578 = arith.constant 64 : index
      %swap3A_579 = tpu.vector_load %arg11[%swap3A_578] {strides = array<i32>} : memref<128xi32, #tpu.memory_space<vmem>>, vector<16xi32>,
      tpu.vector_store %arg11[%swap3A_578], %shift_right_logical3A_577 {strides = array<i32>} : memref<128xi32, #tpu.memory_space<vmem>>, vector<16xi32>,
      %get3A_580 = arith.index_cast %min3A_514 : i32 to index
      %get3A_581 = arith.constant 80 : index
      %get3A_582 = tpu.vector_load %arg6[%get3A_580, %get3A_581] {strides = array<i32>} : memref<80x128xi32, #tpu.memory_space<vmem>>, vector<16xi32>,
      %and3A_583 = arith.constant 65535 : i32
      %and3A_584 = vector.broadcast %and3A_583 : i32 to vector<16xi32>
      %and3A_585 = arith.andi %get3A_582, %and3A_584 : vector<16xi32>
      %swap3A_586 = arith.constant 80 : index
      %swap3A_587 = tpu.vector_load %arg7[%swap3A_586] {strides = array<i32>} : memref<128xi32, #tpu.memory_space<vmem>>, vector<16xi32>,
      tpu.vector_store %arg7[%swap3A_586], %and3A_585 {strides = array<i32>} : memref<128xi32, #tpu.memory_space<vmem>>, vector<16xi32>,
      %shift_right_logical3A_588 = arith.constant 16 : i32
      %shift_right_logical3A_589 = vector.broadcast %shift_right_logical3A_588 : i32 to vector<16xi32>
      %shift_right_logical3A_590 = arith.shrui %get3A_582, %shift_right_logical3A_589 : vector<16xi32>
      %swap3A_591 = arith.constant 80 : index
      %swap3A_592 = tpu.vector_load %arg11[%swap3A_591] {strides = array<i32>} : memref<128xi32, #tpu.memory_space<vmem>>, vector<16xi32>,
      tpu.vector_store %arg11[%swap3A_591], %shift_right_logical3A_590 {strides = array<i32>} : memref<128xi32, #tpu.memory_space<vmem>>, vector<16xi32>,
      %get3A_593 = arith.index_cast %min3A_514 : i32 to index
      %get3A_594 = arith.constant 96 : index
      %get3A_595 = tpu.vector_load %arg6[%get3A_593, %get3A_594] {strides = array<i32>} : memref<80x128xi32, #tpu.memory_space<vmem>>, vector<16xi32>,
      %and3A_596 = arith.constant 65535 : i32
      %and3A_597 = vector.broadcast %and3A_596 : i32 to vector<16xi32>
      %and3A_598 = arith.andi %get3A_595, %and3A_597 : vector<16xi32>
      %swap3A_599 = arith.constant 96 : index
      %swap3A_600 = tpu.vector_load %arg7[%swap3A_599] {strides = array<i32>} : memref<128xi32, #tpu.memory_space<vmem>>, vector<16xi32>,
      tpu.vector_store %arg7[%swap3A_599], %and3A_598 {strides = array<i32>} : memref<128xi32, #tpu.memory_space<vmem>>, vector<16xi32>,
      %shift_right_logical3A_601 = arith.constant 16 : i32
      %shift_right_logical3A_602 = vector.broadcast %shift_right_logical3A_601 : i32 to vector<16xi32>
      %shift_right_logical3A_603 = arith.shrui %get3A_595, %shift_right_logical3A_602 : vector<16xi32>
      %swap3A_604 = arith.constant 96 : index
      %swap3A_605 = tpu.vector_load %arg11[%swap3A_604] {strides = array<i32>} : memref<128xi32, #tpu.memory_space<vmem>>, vector<16xi32>,
      tpu.vector_store %arg11[%swap3A_604], %shift_right_logical3A_603 {strides = array<i32>} : memref<128xi32, #tpu.memory_space<vmem>>, vector<16xi32>,
      %get3A_606 = arith.index_cast %min3A_514 : i32 to index
      %get3A_607 = arith.constant 112 : index
      %get3A_608 = tpu.vector_load %arg6[%get3A_606, %get3A_607] {strides = array<i32>} : memref<80x128xi32, #tpu.memory_space<vmem>>, vector<16xi32>,
      %and3A_609 = arith.constant 65535 : i32
      %and3A_610 = vector.broadcast %and3A_609 : i32 to vector<16xi32>
      %and3A_611 = arith.andi %get3A_608, %and3A_610 : vector<16xi32>
      %swap3A_612 = arith.constant 112 : index
      %swap3A_613 = tpu.vector_load %arg7[%swap3A_612] {strides = array<i32>} : memref<128xi32, #tpu.memory_space<vmem>>, vector<16xi32>,
      tpu.vector_store %arg7[%swap3A_612], %and3A_611 {strides = array<i32>} : memref<128xi32, #tpu.memory_space<vmem>>, vector<16xi32>,
      %shift_right_logical3A_614 = arith.constant 16 : i32
      %shift_right_logical3A_615 = vector.broadcast %shift_right_logical3A_614 : i32 to vector<16xi32>
      %shift_right_logical3A_616 = arith.shrui %get3A_608, %shift_right_logical3A_615 : vector<16xi32>
      %swap3A_617 = arith.constant 112 : index
      %swap3A_618 = tpu.vector_load %arg11[%swap3A_617] {strides = array<i32>} : memref<128xi32, #tpu.memory_space<vmem>>, vector<16xi32>,
      tpu.vector_store %arg11[%swap3A_617], %shift_right_logical3A_616 {strides = array<i32>} : memref<128xi32, #tpu.memory_space<vmem>>, vector<16xi32>,
      %add3A_619 = arith.constant 3 : i32
      %add3A_620 = arith.addi %mul3A_239, %add3A_619 : i32
      %dma_wait3A_621 = arith.constant 0 : i32
      %dma_wait3A_622 = arith.constant 0 : i32
      %dma_wait3A_623 = tpu.memref_slice %arg2[%dma_wait3A_621, %dma_wait3A_622] : memref<10112x128xf32, #tpu.memory_space<hbm>> -> memref<10112x128xf32, #tpu.memory_space<hbm>>
      tpu.wait_indirect_dma semaphore(%arg19 : memref<!tpu.dma_semaphore, #tpu.memory_space<semaphore_mem>>) src(%dma_wait3A_623 : memref<10112x128xf32, #tpu.memory_space<hbm>>) dst(%arg16 : memref<128x128xf32, #tpu.memory_space<vmem>>)
      %ge3A_624 = arith.constant 1 : i32
      %ge3A_625 = arith.cmpi sge, %add3A_620, %ge3A_624 : i32
      %convert_element_type3A_626 = arith.extui %ge3A_625 : i1 to i32
      %cond3A_627 = arith.constant 0 : i32
      %cond3A_628 = arith.cmpi ne, %convert_element_type3A_626, %cond3A_627 : i32
      scf.if %cond3A_628 {
        %dma_wait3A_747 = arith.constant 0 : i32
        %dma_wait3A_748 = arith.constant 0 : i32
        %dma_wait3A_749 = tpu.memref_slice %arg17[%dma_wait3A_747, %dma_wait3A_748] : memref<10112x128xf32, #tpu.memory_space<vmem_shared>> -> memref<10112x128xf32, #tpu.memory_space<vmem_shared>>
        tpu.wait_indirect_dma semaphore(%arg20 : memref<!tpu.dma_semaphore, #tpu.memory_space<semaphore_mem>>) src(%arg15 : memref<128x128xf32, #tpu.memory_space<vmem>>) dst(%dma_wait3A_749 : memref<10112x128xf32, #tpu.memory_space<vmem_shared>>)
      } else {
      }
      %add3A_629 = arith.constant 1 : i32
      %add3A_630 = arith.addi %add3A_620, %add3A_629 : i32
      %lt3A_631 = arith.constant 80 : i32
      %lt3A_632 = arith.cmpi slt, %add3A_630, %lt3A_631 : i32
      %convert_element_type3A_633 = arith.extui %lt3A_632 : i1 to i32
      %cond3A_634 = arith.constant 0 : i32
      %cond3A_635 = arith.cmpi ne, %convert_element_type3A_633, %cond3A_634 : i32
      scf.if %cond3A_635 {
        %dma_start3A_747 = arith.constant 0 : i32
        %dma_start3A_748 = arith.constant 0 : i32
        %dma_start3A_749 = tpu.memref_slice %arg2[%dma_start3A_747, %dma_start3A_748] : memref<10112x128xf32, #tpu.memory_space<hbm>> -> memref<10112x128xf32, #tpu.memory_space<hbm>>
        tpu.enqueue_indirect_dma source(%dma_start3A_749 : memref<10112x128xf32, #tpu.memory_space<hbm>>) target(%arg15 : memref<128x128xf32, #tpu.memory_space<vmem>>) offsets(%arg7 : memref<128xi32, #tpu.memory_space<vmem>>) semaphore(%arg18 : memref<!tpu.dma_semaphore, #tpu.memory_space<semaphore_mem>>)
      } else {
      }
      %dma_start3A_636 = arith.constant 0 : i32
      %dma_start3A_637 = arith.constant 0 : i32
      %dma_start3A_638 = tpu.memref_slice %arg17[%dma_start3A_636, %dma_start3A_637] : memref<10112x128xf32, #tpu.memory_space<vmem_shared>> -> memref<10112x128xf32, #tpu.memory_space<vmem_shared>>
      tpu.enqueue_indirect_dma source(%arg16 : memref<128x128xf32, #tpu.memory_space<vmem>>) target(%dma_start3A_638 : memref<10112x128xf32, #tpu.memory_space<vmem_shared>>) offsets(%arg14 : memref<128xi32, #tpu.memory_space<vmem>>) semaphore(%arg21 : memref<!tpu.dma_semaphore, #tpu.memory_space<semaphore_mem>>) {add = true}
      %add3A_639 = arith.constant 2 : i32
      %add3A_640 = arith.addi %add3A_620, %add3A_639 : i32
      %min3A_641 = arith.constant 79 : i32
      %min3A_642 = arith.minsi %add3A_640, %min3A_641 : i32
      %get3A_643 = arith.index_cast %min3A_642 : i32 to index
      %get3A_644 = arith.constant 0 : index
      %get3A_645 = tpu.vector_load %arg6[%get3A_643, %get3A_644] {strides = array<i32>} : memref<80x128xi32, #tpu.memory_space<vmem>>, vector<16xi32>,
      %and3A_646 = arith.constant 65535 : i32
      %and3A_647 = vector.broadcast %and3A_646 : i32 to vector<16xi32>
      %and3A_648 = arith.andi %get3A_645, %and3A_647 : vector<16xi32>
      %swap3A_649 = arith.constant 0 : index
      %swap3A_650 = tpu.vector_load %arg8[%swap3A_649] {strides = array<i32>} : memref<128xi32, #tpu.memory_space<vmem>>, vector<16xi32>,
      tpu.vector_store %arg8[%swap3A_649], %and3A_648 {strides = array<i32>} : memref<128xi32, #tpu.memory_space<vmem>>, vector<16xi32>,
      %shift_right_logical3A_651 = arith.constant 16 : i32
      %shift_right_logical3A_652 = vector.broadcast %shift_right_logical3A_651 : i32 to vector<16xi32>
      %shift_right_logical3A_653 = arith.shrui %get3A_645, %shift_right_logical3A_652 : vector<16xi32>
      %swap3A_654 = arith.constant 0 : index
      %swap3A_655 = tpu.vector_load %arg12[%swap3A_654] {strides = array<i32>} : memref<128xi32, #tpu.memory_space<vmem>>, vector<16xi32>,
      tpu.vector_store %arg12[%swap3A_654], %shift_right_logical3A_653 {strides = array<i32>} : memref<128xi32, #tpu.memory_space<vmem>>, vector<16xi32>,
      %get3A_656 = arith.index_cast %min3A_642 : i32 to index
      %get3A_657 = arith.constant 16 : index
      %get3A_658 = tpu.vector_load %arg6[%get3A_656, %get3A_657] {strides = array<i32>} : memref<80x128xi32, #tpu.memory_space<vmem>>, vector<16xi32>,
      %and3A_659 = arith.constant 65535 : i32
      %and3A_660 = vector.broadcast %and3A_659 : i32 to vector<16xi32>
      %and3A_661 = arith.andi %get3A_658, %and3A_660 : vector<16xi32>
      %swap3A_662 = arith.constant 16 : index
      %swap3A_663 = tpu.vector_load %arg8[%swap3A_662] {strides = array<i32>} : memref<128xi32, #tpu.memory_space<vmem>>, vector<16xi32>,
      tpu.vector_store %arg8[%swap3A_662], %and3A_661 {strides = array<i32>} : memref<128xi32, #tpu.memory_space<vmem>>, vector<16xi32>,
      %shift_right_logical3A_664 = arith.constant 16 : i32
      %shift_right_logical3A_665 = vector.broadcast %shift_right_logical3A_664 : i32 to vector<16xi32>
      %shift_right_logical3A_666 = arith.shrui %get3A_658, %shift_right_logical3A_665 : vector<16xi32>
      %swap3A_667 = arith.constant 16 : index
      %swap3A_668 = tpu.vector_load %arg12[%swap3A_667] {strides = array<i32>} : memref<128xi32, #tpu.memory_space<vmem>>, vector<16xi32>,
      tpu.vector_store %arg12[%swap3A_667], %shift_right_logical3A_666 {strides = array<i32>} : memref<128xi32, #tpu.memory_space<vmem>>, vector<16xi32>,
      %get3A_669 = arith.index_cast %min3A_642 : i32 to index
      %get3A_670 = arith.constant 32 : index
      %get3A_671 = tpu.vector_load %arg6[%get3A_669, %get3A_670] {strides = array<i32>} : memref<80x128xi32, #tpu.memory_space<vmem>>, vector<16xi32>,
      %and3A_672 = arith.constant 65535 : i32
      %and3A_673 = vector.broadcast %and3A_672 : i32 to vector<16xi32>
      %and3A_674 = arith.andi %get3A_671, %and3A_673 : vector<16xi32>
      %swap3A_675 = arith.constant 32 : index
      %swap3A_676 = tpu.vector_load %arg8[%swap3A_675] {strides = array<i32>} : memref<128xi32, #tpu.memory_space<vmem>>, vector<16xi32>,
      tpu.vector_store %arg8[%swap3A_675], %and3A_674 {strides = array<i32>} : memref<128xi32, #tpu.memory_space<vmem>>, vector<16xi32>,
      %shift_right_logical3A_677 = arith.constant 16 : i32
      %shift_right_logical3A_678 = vector.broadcast %shift_right_logical3A_677 : i32 to vector<16xi32>
      %shift_right_logical3A_679 = arith.shrui %get3A_671, %shift_right_logical3A_678 : vector<16xi32>
      %swap3A_680 = arith.constant 32 : index
      %swap3A_681 = tpu.vector_load %arg12[%swap3A_680] {strides = array<i32>} : memref<128xi32, #tpu.memory_space<vmem>>, vector<16xi32>,
      tpu.vector_store %arg12[%swap3A_680], %shift_right_logical3A_679 {strides = array<i32>} : memref<128xi32, #tpu.memory_space<vmem>>, vector<16xi32>,
      %get3A_682 = arith.index_cast %min3A_642 : i32 to index
      %get3A_683 = arith.constant 48 : index
      %get3A_684 = tpu.vector_load %arg6[%get3A_682, %get3A_683] {strides = array<i32>} : memref<80x128xi32, #tpu.memory_space<vmem>>, vector<16xi32>,
      %and3A_685 = arith.constant 65535 : i32
      %and3A_686 = vector.broadcast %and3A_685 : i32 to vector<16xi32>
      %and3A_687 = arith.andi %get3A_684, %and3A_686 : vector<16xi32>
      %swap3A_688 = arith.constant 48 : index
      %swap3A_689 = tpu.vector_load %arg8[%swap3A_688] {strides = array<i32>} : memref<128xi32, #tpu.memory_space<vmem>>, vector<16xi32>,
      tpu.vector_store %arg8[%swap3A_688], %and3A_687 {strides = array<i32>} : memref<128xi32, #tpu.memory_space<vmem>>, vector<16xi32>,
      %shift_right_logical3A_690 = arith.constant 16 : i32
      %shift_right_logical3A_691 = vector.broadcast %shift_right_logical3A_690 : i32 to vector<16xi32>
      %shift_right_logical3A_692 = arith.shrui %get3A_684, %shift_right_logical3A_691 : vector<16xi32>
      %swap3A_693 = arith.constant 48 : index
      %swap3A_694 = tpu.vector_load %arg12[%swap3A_693] {strides = array<i32>} : memref<128xi32, #tpu.memory_space<vmem>>, vector<16xi32>,
      tpu.vector_store %arg12[%swap3A_693], %shift_right_logical3A_692 {strides = array<i32>} : memref<128xi32, #tpu.memory_space<vmem>>, vector<16xi32>,
      %get3A_695 = arith.index_cast %min3A_642 : i32 to index
      %get3A_696 = arith.constant 64 : index
      %get3A_697 = tpu.vector_load %arg6[%get3A_695, %get3A_696] {strides = array<i32>} : memref<80x128xi32, #tpu.memory_space<vmem>>, vector<16xi32>,
      %and3A_698 = arith.constant 65535 : i32
      %and3A_699 = vector.broadcast %and3A_698 : i32 to vector<16xi32>
      %and3A_700 = arith.andi %get3A_697, %and3A_699 : vector<16xi32>
      %swap3A_701 = arith.constant 64 : index
      %swap3A_702 = tpu.vector_load %arg8[%swap3A_701] {strides = array<i32>} : memref<128xi32, #tpu.memory_space<vmem>>, vector<16xi32>,
      tpu.vector_store %arg8[%swap3A_701], %and3A_700 {strides = array<i32>} : memref<128xi32, #tpu.memory_space<vmem>>, vector<16xi32>,
      %shift_right_logical3A_703 = arith.constant 16 : i32
      %shift_right_logical3A_704 = vector.broadcast %shift_right_logical3A_703 : i32 to vector<16xi32>
      %shift_right_logical3A_705 = arith.shrui %get3A_697, %shift_right_logical3A_704 : vector<16xi32>
      %swap3A_706 = arith.constant 64 : index
      %swap3A_707 = tpu.vector_load %arg12[%swap3A_706] {strides = array<i32>} : memref<128xi32, #tpu.memory_space<vmem>>, vector<16xi32>,
      tpu.vector_store %arg12[%swap3A_706], %shift_right_logical3A_705 {strides = array<i32>} : memref<128xi32, #tpu.memory_space<vmem>>, vector<16xi32>,
      %get3A_708 = arith.index_cast %min3A_642 : i32 to index
      %get3A_709 = arith.constant 80 : index
      %get3A_710 = tpu.vector_load %arg6[%get3A_708, %get3A_709] {strides = array<i32>} : memref<80x128xi32, #tpu.memory_space<vmem>>, vector<16xi32>,
      %and3A_711 = arith.constant 65535 : i32
      %and3A_712 = vector.broadcast %and3A_711 : i32 to vector<16xi32>
      %and3A_713 = arith.andi %get3A_710, %and3A_712 : vector<16xi32>
      %swap3A_714 = arith.constant 80 : index
      %swap3A_715 = tpu.vector_load %arg8[%swap3A_714] {strides = array<i32>} : memref<128xi32, #tpu.memory_space<vmem>>, vector<16xi32>,
      tpu.vector_store %arg8[%swap3A_714], %and3A_713 {strides = array<i32>} : memref<128xi32, #tpu.memory_space<vmem>>, vector<16xi32>,
      %shift_right_logical3A_716 = arith.constant 16 : i32
      %shift_right_logical3A_717 = vector.broadcast %shift_right_logical3A_716 : i32 to vector<16xi32>
      %shift_right_logical3A_718 = arith.shrui %get3A_710, %shift_right_logical3A_717 : vector<16xi32>
      %swap3A_719 = arith.constant 80 : index
      %swap3A_720 = tpu.vector_load %arg12[%swap3A_719] {strides = array<i32>} : memref<128xi32, #tpu.memory_space<vmem>>, vector<16xi32>,
      tpu.vector_store %arg12[%swap3A_719], %shift_right_logical3A_718 {strides = array<i32>} : memref<128xi32, #tpu.memory_space<vmem>>, vector<16xi32>,
      %get3A_721 = arith.index_cast %min3A_642 : i32 to index
      %get3A_722 = arith.constant 96 : index
      %get3A_723 = tpu.vector_load %arg6[%get3A_721, %get3A_722] {strides = array<i32>} : memref<80x128xi32, #tpu.memory_space<vmem>>, vector<16xi32>,
      %and3A_724 = arith.constant 65535 : i32
      %and3A_725 = vector.broadcast %and3A_724 : i32 to vector<16xi32>
      %and3A_726 = arith.andi %get3A_723, %and3A_725 : vector<16xi32>
      %swap3A_727 = arith.constant 96 : index
      %swap3A_728 = tpu.vector_load %arg8[%swap3A_727] {strides = array<i32>} : memref<128xi32, #tpu.memory_space<vmem>>, vector<16xi32>,
      tpu.vector_store %arg8[%swap3A_727], %and3A_726 {strides = array<i32>} : memref<128xi32, #tpu.memory_space<vmem>>, vector<16xi32>,
      %shift_right_logical3A_729 = arith.constant 16 : i32
      %shift_right_logical3A_730 = vector.broadcast %shift_right_logical3A_729 : i32 to vector<16xi32>
      %shift_right_logical3A_731 = arith.shrui %get3A_723, %shift_right_logical3A_730 : vector<16xi32>
      %swap3A_732 = arith.constant 96 : index
      %swap3A_733 = tpu.vector_load %arg12[%swap3A_732] {strides = array<i32>} : memref<128xi32, #tpu.memory_space<vmem>>, vector<16xi32>,
      tpu.vector_store %arg12[%swap3A_732], %shift_right_logical3A_731 {strides = array<i32>} : memref<128xi32, #tpu.memory_space<vmem>>, vector<16xi32>,
      %get3A_734 = arith.index_cast %min3A_642 : i32 to index
      %get3A_735 = arith.constant 112 : index
      %get3A_736 = tpu.vector_load %arg6[%get3A_734, %get3A_735] {strides = array<i32>} : memref<80x128xi32, #tpu.memory_space<vmem>>, vector<16xi32>,
      %and3A_737 = arith.constant 65535 : i32
      %and3A_738 = vector.broadcast %and3A_737 : i32 to vector<16xi32>
      %and3A_739 = arith.andi %get3A_736, %and3A_738 : vector<16xi32>
      %swap3A_740 = arith.constant 112 : index
      %swap3A_741 = tpu.vector_load %arg8[%swap3A_740] {strides = array<i32>} : memref<128xi32, #tpu.memory_space<vmem>>, vector<16xi32>,
      tpu.vector_store %arg8[%swap3A_740], %and3A_739 {strides = array<i32>} : memref<128xi32, #tpu.memory_space<vmem>>, vector<16xi32>,
      %shift_right_logical3A_742 = arith.constant 16 : i32
      %shift_right_logical3A_743 = vector.broadcast %shift_right_logical3A_742 : i32 to vector<16xi32>
      %shift_right_logical3A_744 = arith.shrui %get3A_736, %shift_right_logical3A_743 : vector<16xi32>
      %swap3A_745 = arith.constant 112 : index
      %swap3A_746 = tpu.vector_load %arg12[%swap3A_745] {strides = array<i32>} : memref<128xi32, #tpu.memory_space<vmem>>, vector<16xi32>,
      tpu.vector_store %arg12[%swap3A_745], %shift_right_logical3A_744 {strides = array<i32>} : memref<128xi32, #tpu.memory_space<vmem>>, vector<16xi32>,
    }
    %scan3A_229 = arith.constant 20 : i32
    %dma_wait3A = arith.constant 0 : i32
    %dma_wait3A_230 = arith.constant 0 : i32
    %dma_wait3A_231 = tpu.memref_slice %arg17[%dma_wait3A, %dma_wait3A_230] : memref<10112x128xf32, #tpu.memory_space<vmem_shared>> -> memref<10112x128xf32, #tpu.memory_space<vmem_shared>>
    tpu.wait_indirect_dma semaphore(%arg21 : memref<!tpu.dma_semaphore, #tpu.memory_space<semaphore_mem>>) src(%arg16 : memref<128x128xf32, #tpu.memory_space<vmem>>) dst(%dma_wait3A_231 : memref<10112x128xf32, #tpu.memory_space<vmem_shared>>)
    %barrier3A_232 = arith.constant 0 : index
    tpu.barrier barrier_id(%barrier3A_232)
    %mul3A_233 = arith.constant 632 : i32
    %mul3A_234 = arith.muli %arg1, %mul3A_233 : i32
    %mul3A_235 = arith.constant 632 : i32
    %mul3A_236 = arith.muli %arg1, %mul3A_235 : i32
    "tpu.region"() ({
      %run_scoped3A = tpu.sem_alloc : memref<!tpu.dma_semaphore, #tpu.memory_space<semaphore_mem>>
      %dma_start3A_237 = arith.constant 0 : i32
      %dma_start3A_238 = tpu.memref_slice %arg5[%arg0, %mul3A_236, %dma_start3A_237] : memref<2x10112x128xf32, #tpu.memory_space<hbm>> -> memref<1x632x128xf32, #tpu.memory_space<hbm>>
      %dma_start3A_239 = tpu.memref_squeeze %dma_start3A_238 : memref<1x632x128xf32, #tpu.memory_space<hbm>> -> memref<632x128xf32, #tpu.memory_space<hbm>>
      %dma_start3A_240 = arith.constant 0 : i32
      %dma_start3A_241 = tpu.memref_slice %arg17[%mul3A_234, %dma_start3A_240] : memref<10112x128xf32, #tpu.memory_space<vmem_shared>> -> memref<632x128xf32, #tpu.memory_space<vmem_shared>>
      tpu.enqueue_dma source(%dma_start3A_241 : memref<632x128xf32, #tpu.memory_space<vmem_shared>>) target(%dma_start3A_239 : memref<632x128xf32, #tpu.memory_space<hbm>>) target_semaphore(%run_scoped3A : memref<!tpu.dma_semaphore, #tpu.memory_space<semaphore_mem>>)
      %dma_wait3A_242 = arith.constant 0 : i32
      %dma_wait3A_243 = tpu.memref_slice %arg5[%arg0, %mul3A_236, %dma_wait3A_242] : memref<2x10112x128xf32, #tpu.memory_space<hbm>> -> memref<1x632x128xf32, #tpu.memory_space<hbm>>
      %dma_wait3A_244 = tpu.memref_squeeze %dma_wait3A_243 : memref<1x632x128xf32, #tpu.memory_space<hbm>> -> memref<632x128xf32, #tpu.memory_space<hbm>>
      %dma_wait3A_245 = arith.constant 0 : i32
      %dma_wait3A_246 = tpu.memref_slice %arg17[%mul3A_234, %dma_wait3A_245] : memref<10112x128xf32, #tpu.memory_space<vmem_shared>> -> memref<632x128xf32, #tpu.memory_space<vmem_shared>>
      tpu.wait_dma2 semaphore(%run_scoped3A : memref<!tpu.dma_semaphore, #tpu.memory_space<semaphore_mem>>) src(%dma_wait3A_246 : memref<632x128xf32, #tpu.memory_space<vmem_shared>>) dst(%dma_wait3A_244 : memref<632x128xf32, #tpu.memory_space<hbm>>)
      tpu.yield
    }) : () -> ()
    return
  }
}

module attributes {stable_mosaic.version = 14 : i64} {
  func.func @_tc_in_body(%arg0: memref<32x10112xf32, #tpu.memory_space<vmem>>, %arg1: memref<10112x128xf32, #tpu.memory_space<vmem>>, %arg2: memref<10112x128xf32, #tpu.memory_space<vmem>>) attributes {dimension_semantics = [], scalar_prefetch = 0 : i64, scratch_operands = 0 : i64, tpu.core_type = #tpu.core_type<tc>} {
    %get3A = arith.constant 0 : index
    %get3A_0 = arith.constant 0 : index
    %get3A_1 = vector.load %arg1[%get3A, %get3A_0] : memref<10112x128xf32, #tpu.memory_space<vmem>>, vector<10112x128xf32>
    %get3A_2 = arith.constant 0 : index
    %get3A_3 = arith.constant 0 : index
    %get3A_4 = vector.load %arg0[%get3A_2, %get3A_3] : memref<32x10112xf32, #tpu.memory_space<vmem>>, vector<32x10112xf32>
    %broadcast_in_dim3A = arith.constant 1.000000e+00 : f32
    %broadcast_in_dim3A_5 = vector.broadcast %broadcast_in_dim3A : f32 to vector<32x1xf32>
    %dot_general3A = arith.constant dense<0.000000e+00> : vector<10112x1xf32>
    %dot_general3A_6 = tpu.matmul %get3A_4, %broadcast_in_dim3A_5, %dot_general3A {dimension_numbers = #tpu.dot_dimension_numbers<[0], [0], [1], [1], [0, 1, 1, 1], [], []>, precision = #tpu.contract_precision<fp32>, transpose_lhs_hint = false} : vector<32x10112xf32>, vector<32x1xf32>, vector<10112x1xf32> -> vector<10112x1xf32>
    %max3A = arith.constant 1.000000e+00 : f32
    %max3A_7 = vector.broadcast %max3A : f32 to vector<10112x1xf32>
    %max3A_8 = arith.maximumf %dot_general3A_6, %max3A_7 : vector<10112x1xf32>
    %rsqrt3A = math.rsqrt %max3A_8 : vector<10112x1xf32>
    %mul3A = vector.broadcast %rsqrt3A : vector<10112x1xf32> to vector<10112x128xf32>
    %mul3A_9 = arith.mulf %get3A_1, %mul3A : vector<10112x128xf32>
    %swap3A = arith.constant 0 : index
    %swap3A_10 = arith.constant 0 : index
    %swap3A_11 = vector.load %arg2[%swap3A, %swap3A_10] : memref<10112x128xf32, #tpu.memory_space<vmem>>, vector<10112x128xf32>
    tpu.vector_store %arg2[%swap3A, %swap3A_10], %mul3A_9 {strides = array<i32>} : memref<10112x128xf32, #tpu.memory_space<vmem>>, vector<10112x128xf32>,
    return
  }
}

module attributes {stable_mosaic.version = 14 : i64} {
  func.func @_tc_mid_body(%arg0: memref<2x10112x128xf32, #tpu.memory_space<vmem>>, %arg1: memref<32x10112xf32, #tpu.memory_space<vmem>>, %arg2: memref<1x128xf32, #tpu.memory_space<vmem>>, %arg3: memref<1x128xf32, #tpu.memory_space<vmem>>, %arg4: memref<1x128xf32, #tpu.memory_space<vmem>>, %arg5: memref<128x128xf32, #tpu.memory_space<vmem>>, %arg6: memref<10112x128xf32, #tpu.memory_space<vmem>>) attributes {dimension_semantics = [], scalar_prefetch = 0 : i64, scratch_operands = 0 : i64, tpu.core_type = #tpu.core_type<tc>} {
    %get3A = arith.constant 0 : index
    %get3A_0 = arith.constant 0 : index
    %get3A_1 = arith.constant 0 : index
    %get3A_2 = vector.load %arg0[%get3A, %get3A_0, %get3A_1] : memref<2x10112x128xf32, #tpu.memory_space<vmem>>, vector<2x10112x128xf32>
    %get3A_3 = arith.constant 0 : index
    %get3A_4 = arith.constant 0 : index
    %get3A_5 = vector.load %arg1[%get3A_3, %get3A_4] : memref<32x10112xf32, #tpu.memory_space<vmem>>, vector<32x10112xf32>
    %get3A_6 = arith.constant 0 : index
    %get3A_7 = arith.constant 0 : index
    %get3A_8 = vector.load %arg5[%get3A_6, %get3A_7] : memref<128x128xf32, #tpu.memory_space<vmem>>, vector<128x128xf32>
    %get3A_9 = arith.constant 0 : index
    %get3A_10 = arith.constant 0 : index
    %get3A_11 = vector.load %arg2[%get3A_9, %get3A_10] : memref<1x128xf32, #tpu.memory_space<vmem>>, vector<1x128xf32>
    %get3A_12 = arith.constant 0 : index
    %get3A_13 = arith.constant 0 : index
    %get3A_14 = vector.load %arg3[%get3A_12, %get3A_13] : memref<1x128xf32, #tpu.memory_space<vmem>>, vector<1x128xf32>
    %get3A_15 = arith.constant 0 : index
    %get3A_16 = arith.constant 0 : index
    %get3A_17 = vector.load %arg4[%get3A_15, %get3A_16] : memref<1x128xf32, #tpu.memory_space<vmem>>, vector<1x128xf32>
    %broadcast_in_dim3A = arith.constant 1.000000e+00 : f32
    %broadcast_in_dim3A_18 = vector.broadcast %broadcast_in_dim3A : f32 to vector<32x1xf32>
    %dot_general3A = arith.constant dense<0.000000e+00> : vector<10112x1xf32>
    %dot_general3A_19 = tpu.matmul %get3A_5, %broadcast_in_dim3A_18, %dot_general3A {dimension_numbers = #tpu.dot_dimension_numbers<[0], [0], [1], [1], [0, 1, 1, 1], [], []>, precision = #tpu.contract_precision<fp32>, transpose_lhs_hint = false} : vector<32x10112xf32>, vector<32x1xf32>, vector<10112x1xf32> -> vector<10112x1xf32>
    %max3A = arith.constant 1.000000e+00 : f32
    %max3A_20 = vector.broadcast %max3A : f32 to vector<10112x1xf32>
    %max3A_21 = arith.maximumf %dot_general3A_19, %max3A_20 : vector<10112x1xf32>
    %rsqrt3A = math.rsqrt %max3A_21 : vector<10112x1xf32>
    %slice3A = vector.extract_strided_slice %get3A_2 {offsets = [0, 0, 0], sizes = [1, 10112, 128], strides = [1, 1, 1]} : vector<2x10112x128xf32> to vector<1x10112x128xf32>
    %squeeze3A = vector.shape_cast %slice3A : vector<1x10112x128xf32> to vector<10112x128xf32>
    %slice3A_22 = vector.extract_strided_slice %get3A_2 {offsets = [1, 0, 0], sizes = [1, 10112, 128], strides = [1, 1, 1]} : vector<2x10112x128xf32> to vector<1x10112x128xf32>
    %squeeze3A_23 = vector.shape_cast %slice3A_22 : vector<1x10112x128xf32> to vector<10112x128xf32>
    %add3A = arith.addf %squeeze3A, %squeeze3A_23 : vector<10112x128xf32>
    %mul3A = vector.broadcast %rsqrt3A : vector<10112x1xf32> to vector<10112x128xf32>
    %mul3A_24 = arith.mulf %add3A, %mul3A : vector<10112x128xf32>
    %dot_general3A_25 = arith.constant dense<0.000000e+00> : vector<10112x128xf32>
    %dot_general3A_26 = tpu.matmul %mul3A_24, %get3A_8, %dot_general3A_25 {dimension_numbers = #tpu.dot_dimension_numbers<[1], [0], [0], [1], [0, 0, 1, 1], [], []>, transpose_lhs_hint = false} : vector<10112x128xf32>, vector<128x128xf32>, vector<10112x128xf32> -> vector<10112x128xf32>
    %add3A_27 = vector.broadcast %get3A_11 : vector<1x128xf32> to vector<10112x128xf32>
    %add3A_28 = arith.addf %dot_general3A_26, %add3A_27 : vector<10112x128xf32>
    %iota3A = tpu.iota {dimensions = array<i32: 0>} : vector<10112x128xi32>
    %lt3A = arith.constant 10000 : i32
    %lt3A_29 = vector.broadcast %lt3A : i32 to vector<10112x128xi32>
    %lt3A_30 = arith.cmpi slt, %iota3A, %lt3A_29 : vector<10112x128xi32>
    %jit3A = arith.constant 0.000000e+00 : f32
    %broadcast_in_dim3A_31 = vector.broadcast %jit3A : f32 to vector<10112x128xf32>
    %select_n3A = arith.select %lt3A_30, %add3A_28, %broadcast_in_dim3A_31 : vector<10112x128xi1>, vector<10112x128xf32>
    %reduce_sum3A = arith.constant dense<0.000000e+00> : vector<128xf32>
    %reduce_sum3A_32 = vector.multi_reduction <add>, %select_n3A, %reduce_sum3A [0] : vector<10112x128xf32> to vector<128xf32>
    %broadcast_in_dim3A_33 = vector.shape_cast %reduce_sum3A_32 : vector<128xf32> to vector<1x128xf32>
    %div3A = arith.constant 1.000000e+04 : f32
    %div3A_34 = vector.broadcast %div3A : f32 to vector<1x128xf32>
    %div3A_35 = arith.divf %broadcast_in_dim3A_33, %div3A_34 : vector<1x128xf32>
    %sub3A = vector.broadcast %div3A_35 : vector<1x128xf32> to vector<10112x128xf32>
    %sub3A_36 = arith.subf %add3A_28, %sub3A : vector<10112x128xf32>
    %mul3A_37 = arith.mulf %sub3A_36, %sub3A_36 : vector<10112x128xf32>
    %jit3A_38 = arith.constant 0.000000e+00 : f32
    %broadcast_in_dim3A_39 = vector.broadcast %jit3A_38 : f32 to vector<10112x128xf32>
    %select_n3A_40 = arith.select %lt3A_30, %mul3A_37, %broadcast_in_dim3A_39 : vector<10112x128xi1>, vector<10112x128xf32>
    %reduce_sum3A_41 = arith.constant dense<0.000000e+00> : vector<128xf32>
    %reduce_sum3A_42 = vector.multi_reduction <add>, %select_n3A_40, %reduce_sum3A_41 [0] : vector<10112x128xf32> to vector<128xf32>
    %broadcast_in_dim3A_43 = vector.shape_cast %reduce_sum3A_42 : vector<128xf32> to vector<1x128xf32>
    %div3A_44 = arith.constant 1.000000e+04 : f32
    %div3A_45 = vector.broadcast %div3A_44 : f32 to vector<1x128xf32>
    %div3A_46 = arith.divf %broadcast_in_dim3A_43, %div3A_45 : vector<1x128xf32>
    %add3A_47 = arith.constant 9.99999974E-6 : f32
    %add3A_48 = vector.broadcast %add3A_47 : f32 to vector<1x128xf32>
    %add3A_49 = arith.addf %div3A_46, %add3A_48 : vector<1x128xf32>
    %rsqrt3A_50 = math.rsqrt %add3A_49 : vector<1x128xf32>
    %mul3A_51 = vector.broadcast %rsqrt3A_50 : vector<1x128xf32> to vector<10112x128xf32>
    %mul3A_52 = arith.mulf %sub3A_36, %mul3A_51 : vector<10112x128xf32>
    %mul3A_53 = vector.broadcast %get3A_14 : vector<1x128xf32> to vector<10112x128xf32>
    %mul3A_54 = arith.mulf %mul3A_52, %mul3A_53 : vector<10112x128xf32>
    %add3A_55 = vector.broadcast %get3A_17 : vector<1x128xf32> to vector<10112x128xf32>
    %add3A_56 = arith.addf %mul3A_54, %add3A_55 : vector<10112x128xf32>
    %max3A_57 = arith.constant 0.000000e+00 : f32
    %max3A_58 = vector.broadcast %max3A_57 : f32 to vector<10112x128xf32>
    %max3A_59 = arith.maximumf %add3A_56, %max3A_58 : vector<10112x128xf32>
    %get3A_60 = arith.constant 0 : index
    %get3A_61 = arith.constant 0 : index
    %get3A_62 = vector.load %arg1[%get3A_60, %get3A_61] : memref<32x10112xf32, #tpu.memory_space<vmem>>, vector<32x10112xf32>
    %broadcast_in_dim3A_63 = arith.constant 1.000000e+00 : f32
    %broadcast_in_dim3A_64 = vector.broadcast %broadcast_in_dim3A_63 : f32 to vector<32x1xf32>
    %dot_general3A_65 = arith.constant dense<0.000000e+00> : vector<10112x1xf32>
    %dot_general3A_66 = tpu.matmul %get3A_62, %broadcast_in_dim3A_64, %dot_general3A_65 {dimension_numbers = #tpu.dot_dimension_numbers<[0], [0], [1], [1], [0, 1, 1, 1], [], []>, precision = #tpu.contract_precision<fp32>, transpose_lhs_hint = false} : vector<32x10112xf32>, vector<32x1xf32>, vector<10112x1xf32> -> vector<10112x1xf32>
    %max3A_67 = arith.constant 1.000000e+00 : f32
    %max3A_68 = vector.broadcast %max3A_67 : f32 to vector<10112x1xf32>
    %max3A_69 = arith.maximumf %dot_general3A_66, %max3A_68 : vector<10112x1xf32>
    %rsqrt3A_70 = math.rsqrt %max3A_69 : vector<10112x1xf32>
    %mul3A_71 = vector.broadcast %rsqrt3A_70 : vector<10112x1xf32> to vector<10112x128xf32>
    %mul3A_72 = arith.mulf %max3A_59, %mul3A_71 : vector<10112x128xf32>
    %swap3A = arith.constant 0 : index
    %swap3A_73 = arith.constant 0 : index
    %swap3A_74 = vector.load %arg6[%swap3A, %swap3A_73] : memref<10112x128xf32, #tpu.memory_space<vmem>>, vector<10112x128xf32>
    tpu.vector_store %arg6[%swap3A, %swap3A_73], %mul3A_72 {strides = array<i32>} : memref<10112x128xf32, #tpu.memory_space<vmem>>, vector<10112x128xf32>,
    return
  }
}

module attributes {stable_mosaic.version = 14 : i64} {
  func.func @_tc_out_body(%arg0: memref<2x10112x128xf32, #tpu.memory_space<vmem>>, %arg1: memref<32x10112xf32, #tpu.memory_space<vmem>>, %arg2: memref<1x128xf32, #tpu.memory_space<vmem>>, %arg3: memref<1x128xf32, #tpu.memory_space<vmem>>, %arg4: memref<1x128xf32, #tpu.memory_space<vmem>>, %arg5: memref<128x128xf32, #tpu.memory_space<vmem>>, %arg6: memref<10112x128xf32, #tpu.memory_space<vmem>>) attributes {dimension_semantics = [], scalar_prefetch = 0 : i64, scratch_operands = 0 : i64, tpu.core_type = #tpu.core_type<tc>} {
    %get3A = arith.constant 0 : index
    %get3A_0 = arith.constant 0 : index
    %get3A_1 = arith.constant 0 : index
    %get3A_2 = vector.load %arg0[%get3A, %get3A_0, %get3A_1] : memref<2x10112x128xf32, #tpu.memory_space<vmem>>, vector<2x10112x128xf32>
    %get3A_3 = arith.constant 0 : index
    %get3A_4 = arith.constant 0 : index
    %get3A_5 = vector.load %arg1[%get3A_3, %get3A_4] : memref<32x10112xf32, #tpu.memory_space<vmem>>, vector<32x10112xf32>
    %get3A_6 = arith.constant 0 : index
    %get3A_7 = arith.constant 0 : index
    %get3A_8 = vector.load %arg5[%get3A_6, %get3A_7] : memref<128x128xf32, #tpu.memory_space<vmem>>, vector<128x128xf32>
    %get3A_9 = arith.constant 0 : index
    %get3A_10 = arith.constant 0 : index
    %get3A_11 = vector.load %arg2[%get3A_9, %get3A_10] : memref<1x128xf32, #tpu.memory_space<vmem>>, vector<1x128xf32>
    %get3A_12 = arith.constant 0 : index
    %get3A_13 = arith.constant 0 : index
    %get3A_14 = vector.load %arg3[%get3A_12, %get3A_13] : memref<1x128xf32, #tpu.memory_space<vmem>>, vector<1x128xf32>
    %get3A_15 = arith.constant 0 : index
    %get3A_16 = arith.constant 0 : index
    %get3A_17 = vector.load %arg4[%get3A_15, %get3A_16] : memref<1x128xf32, #tpu.memory_space<vmem>>, vector<1x128xf32>
    %broadcast_in_dim3A = arith.constant 1.000000e+00 : f32
    %broadcast_in_dim3A_18 = vector.broadcast %broadcast_in_dim3A : f32 to vector<32x1xf32>
    %dot_general3A = arith.constant dense<0.000000e+00> : vector<10112x1xf32>
    %dot_general3A_19 = tpu.matmul %get3A_5, %broadcast_in_dim3A_18, %dot_general3A {dimension_numbers = #tpu.dot_dimension_numbers<[0], [0], [1], [1], [0, 1, 1, 1], [], []>, precision = #tpu.contract_precision<fp32>, transpose_lhs_hint = false} : vector<32x10112xf32>, vector<32x1xf32>, vector<10112x1xf32> -> vector<10112x1xf32>
    %max3A = arith.constant 1.000000e+00 : f32
    %max3A_20 = vector.broadcast %max3A : f32 to vector<10112x1xf32>
    %max3A_21 = arith.maximumf %dot_general3A_19, %max3A_20 : vector<10112x1xf32>
    %rsqrt3A = math.rsqrt %max3A_21 : vector<10112x1xf32>
    %slice3A = vector.extract_strided_slice %get3A_2 {offsets = [0, 0, 0], sizes = [1, 10112, 128], strides = [1, 1, 1]} : vector<2x10112x128xf32> to vector<1x10112x128xf32>
    %squeeze3A = vector.shape_cast %slice3A : vector<1x10112x128xf32> to vector<10112x128xf32>
    %slice3A_22 = vector.extract_strided_slice %get3A_2 {offsets = [1, 0, 0], sizes = [1, 10112, 128], strides = [1, 1, 1]} : vector<2x10112x128xf32> to vector<1x10112x128xf32>
    %squeeze3A_23 = vector.shape_cast %slice3A_22 : vector<1x10112x128xf32> to vector<10112x128xf32>
    %add3A = arith.addf %squeeze3A, %squeeze3A_23 : vector<10112x128xf32>
    %mul3A = vector.broadcast %rsqrt3A : vector<10112x1xf32> to vector<10112x128xf32>
    %mul3A_24 = arith.mulf %add3A, %mul3A : vector<10112x128xf32>
    %dot_general3A_25 = arith.constant dense<0.000000e+00> : vector<10112x128xf32>
    %dot_general3A_26 = tpu.matmul %mul3A_24, %get3A_8, %dot_general3A_25 {dimension_numbers = #tpu.dot_dimension_numbers<[1], [0], [0], [1], [0, 0, 1, 1], [], []>, transpose_lhs_hint = false} : vector<10112x128xf32>, vector<128x128xf32>, vector<10112x128xf32> -> vector<10112x128xf32>
    %add3A_27 = vector.broadcast %get3A_11 : vector<1x128xf32> to vector<10112x128xf32>
    %add3A_28 = arith.addf %dot_general3A_26, %add3A_27 : vector<10112x128xf32>
    %iota3A = tpu.iota {dimensions = array<i32: 0>} : vector<10112x128xi32>
    %lt3A = arith.constant 10000 : i32
    %lt3A_29 = vector.broadcast %lt3A : i32 to vector<10112x128xi32>
    %lt3A_30 = arith.cmpi slt, %iota3A, %lt3A_29 : vector<10112x128xi32>
    %jit3A = arith.constant 0.000000e+00 : f32
    %broadcast_in_dim3A_31 = vector.broadcast %jit3A : f32 to vector<10112x128xf32>
    %select_n3A = arith.select %lt3A_30, %add3A_28, %broadcast_in_dim3A_31 : vector<10112x128xi1>, vector<10112x128xf32>
    %reduce_sum3A = arith.constant dense<0.000000e+00> : vector<128xf32>
    %reduce_sum3A_32 = vector.multi_reduction <add>, %select_n3A, %reduce_sum3A [0] : vector<10112x128xf32> to vector<128xf32>
    %broadcast_in_dim3A_33 = vector.shape_cast %reduce_sum3A_32 : vector<128xf32> to vector<1x128xf32>
    %div3A = arith.constant 1.000000e+04 : f32
    %div3A_34 = vector.broadcast %div3A : f32 to vector<1x128xf32>
    %div3A_35 = arith.divf %broadcast_in_dim3A_33, %div3A_34 : vector<1x128xf32>
    %sub3A = vector.broadcast %div3A_35 : vector<1x128xf32> to vector<10112x128xf32>
    %sub3A_36 = arith.subf %add3A_28, %sub3A : vector<10112x128xf32>
    %mul3A_37 = arith.mulf %sub3A_36, %sub3A_36 : vector<10112x128xf32>
    %jit3A_38 = arith.constant 0.000000e+00 : f32
    %broadcast_in_dim3A_39 = vector.broadcast %jit3A_38 : f32 to vector<10112x128xf32>
    %select_n3A_40 = arith.select %lt3A_30, %mul3A_37, %broadcast_in_dim3A_39 : vector<10112x128xi1>, vector<10112x128xf32>
    %reduce_sum3A_41 = arith.constant dense<0.000000e+00> : vector<128xf32>
    %reduce_sum3A_42 = vector.multi_reduction <add>, %select_n3A_40, %reduce_sum3A_41 [0] : vector<10112x128xf32> to vector<128xf32>
    %broadcast_in_dim3A_43 = vector.shape_cast %reduce_sum3A_42 : vector<128xf32> to vector<1x128xf32>
    %div3A_44 = arith.constant 1.000000e+04 : f32
    %div3A_45 = vector.broadcast %div3A_44 : f32 to vector<1x128xf32>
    %div3A_46 = arith.divf %broadcast_in_dim3A_43, %div3A_45 : vector<1x128xf32>
    %add3A_47 = arith.constant 9.99999974E-6 : f32
    %add3A_48 = vector.broadcast %add3A_47 : f32 to vector<1x128xf32>
    %add3A_49 = arith.addf %div3A_46, %add3A_48 : vector<1x128xf32>
    %rsqrt3A_50 = math.rsqrt %add3A_49 : vector<1x128xf32>
    %mul3A_51 = vector.broadcast %rsqrt3A_50 : vector<1x128xf32> to vector<10112x128xf32>
    %mul3A_52 = arith.mulf %sub3A_36, %mul3A_51 : vector<10112x128xf32>
    %mul3A_53 = vector.broadcast %get3A_14 : vector<1x128xf32> to vector<10112x128xf32>
    %mul3A_54 = arith.mulf %mul3A_52, %mul3A_53 : vector<10112x128xf32>
    %add3A_55 = vector.broadcast %get3A_17 : vector<1x128xf32> to vector<10112x128xf32>
    %add3A_56 = arith.addf %mul3A_54, %add3A_55 : vector<10112x128xf32>
    %max3A_57 = arith.constant 0.000000e+00 : f32
    %max3A_58 = vector.broadcast %max3A_57 : f32 to vector<10112x128xf32>
    %max3A_59 = arith.maximumf %add3A_56, %max3A_58 : vector<10112x128xf32>
    %swap3A = arith.constant 0 : index
    %swap3A_60 = arith.constant 0 : index
    %swap3A_61 = vector.load %arg6[%swap3A, %swap3A_60] : memref<10112x128xf32, #tpu.memory_space<vmem>>, vector<10112x128xf32>
    tpu.vector_store %arg6[%swap3A, %swap3A_60], %max3A_59 {strides = array<i32>} : memref<10112x128xf32, #tpu.memory_space<vmem>>, vector<10112x128xf32>,
    return
  }
}

</mosaic_0001>

<sc_bundles>
// kernel: kernel.11.cloned.1.call-start
scs
__scs_entry_jumppad:
0x0: {  	(pc) =	sbr.rel $0x88, $3  }
0x1: {  	(tag) =	ssettag $0x0;
	lr =	simm.s32 $0x1  }
0x2: {  	[smem:$0x3F97] =	sst lr;
	_ =	strace $0xD0000000  }
0x3: {  	_ = 	snop  }
0x4: {  	_ = 	snop  }
0x5: {  	_ = 	snop  }
0x6: {  	_ = 	snop  }
0x7: {  	_ = 	snop  }
__scs_overlays_trampoline_lowered:
0x8: {  	[smem:$0x3FA6] =	sst s0  }
0x9: {  	[smem:$0x3FA7] =	sst s1  }
0xa: {  	[smem:$0x3FA8] =	sst s2  }
0xb: {  	[smem:$0x3FA9] =	sst s3  }
0xc: {  	[smem:$0x3FAA] =	sst s4  }
0xd: {  	[smem:$0x3FAB] =	sst s5  }
0xe: {  	[smem:$0x3FAC] =	sst s6  }
0xf: {  	[smem:$0x3FAD] =	sst s7  }
0x10: {  	[smem:$0x3FAE] =	sst s8  }
0x11: {  	[smem:$0x3FAF] =	sst s9;
	s0 =	simm.s32 @!p0 $0x0  }
0x12: {  	s1 =	sld [smem:$0x3F95];
	s0 =	simm.s32 @p0 $0x1  }
0x13: {  	[smem:$0x3FB0] =	sst s0;
	s0 =	simm.s32 @!p1 $0x0  }
0x14: {  	s2 =	sld [smem:$0x3F94];
	s0 =	simm.s32 @p1 $0x1  }
0x15: {  	[smem:$0x3FB1] =	sst s0;
	s0 =	simm.s32 @!p2 $0x0  }
0x16: {  	s3 =	sld [smem:$0x3FDB];
	s0 =	simm.s32 @p2 $0x1  }
0x17: {  	s4 =	simm.s32 $0x1BF5;
	[smem:$0x3FB3] =	sst s0  }
0x18: {  	s0 =	sld [smem:$0x3F96];
	_ =	swait.ge [sflag:s4], $0x0  }
0x19: {  	s7 =	sld [smem:$0x3F97]  }
0x1a: {  	s8 =	sadd.s32 $0xFFFFE003, lr  }
0x1b: {  	s9 =	sadd.s32 $0xFFFFFEF7, lr;
	s5 =	simm.s32 $0xFFFFFFFF;
	p2 =	slt.u32 s8, $0xFFFFF086  }
0x1c: {  	p1 =	slt.u32 s9, $0xF7A;
	s5 =	simm.s32 @!p2 $0x0  }
0x1d: {  	s5 =	simm.s32 @p1 $0x1;
	p0 =	seq.s32 s7, s2  }
0x1e: {  	s7 =	smul.u32 @!p0 $0xF7A, s2;
	p2 =	seq.s32 @!p0 s5, $0x0  }
0x1f: {  	s9 =	smul.u32 $0xF7A, s1;
	s8 =	simm.s32 @!p0 $0x1BF5;
	p2 =	por !p2, p0  }
0x20: {  	[sflag:s8] =	ssyncset.s32 @!p0 $0xFFFFF086;
	s6 =	sadd.s32 @!p0 s3, s7;
	s7 =	simm.s32 @!p0 $0x108  }
0x21: {  	s3 =	sadd.s32 s3, s9;
	s6 =	sadd.s32 @!p0 $0x88, s6;
	s7 =	simm.s32 @p2 $0x1082  }
0x22: {  	[simem:s7], [sflag:s8] =	dma.local @!p0 [hbm:s6], $0xF7A  }
0x23: {  	s9 =	sor.u32 $0xD0000000, s2;
	s6 =	simm.s32 $0x108;
	_ =	swait.ge @!p0 [sflag:s8], $0x0  }
0x24: {  	s3 =	sadd.s32 $0x88, s3;
	s6 =	simm.s32 @!p1 $0x1082;
	[sflag:s4] =	ssyncset.s32 $0xFFFFF086  }
0x25: {  	[simem:s6], [sflag:s4] =	dma.local [hbm:s3], $0xF7A  }
0x26: {  	[smem:$0x3F97] =	sst s1;
	(tag) =	ssettag s2;
	_ =	strace s9  }
0x27: {  	s1 =	sld [smem:$0x3FA7]  }
0x28: {  	s2 =	sld [smem:$0x3FA8]  }
0x29: {  	s4 =	sld [smem:$0x3FAA]  }
0x2a: {  	p0 =	seq.s32 s5, $0x0;
	s5 =	sld [smem:$0x3FAB]  }
0x2b: {  	s6 =	sld [smem:$0x3FAC]  }
0x2c: {  	s7 =	sld [smem:$0x3FAD]  }
0x2d: {  	s3 =	simm.s32 $0x108;
	s8 =	sld [smem:$0x3FAE]  }
0x2e: {  	s3 =	simm.s32 @!p0 $0x1082;
	s9 =	sld [smem:$0x3FAF]  }
0x2f: {  	lr =	sadd.s32 s0, s3;
	s0 =	sld [smem:$0x3FA6]  }
0x30: {  	s3 =	sld [smem:$0x3FA9]  }
0x31: {  	[smem:$0x3FB2] =	sst s10  }
0x32: {  	s10 =	sld [smem:$0x3FB0];
	_ =	sdelay $0x3  }
0x33: {  	p0 =	seq.s32 s10, $0x1;
	s10 =	sld [smem:$0x3FB2];
	_ =	sdelay $0x3  }
0x34: {  	[smem:$0x3FB2] =	sst s10  }
0x35: {  	s10 =	sld [smem:$0x3FB1];
	_ =	sdelay $0x3  }
0x36: {  	p1 =	seq.s32 s10, $0x1;
	s10 =	sld [smem:$0x3FB2];
	_ =	sdelay $0x3  }
0x37: {  	[smem:$0x3FB2] =	sst s10  }
0x38: {  	s10 =	sld [smem:$0x3FB3]  }
0x39: {  	_ = 	snop;
	(pc) =	sbr.ind lr, $3  }
0x3a: {  	_ = 	snop  }
0x3b: {  	_ = 	snop  }
0x3c: {  	p2 =	seq.s32 s10, $0x1;
	s10 =	sld [smem:$0x3FB2]  }
0x3d: {  	_ =	shalt  }
0x3e: {  	_ =	shalt  }
0x3f: {  	_ =	shalt  }
0x40: {  	_ =	shalt  }
0x41: {  	_ =	shalt  }
0x42: {  	_ =	shalt  }
0x43: {  	_ =	shalt  }
0x44: {  	_ =	shalt  }
0x45: {  	_ =	shalt  }
0x46: {  	_ =	shalt  }
0x47: {  	_ =	shalt  }
0x48: {  	_ =	shalt  }
0x49: {  	_ =	shalt  }
0x4a: {  	_ =	shalt  }
0x4b: {  	_ =	shalt  }
0x4c: {  	_ =	shalt  }
0x4d: {  	_ =	shalt  }
0x4e: {  	_ =	shalt  }
0x4f: {  	_ =	shalt  }
0x50: {  	_ =	shalt  }
0x51: {  	_ =	shalt  }
0x52: {  	_ =	shalt  }
0x53: {  	_ =	shalt  }
0x54: {  	_ =	shalt  }
0x55: {  	_ =	shalt  }
0x56: {  	_ =	shalt  }
0x57: {  	_ =	shalt  }
0x58: {  	_ =	shalt  }
0x59: {  	_ =	shalt  }
0x5a: {  	_ =	shalt  }
0x5b: {  	_ =	shalt  }
0x5c: {  	_ =	shalt  }
0x5d: {  	_ =	shalt  }
0x5e: {  	_ =	shalt  }
0x5f: {  	_ =	shalt  }
0x60: {  	_ =	shalt  }
0x61: {  	_ =	shalt  }
0x62: {  	_ =	shalt  }
0x63: {  	_ =	shalt  }
0x64: {  	_ =	shalt  }
0x65: {  	_ =	shalt  }
0x66: {  	_ =	shalt  }
0x67: {  	_ =	shalt  }
0x68: {  	_ =	shalt  }
0x69: {  	_ =	shalt  }
0x6a: {  	_ =	shalt  }
0x6b: {  	_ =	shalt  }
0x6c: {  	_ =	shalt  }
0x6d: {  	_ =	shalt  }
0x6e: {  	_ =	shalt  }
0x6f: {  	_ =	shalt  }
0x70: {  	_ =	shalt  }
0x71: {  	_ =	shalt  }
0x72: {  	_ =	shalt  }
0x73: {  	_ =	shalt  }
0x74: {  	_ =	shalt  }
0x75: {  	_ =	shalt  }
0x76: {  	_ =	shalt  }
0x77: {  	_ =	shalt  }
0x78: {  	_ =	shalt  }
0x79: {  	_ =	shalt  }
0x7a: {  	_ =	shalt  }
0x7b: {  	_ =	shalt  }
0x7c: {  	_ =	shalt  }
0x7d: {  	_ =	shalt  }
0x7e: {  	_ =	shalt  }
0x7f: {  	_ =	shalt  }
0x80: {  	_ =	shalt  }
0x81: {  	_ =	shalt  }
0x82: {  	_ =	shalt  }
0x83: {  	_ =	shalt  }
0x84: {  	_ =	shalt  }
0x85: {  	_ =	shalt  }
0x86: {  	_ =	shalt  }
0x87: {  	_ =	shalt  }
.Lfunc_end0:
.L_simem_size_0:
called_computation.1_lowered:
.L_overlay_start_0:
0x88: {  	s2 =	sld [smem:$0x3FD9]  }
0x89: {  	s3 =	sld [smem:$0x3FFE];
	_ =	sdelay $0x1  }
0x8a: {  	s1 =	srdreg.scid  }
0x8b: {  	s0 =	sand.u32 $0x1, s1  }
0x8c: {  	s17 =	sshll.u32 s0, $0xA;
	s2 =	sadd.s32 s3, s2  }
0x8d: {  	s2 =	sadd.s32 s2, s17  }
0x8e: {  	[smem:$0x3FBE] =	sst s2  }
0x8f: {  	_ = 	snop  }
0x90: {  	s2 =	sld [smem:$0x3FD0];
	(tm) =	ssettm $0x1  }
0x91: {  	s18 =	sld [smem:$0x3FFB];
	_ =	sdelay $0x3  }
0x92: {  	_ =	strace s18  }
0x93: {  	s3 =	sld [smem:$0x3FFC];
	_ =	sdelay $0x3  }
0x94: {  	_ =	strace s3  }
0x95: {  	s3 =	sld [smem:$0x3FFD];
	_ =	sdelay $0x3  }
0x96: {  	_ =	strace s3  }
0x97: {  	_ =	strace $0x8FFFFFFF  }
0x98: {  	s19 =	sld [smem:$0x3FDB];
	_ =	sdelay $0x1  }
0x99: {  	s4 =	simm.s32 $_scs_section_size  }
0x9a: {  	s5 =	simm.s32 $_size__tile_overlayer_lowered;
	s6 =	simm.s32 $_tile_overlayer_lowered  }
0x9b: {  	s22 =	simm.s32 $0x1BFF;
	s21 =	sshll.u32 s6, $0x1;
	s3 =	sadd.s32 s4, s19  }
0x9c: {  	s7 =	simm.s32 $0x0;
	s20 =	sshll.u32 s5, $0x1;
	s5 =	sadd.s32 s21, s3  }
0x9d: {  	[timem:s7], [sflag:s22] =	dma.local [hbm:s5], s20  }
0x9e: {  	_ =	swait.ge [sflag:s22], s20  }
0x9f: {  	s4 =	ssub.s32 $0x0, s20;
	[sflag:s22] =	ssyncset.done $0x0  }
0xa0: {  	[sflag:s22] =	ssyncadd.s32 s4;
	_ =	sdelay $0x1  }
0xa1: {  	s23 =	simm.s32 $0x1B8B  }
0xa2: {  	_ =	swait.ge [sflag:s23], $0x1  }
0xa3: {  	[sflag:s23] =	ssyncset.done $0x0  }
0xa4: {  	s25 =	simm.s32 $0x1B8E;
	s24 =	sld [smem:$0x3FFE];
	[sflag:s23] =	ssyncadd.s32 $0xFFFFFFFF  }
0xa5: {  	s26 =	simm.s32 $execute0_lowered;
	[smem:$0x3FD2] =	sst s25  }
0xa6: {  	s5 =	sshll.u32 s26, $0x1;
	_ =	strace $0x80000049;
	[dreg:$0x1] =	wrdreg $0xFFFFFFFF  }
0xa7: {  	s28 =	simm.s32 $_size_execute0_lowered;
	s3 =	sadd.s32 s3, s5;
	[dreg:$0x0] =	wrdreg $0x0  }
0xa8: {  	s5 =	sshll.u32 s28, $0x1;
	[dreg:$0x2] =	wrdreg s3  }
0xa9: {  	[dreg:$0x3] =	wrdreg s5  }
0xaa: {  	[dreg:$0x4] =	wrdreg $0xC0  }
0xab: {  	_ =	task [dreg:s7], $0x5FFFF  }
0xac: {  	[dreg:$0x1] =	wrdreg $0xFFFFFFFF  }
0xad: {  	[dreg:$0x0] =	wrdreg $0x60  }
0xae: {  	[dreg:$0x2] =	wrdreg s24  }
0xaf: {  	[dreg:$0x3] =	wrdreg s2  }
0xb0: {  	[dreg:$0x4] =	wrdreg $0xAC000  }
0xb1: {  	[dreg:$0x5] =	wrdreg $0x9  }
0xb2: {  	_ =	task.clear_ibuf [dreg:s7], $0x6FFFF;
	_ =	strace $0x90000049  }
0xb3: {  	s29 =	simm.s32 $0x9;
	_ =	strace $0x8000004B  }
0xb4: {  	_ =	swait.ge [sflag:s29], $0x1  }
0xb5: {  	[sflag:s29] =	ssyncadd.s32 $0xFFFFFFFF  }
0xb6: {  	_ =	strace $0x9000004B  }
0xb7: {  	_ =	sfence  }
0xb8: {  	s30 =	sld [smem:$0x0];
	_ =	sdelay $0x2  }
0xb9: {  	s31 =	sshll.u32 s1, $0xD;
	s1 =	sshrl.u32 s1, $0x2  }
0xba: {  	s3 =	sand.u32 $0x4000, s31;
	s1 =	sadd.s32 s1, s30  }
0xbb: {  	s0 =	sor.u32 s3, s0;
	s1 =	sshll.u32 s1, $0x11  }
0xbc: {  	s0 =	sor.u32 s1, s0  }
0xbd: {  	s0 =	sadd.s32 $0x8F2B, s0  }
0xbe: {  	[sflag:s0] =	ssyncadd.remote.s32 $0x1  }
0xbf: {  	_ =	sfence.sel $0xFFFF  }
0xc0: {  	[dreg:$0x0] =	wrdreg $0xFFFFFFFF;
	(pc) =	sbr.abs _section_cstart, $3  }
0xc1: {  	[dreg:$0x1] =	wrdreg $0xFFFFFFFF  }
0xc2: {  	_ =	task.clear_ibuf [dreg:s7], $0x2FFFF;
	_ =	strace $0x9FFFFFFF  }
0xc3: {  	(tm) =	ssettm $0x7FFFFFFF  }
tec
execute0_lowered:
.L_overlay_start_1:
0x0: {  	(tag) =	ssettag $0x1  }
0x1: {  	s0 =	rddreg [dreg:$0x0]  }
0x2: {  	s3 =	rddreg [dreg:$0x2]  }
0x3: {  	s1 =	srdreg.scid;
	s2 =	stileid.u32;
	s4 =	simm.s32 $0x0  }
0x4: {  	s12 =	simm.s32 $0x80;
	s14 =	simm.s32 $0x2C00;
	s15 =	simm.s32 $0x1  }
0x5: {  	s16 =	simm.s32 $0x2880;
	s17 =	simm.s32 $0x6C00;
	s18 =	simm.s32 $0x2A00  }
0x6: {  	s19 =	simm.s32 $0x2;
	s20 =	simm.s32 $0x3;
	s21 =	simm.s32 $0x2900  }
0x7: {  	s22 =	simm.s32 $0x2A80;
	s23 =	simm.s32 $0x4;
	s24 =	simm.s32 $0x2980  }
0x8: {  	s25 =	simm.s32 $0x2B00;
	s26 =	simm.s32 $0x2B80;
	s28 =	simm.s32 $0x0  }
0x9: {  	s1 =	sand.u32 $0x1, s1;
	s5 =	sshll.u32 s2, $0x1;
	s8 =	smul.u32 $0x13C00, s2  }
0xa: {  	[smem:$0x7FF] =	sst s4;
	s29 =	smul.u32 $0x4F000, s2;
	s31 =	sshll.u32 s2, $0x6  }
0xb: {  	s6 =	smul.u32 $0x13C000, s1;
	s7 =	sor.u32 s1, s5;
	_ =	strace $0x8000004A  }
0xc: {  	s5 =	sadd.s32 $0x16600, s0;
	s1 =	ssub.s32 $0x2, s1;
	s10 =	sor.u32 $0x1C05, s31  }
0xd: {  	s7 =	smul.u32 $0x500, s7;
	s9 =	sshrl.u32 s1, $0x1;
	s6 =	sadd.s32 s8, s6  }
0xe: {  	s1 =	ssub.s32 s1, s9;
	s8 =	sshrl.u32 s29, $0x2;
	s9 =	simm.s32 $0x5  }
0xf: {  	s7 =	sadd.s32 s7, s0;
	s6 =	sshrl.u32 s6, $0x3;
	s11 =	sadd.s32 s8, s3  }
0x10: {  	s8 =	smax.u32 s1, $0x1;
	s0 =	sadd.s32 s6, s0;
	s30 =	sadd.s32 $0xC600, s7  }
0x11: {  	s11 =	sshrl.u32 s11, $0x3;
	[dreg:$0x4] =	wrdreg s30;
	s7 =	sadd.s32 $0x3DE00, s0  }
.LBB2_1:
0x12: {  	s0 =	rddreg [dreg:$0x4]  }
0x13: {  	[tilespmem:s4], [sflag:$0x5] =	stream.linear.gather [hbm4b:s0+s4], $0x2800, $0x38;
	[tilespmem:$0x1E800] =	vst v63  }
0x14: {  	_ =	swait.ge [sflag:s9], $0x2800  }
0x15: {  	[sflag:s9] =	ssyncset.done $0x0  }
0x16: {  	[sflag:s9] =	ssyncadd.s32 $0xFFFFD800  }
0x17: {  	s2 =	rddreg [dreg:$0x1]  }
0x18: {  	[spmem:s11], [sflag:s10] =	dma.local [hbm:s2], $0x2780  }
0x19: {  	_ =	swait.ge [sflag:s9], $0x2780  }
0x1a: {  	[sflag:s9] =	ssyncset.done $0x0  }
0x1b: {  	[sflag:s9] =	ssyncadd.s32 $0xFFFFD880  }
0x1c: {  	[bflag:$0x0] =	sbarrier.arrive $0xFFFF  }
0x1d: {  	v0 =	vld [tilespmem:$0x0];
	_ =	sdelay $0x1  }
0x1e: {  	v1 =	vld [tilespmem:$0x10];
	_ =	sdelay $0x1  }
0x1f: {  	v2 =	vld [tilespmem:$0x20]  }
0x20: {  	v3 =	vand.u32 $0xFFFF, v0  }
0x21: {  	v0 =	vshrl.u32 v0, $0x10;
	[tilespmem:$0x2800] =	vst v3;
	v3 =	vld [tilespmem:$0x30]  }
0x22: {  	[tilespmem:$0x2A00] =	vst v0;
	v0 =	vand.u32 $0xFFFF, v1  }
0x23: {  	[tilespmem:$0x2810] =	vst v0;
	v0 =	vshrl.u32 v1, $0x10;
	v1 =	vld [tilespmem:$0x40]  }
0x24: {  	[tilespmem:$0x2A10] =	vst v0;
	v0 =	vand.u32 $0xFFFF, v2  }
0x25: {  	[tilespmem:$0x2820] =	vst v0;
	v0 =	vshrl.u32 v2, $0x10;
	v2 =	vld [tilespmem:$0x50]  }
0x26: {  	[tilespmem:$0x2A20] =	vst v0;
	v0 =	vand.u32 $0xFFFF, v3  }
0x27: {  	[tilespmem:$0x2830] =	vst v0;
	v0 =	vshrl.u32 v3, $0x10;
	v3 =	vld [tilespmem:$0x60]  }
0x28: {  	[tilespmem:$0x2A30] =	vst v0;
	v0 =	vand.u32 $0xFFFF, v1  }
0x29: {  	[tilespmem:$0x2840] =	vst v0;
	v0 =	vshrl.u32 v1, $0x10;
	v1 =	vld [tilespmem:$0x70]  }
0x2a: {  	[tilespmem:$0x2A40] =	vst v0;
	v0 =	vand.u32 $0xFFFF, v2  }
0x2b: {  	[tilespmem:$0x2850] =	vst v0;
	v0 =	vshrl.u32 v2, $0x10;
	v2 =	vld [tilespmem:$0x80]  }
0x2c: {  	[tilespmem:$0x2A50] =	vst v0;
	v0 =	vand.u32 $0xFFFF, v3  }
0x2d: {  	[tilespmem:$0x2860] =	vst v0;
	v0 =	vshrl.u32 v3, $0x10;
	v3 =	vld [tilespmem:$0x90]  }
0x2e: {  	[tilespmem:$0x2A60] =	vst v0;
	v0 =	vand.u32 $0xFFFF, v1  }
0x2f: {  	[tilespmem:$0x2870] =	vst v0;
	v0 =	vshrl.u32 v1, $0x10;
	v1 =	vld [tilespmem:$0xA0]  }
0x30: {  	[tilespmem:$0x2A70] =	vst v0;
	v0 =	vand.u32 $0xFFFF, v2  }
0x31: {  	[tilespmem:$0x2880] =	vst v0;
	v0 =	vshrl.u32 v2, $0x10;
	v2 =	vld [tilespmem:$0xB0]  }
0x32: {  	[tilespmem:$0x2A80] =	vst v0;
	v0 =	vand.u32 $0xFFFF, v3  }
0x33: {  	[tilespmem:$0x2890] =	vst v0;
	v0 =	vshrl.u32 v3, $0x10;
	v3 =	vld [tilespmem:$0xC0]  }
0x34: {  	[tilespmem:$0x2A90] =	vst v0;
	v0 =	vand.u32 $0xFFFF, v1  }
0x35: {  	[tilespmem:$0x28A0] =	vst v0;
	v0 =	vshrl.u32 v1, $0x10;
	v1 =	vld [tilespmem:$0xD0]  }
0x36: {  	[tilespmem:$0x2AA0] =	vst v0;
	v0 =	vand.u32 $0xFFFF, v2  }
0x37: {  	[tilespmem:$0x28B0] =	vst v0;
	v0 =	vshrl.u32 v2, $0x10;
	v2 =	vld [tilespmem:$0xE0]  }
0x38: {  	[tilespmem:$0x2AB0] =	vst v0;
	v0 =	vand.u32 $0xFFFF, v3  }
0x39: {  	[tilespmem:$0x28C0] =	vst v0;
	v0 =	vshrl.u32 v3, $0x10;
	v3 =	vld [tilespmem:$0xF0]  }
0x3a: {  	[tilespmem:$0x2AC0] =	vst v0;
	v0 =	vand.u32 $0xFFFF, v1  }
0x3b: {  	[tilespmem:$0x28D0] =	vst v0;
	v0 =	vshrl.u32 v1, $0x10  }
0x3c: {  	[tilespmem:$0x2AD0] =	vst v0;
	v0 =	vand.u32 $0xFFFF, v2  }
0x3d: {  	[tilespmem:$0x28E0] =	vst v0;
	v0 =	vshrl.u32 v2, $0x10  }
0x3e: {  	[tilespmem:$0x2AE0] =	vst v0;
	v0 =	vand.u32 $0xFFFF, v3  }
0x3f: {  	[tilespmem:$0x28F0] =	vst v0;
	v0 =	vshrl.u32 v3, $0x10  }
0x40: {  	s6 =	simm.s32 $0x2800;
	[tilespmem:$0x2AF0] =	vst v0  }
0x41: {  	[tilespmem:s14], [sflag:$0x1] =	stream.indirect.gather [hbm4b:s5+s12], $0x80, s6, s12, $0xb8;
	[tilespmem:$0x1E800] =	vst v63  }
0x42: {  	_ =	swait.ge [sflag:s15], $0x4000  }
0x43: {  	p0 =	por $0x1, $0x1;
	[sflag:s15] =	ssyncset.done $0x0  }
0x44: {  	s0 =	simm.s32 @!p0 $0x4;
	[sflag:s15] =	ssyncadd.s32 $0xFFFFC000  }
0x45: {  	_ =	swait.ge @!p0 [sflag:s0], $0x4000  }
0x46: {  	[sflag:s0] =	ssyncset.done @!p0 $0x0  }
0x47: {  	[sflag:s0] =	ssyncadd.s32 @!p0 $0xFFFFC000  }
0x48: {  	[tilespmem:s17], [sflag:$0x2] =	stream.indirect.gather [hbm4b:s5+s12], $0x80, s16, s12, $0xb8;
	[tilespmem:$0x1E800] =	vst v63  }
0x49: {  	s29 =	simm.s32 $0x1F0  }
0x4a: {  	[spmem:s3] =	stream.indirect.scatter.add.f32 [tilespmem:s14], [sflag:$0x3], $0x80, s18, s12, $0xb8;
	[tilespmem:$0x1E800] =	vst v63  }
0x4b: {  	v0 =	vld [tilespmem:s29+$0xFFFFFF10];
	_ =	sdelay $0x4  }
0x4c: {  	v1 =	vand.u32 $0xFFFF, v0  }
0x4d: {  	v0 =	vshrl.u32 v0, $0x10;
	[tilespmem:$0x2900] =	vst v1  }
0x4e: {  	[tilespmem:$0x2B00] =	vst v0  }
0x4f: {  	v0 =	vld [tilespmem:s29+$0xFFFFFF20];
	_ =	sdelay $0x4  }
0x50: {  	v1 =	vand.u32 $0xFFFF, v0  }
0x51: {  	v0 =	vshrl.u32 v0, $0x10;
	[tilespmem:$0x2910] =	vst v1  }
0x52: {  	[tilespmem:$0x2B10] =	vst v0  }
0x53: {  	v0 =	vld [tilespmem:s29+$0xFFFFFF30];
	_ =	sdelay $0x4  }
0x54: {  	v1 =	vand.u32 $0xFFFF, v0  }
0x55: {  	v0 =	vshrl.u32 v0, $0x10;
	[tilespmem:$0x2920] =	vst v1  }
0x56: {  	[tilespmem:$0x2B20] =	vst v0  }
0x57: {  	v0 =	vld [tilespmem:s29+$0xFFFFFF40];
	_ =	sdelay $0x4  }
0x58: {  	v1 =	vand.u32 $0xFFFF, v0  }
0x59: {  	v0 =	vshrl.u32 v0, $0x10;
	[tilespmem:$0x2930] =	vst v1  }
0x5a: {  	[tilespmem:$0x2B30] =	vst v0  }
0x5b: {  	v0 =	vld [tilespmem:s29+$0xFFFFFF50];
	_ =	sdelay $0x4  }
0x5c: {  	v1 =	vand.u32 $0xFFFF, v0  }
0x5d: {  	v0 =	vshrl.u32 v0, $0x10;
	[tilespmem:$0x2940] =	vst v1  }
0x5e: {  	[tilespmem:$0x2B40] =	vst v0  }
0x5f: {  	v0 =	vld [tilespmem:s29+$0xFFFFFF60];
	_ =	sdelay $0x4  }
0x60: {  	v1 =	vand.u32 $0xFFFF, v0  }
0x61: {  	v0 =	vshrl.u32 v0, $0x10;
	[tilespmem:$0x2950] =	vst v1  }
0x62: {  	[tilespmem:$0x2B50] =	vst v0  }
0x63: {  	v0 =	vld [tilespmem:s29+$0xFFFFFF70];
	_ =	sdelay $0x4  }
0x64: {  	v1 =	vand.u32 $0xFFFF, v0  }
0x65: {  	v0 =	vshrl.u32 v0, $0x10;
	[tilespmem:$0x2960] =	vst v1  }
0x66: {  	[tilespmem:$0x2B60] =	vst v0  }
0x67: {  	v0 =	vld [tilespmem:s29+$0xFFFFFF80];
	_ =	sdelay $0x4  }
0x68: {  	v1 =	vand.u32 $0xFFFF, v0  }
0x69: {  	v0 =	vshrl.u32 v0, $0x10;
	[tilespmem:$0x2970] =	vst v1  }
0x6a: {  	[tilespmem:$0x2B70] =	vst v0  }
0x6b: {  	_ =	swait.ge [sflag:s19], $0x4000  }
0x6c: {  	[sflag:s19] =	ssyncset.done $0x0  }
0x6d: {  	[sflag:s19] =	ssyncadd.s32 $0xFFFFC000  }
0x6e: {  	_ =	swait.ge [sflag:s20], $0x4000  }
0x6f: {  	[sflag:s20] =	ssyncset.done $0x0  }
0x70: {  	[sflag:s20] =	ssyncadd.s32 $0xFFFFC000  }
0x71: {  	[tilespmem:s14], [sflag:$0x1] =	stream.indirect.gather [hbm4b:s5+s12], $0x80, s21, s12, $0xb8;
	[tilespmem:$0x1E800] =	vst v63  }
0x72: {  	_ = 	snop  }
0x73: {  	[spmem:s3] =	stream.indirect.scatter.add.f32 [tilespmem:s17], [sflag:$0x4], $0x80, s22, s12, $0xb8;
	[tilespmem:$0x1E800] =	vst v63  }
0x74: {  	v0 =	vld [tilespmem:s29+$0xFFFFFF90];
	_ =	sdelay $0x4  }
0x75: {  	v1 =	vand.u32 $0xFFFF, v0  }
0x76: {  	v0 =	vshrl.u32 v0, $0x10;
	[tilespmem:$0x2980] =	vst v1  }
0x77: {  	[tilespmem:$0x2B80] =	vst v0  }
0x78: {  	v0 =	vld [tilespmem:s29+$0xFFFFFFA0];
	_ =	sdelay $0x4  }
0x79: {  	v1 =	vand.u32 $0xFFFF, v0  }
0x7a: {  	v0 =	vshrl.u32 v0, $0x10;
	[tilespmem:$0x2990] =	vst v1  }
0x7b: {  	[tilespmem:$0x2B90] =	vst v0  }
0x7c: {  	v0 =	vld [tilespmem:s29+$0xFFFFFFB0];
	_ =	sdelay $0x4  }
0x7d: {  	v1 =	vand.u32 $0xFFFF, v0  }
0x7e: {  	v0 =	vshrl.u32 v0, $0x10;
	[tilespmem:$0x29A0] =	vst v1  }
0x7f: {  	[tilespmem:$0x2BA0] =	vst v0  }
0x80: {  	v0 =	vld [tilespmem:s29+$0xFFFFFFC0];
	_ =	sdelay $0x4  }
0x81: {  	v1 =	vand.u32 $0xFFFF, v0  }
0x82: {  	v0 =	vshrl.u32 v0, $0x10;
	[tilespmem:$0x29B0] =	vst v1  }
0x83: {  	[tilespmem:$0x2BB0] =	vst v0  }
0x84: {  	v0 =	vld [tilespmem:s29+$0xFFFFFFD0];
	_ =	sdelay $0x4  }
0x85: {  	v1 =	vand.u32 $0xFFFF, v0  }
0x86: {  	v0 =	vshrl.u32 v0, $0x10;
	[tilespmem:$0x29C0] =	vst v1  }
0x87: {  	[tilespmem:$0x2BC0] =	vst v0  }
0x88: {  	v0 =	vld [tilespmem:s29+$0xFFFFFFE0];
	_ =	sdelay $0x4  }
0x89: {  	v1 =	vand.u32 $0xFFFF, v0  }
0x8a: {  	v0 =	vshrl.u32 v0, $0x10;
	[tilespmem:$0x29D0] =	vst v1  }
0x8b: {  	[tilespmem:$0x2BD0] =	vst v0  }
0x8c: {  	v0 =	vld [tilespmem:s29+$0xFFFFFFF0];
	_ =	sdelay $0x4  }
0x8d: {  	v1 =	vand.u32 $0xFFFF, v0  }
0x8e: {  	v0 =	vshrl.u32 v0, $0x10;
	[tilespmem:$0x29E0] =	vst v1  }
0x8f: {  	[tilespmem:$0x2BE0] =	vst v0  }
0x90: {  	v0 =	vld [tilespmem:s29+$0x0];
	_ =	sdelay $0x4  }
0x91: {  	v1 =	vand.u32 $0xFFFF, v0  }
0x92: {  	v0 =	vshrl.u32 v0, $0x10;
	[tilespmem:$0x29F0] =	vst v1  }
0x93: {  	[tilespmem:$0x2BF0] =	vst v0  }
0x94: {  	_ =	swait.ge [sflag:s15], $0x4000  }
0x95: {  	[sflag:s15] =	ssyncset.done $0x0  }
0x96: {  	[sflag:s15] =	ssyncadd.s32 $0xFFFFC000  }
0x97: {  	_ =	swait.ge [sflag:s23], $0x4000  }
0x98: {  	[sflag:s23] =	ssyncset.done $0x0  }
0x99: {  	s13 =	smin.u32 s4, $0x4B;
	[sflag:s23] =	ssyncadd.s32 $0xFFFFC000  }
0x9a: {  	[tilespmem:s17], [sflag:$0x2] =	stream.indirect.gather [hbm4b:s5+s12], $0x80, s24, s12, $0xb8;
	[tilespmem:$0x1E800] =	vst v63  }
0x9b: {  	s0 =	sshll.u32 s13, $0x7  }
0x9c: {  	[spmem:s3] =	stream.indirect.scatter.add.f32 [tilespmem:s14], [sflag:$0x3], $0x80, s25, s12, $0xb8;
	[tilespmem:$0x1E800] =	vst v63  }
0x9d: {  	v0 =	vld [tilespmem:s0+$0x200];
	_ =	sdelay $0x4  }
0x9e: {  	v1 =	vand.u32 $0xFFFF, v0  }
0x9f: {  	v0 =	vshrl.u32 v0, $0x10;
	[tilespmem:$0x2800] =	vst v1  }
0xa0: {  	[tilespmem:$0x2A00] =	vst v0  }
0xa1: {  	v0 =	vld [tilespmem:s0+$0x210];
	_ =	sdelay $0x4  }
0xa2: {  	v1 =	vand.u32 $0xFFFF, v0  }
0xa3: {  	v0 =	vshrl.u32 v0, $0x10;
	[tilespmem:$0x2810] =	vst v1  }
0xa4: {  	[tilespmem:$0x2A10] =	vst v0  }
0xa5: {  	v0 =	vld [tilespmem:s0+$0x220];
	_ =	sdelay $0x4  }
0xa6: {  	v1 =	vand.u32 $0xFFFF, v0  }
0xa7: {  	v0 =	vshrl.u32 v0, $0x10;
	[tilespmem:$0x2820] =	vst v1  }
0xa8: {  	[tilespmem:$0x2A20] =	vst v0  }
0xa9: {  	v0 =	vld [tilespmem:s0+$0x230];
	_ =	sdelay $0x4  }
0xaa: {  	v1 =	vand.u32 $0xFFFF, v0  }
0xab: {  	v0 =	vshrl.u32 v0, $0x10;
	[tilespmem:$0x2830] =	vst v1  }
0xac: {  	[tilespmem:$0x2A30] =	vst v0  }
0xad: {  	v0 =	vld [tilespmem:s0+$0x240];
	_ =	sdelay $0x4  }
0xae: {  	v1 =	vand.u32 $0xFFFF, v0  }
0xaf: {  	v0 =	vshrl.u32 v0, $0x10;
	[tilespmem:$0x2840] =	vst v1  }
0xb0: {  	[tilespmem:$0x2A40] =	vst v0  }
0xb1: {  	v0 =	vld [tilespmem:s0+$0x250];
	_ =	sdelay $0x4  }
0xb2: {  	v1 =	vand.u32 $0xFFFF, v0  }
0xb3: {  	v0 =	vshrl.u32 v0, $0x10;
	[tilespmem:$0x2850] =	vst v1  }
0xb4: {  	[tilespmem:$0x2A50] =	vst v0  }
0xb5: {  	v0 =	vld [tilespmem:s0+$0x260];
	_ =	sdelay $0x4  }
0xb6: {  	v1 =	vand.u32 $0xFFFF, v0  }
0xb7: {  	v0 =	vshrl.u32 v0, $0x10;
	[tilespmem:$0x2860] =	vst v1  }
0xb8: {  	[tilespmem:$0x2A60] =	vst v0  }
0xb9: {  	v0 =	vld [tilespmem:s0+$0x270];
	_ =	sdelay $0x4  }
0xba: {  	v1 =	vand.u32 $0xFFFF, v0  }
0xbb: {  	v0 =	vshrl.u32 v0, $0x10;
	[tilespmem:$0x2870] =	vst v1  }
0xbc: {  	[tilespmem:$0x2A70] =	vst v0  }
0xbd: {  	_ =	swait.ge [sflag:s19], $0x4000  }
0xbe: {  	[sflag:s19] =	ssyncset.done $0x0  }
0xbf: {  	[sflag:s19] =	ssyncadd.s32 $0xFFFFC000  }
0xc0: {  	p0 =	por $0x0, $0x0;
	_ =	swait.ge [sflag:s20], $0x4000  }
0xc1: {  	s31 =	smin.u32 s4, $0x4A;
	s1 =	simm.s32 @!p0 $0x2800;
	[sflag:s20] =	ssyncset.done $0x0  }
0xc2: {  	s30 =	simm.s32 @!p0 $0x2C00;
	s0 =	simm.s32 @!p0 $0x80;
	[sflag:s20] =	ssyncadd.s32 $0xFFFFC000  }
0xc3: {  	[tilespmem:s30], [sflag:$0x1] =	stream.indirect.gather @!p0 [hbm4b:s5+s0], $0x80, s1, s0, $0xb8;
	[tilespmem:$0x1E800] =	vst v63  }
0xc4: {  	s0 =	sshll.u32 s31, $0x7  }
0xc5: {  	[spmem:s3] =	stream.indirect.scatter.add.f32 [tilespmem:s17], [sflag:$0x4], $0x80, s26, s12, $0xb8;
	[tilespmem:$0x1E800] =	vst v63  }
0xc6: {  	v0 =	vld [tilespmem:s0+$0x280];
	_ =	sdelay $0x4  }
0xc7: {  	v1 =	vand.u32 $0xFFFF, v0  }
0xc8: {  	v0 =	vshrl.u32 v0, $0x10;
	[tilespmem:$0x2880] =	vst v1  }
0xc9: {  	[tilespmem:$0x2A80] =	vst v0  }
0xca: {  	v0 =	vld [tilespmem:s0+$0x290];
	_ =	sdelay $0x4  }
0xcb: {  	v1 =	vand.u32 $0xFFFF, v0  }
0xcc: {  	v0 =	vshrl.u32 v0, $0x10;
	[tilespmem:$0x2890] =	vst v1  }
0xcd: {  	[tilespmem:$0x2A90] =	vst v0  }
0xce: {  	v0 =	vld [tilespmem:s0+$0x2A0];
	_ =	sdelay $0x4  }
0xcf: {  	v1 =	vand.u32 $0xFFFF, v0  }
0xd0: {  	v0 =	vshrl.u32 v0, $0x10;
	[tilespmem:$0x28A0] =	vst v1  }
0xd1: {  	[tilespmem:$0x2AA0] =	vst v0  }
0xd2: {  	v0 =	vld [tilespmem:s0+$0x2B0];
	_ =	sdelay $0x4  }
0xd3: {  	v1 =	vand.u32 $0xFFFF, v0  }
0xd4: {  	s30 =	simm.s32 $0x4;
	v0 =	vshrl.u32 v0, $0x10;
	[tilespmem:$0x28B0] =	vst v1  }
.LBB2_2:
0xd5: {  	[tilespmem:$0x2AB0] =	vst v0;
	s29 =	sadd.s32 $0x200, s29;
	s31 =	smov.u32 s30;
	s30 =	sadd.s32 $0x4, s30  }
0xd6: {  	p0 =	sne.s32 s30, $0x50;
	v0 =	vld [tilespmem:s0+$0x2C0];
	_ =	sdelay $0x4  }
0xd7: {  	v1 =	vand.u32 $0xFFFF, v0;
	v0 =	vshrl.u32 v0, $0x10  }
0xd8: {  	[tilespmem:$0x28C0] =	vst v1  }
0xd9: {  	[tilespmem:$0x2AC0] =	vst v0  }
0xda: {  	v0 =	vld [tilespmem:s0+$0x2D0];
	_ =	sdelay $0x4  }
0xdb: {  	v1 =	vand.u32 $0xFFFF, v0;
	v0 =	vshrl.u32 v0, $0x10  }
0xdc: {  	[tilespmem:$0x28D0] =	vst v1  }
0xdd: {  	[tilespmem:$0x2AD0] =	vst v0  }
0xde: {  	v0 =	vld [tilespmem:s0+$0x2E0];
	_ =	sdelay $0x4  }
0xdf: {  	v1 =	vand.u32 $0xFFFF, v0;
	v0 =	vshrl.u32 v0, $0x10  }
0xe0: {  	[tilespmem:$0x28E0] =	vst v1  }
0xe1: {  	[tilespmem:$0x2AE0] =	vst v0  }
0xe2: {  	v0 =	vld [tilespmem:s0+$0x2F0];
	_ =	sdelay $0x4  }
0xe3: {  	v1 =	vand.u32 $0xFFFF, v0;
	v0 =	vshrl.u32 v0, $0x10  }
0xe4: {  	[tilespmem:$0x28F0] =	vst v1  }
0xe5: {  	[tilespmem:$0x2AF0] =	vst v0  }
0xe6: {  	_ =	swait.ge [sflag:s15], $0x4000  }
0xe7: {  	p1 =	seq.s32 s31, $0x0;
	[sflag:s15] =	ssyncset.done $0x0  }
0xe8: {  	s0 =	simm.s32 @!p1 $0x4;
	[sflag:s15] =	ssyncadd.s32 $0xFFFFC000  }
0xe9: {  	_ =	swait.ge @!p1 [sflag:s0], $0x4000  }
0xea: {  	[sflag:s0] =	ssyncset.done @!p1 $0x0  }
0xeb: {  	[sflag:s0] =	ssyncadd.s32 @!p1 $0xFFFFC000  }
0xec: {  	[tilespmem:s17], [sflag:$0x2] =	stream.indirect.gather [hbm4b:s5+s12], $0x80, s16, s12, $0xb8;
	[tilespmem:$0x1E800] =	vst v63  }
0xed: {  	_ = 	snop  }
0xee: {  	[spmem:s3] =	stream.indirect.scatter.add.f32 [tilespmem:s14], [sflag:$0x3], $0x80, s18, s12, $0xb8;
	[tilespmem:$0x1E800] =	vst v63  }
0xef: {  	v0 =	vld [tilespmem:s29+$0xFFFFFF10];
	_ =	sdelay $0x4  }
0xf0: {  	v1 =	vand.u32 $0xFFFF, v0;
	v0 =	vshrl.u32 v0, $0x10  }
0xf1: {  	[tilespmem:$0x2900] =	vst v1  }
0xf2: {  	[tilespmem:$0x2B00] =	vst v0  }
0xf3: {  	v0 =	vld [tilespmem:s29+$0xFFFFFF20];
	_ =	sdelay $0x4  }
0xf4: {  	v1 =	vand.u32 $0xFFFF, v0;
	v0 =	vshrl.u32 v0, $0x10  }
0xf5: {  	[tilespmem:$0x2910] =	vst v1  }
0xf6: {  	[tilespmem:$0x2B10] =	vst v0  }
0xf7: {  	v0 =	vld [tilespmem:s29+$0xFFFFFF30];
	_ =	sdelay $0x4  }
0xf8: {  	v1 =	vand.u32 $0xFFFF, v0;
	v0 =	vshrl.u32 v0, $0x10  }
0xf9: {  	[tilespmem:$0x2920] =	vst v1  }
0xfa: {  	[tilespmem:$0x2B20] =	vst v0  }
0xfb: {  	v0 =	vld [tilespmem:s29+$0xFFFFFF40];
	_ =	sdelay $0x4  }
0xfc: {  	v1 =	vand.u32 $0xFFFF, v0;
	v0 =	vshrl.u32 v0, $0x10  }
0xfd: {  	[tilespmem:$0x2930] =	vst v1  }
0xfe: {  	[tilespmem:$0x2B30] =	vst v0  }
0xff: {  	v0 =	vld [tilespmem:s29+$0xFFFFFF50];
	_ =	sdelay $0x4  }
0x100: {  	v1 =	vand.u32 $0xFFFF, v0;
	v0 =	vshrl.u32 v0, $0x10  }
0x101: {  	[tilespmem:$0x2940] =	vst v1  }
0x102: {  	[tilespmem:$0x2B40] =	vst v0  }
0x103: {  	v0 =	vld [tilespmem:s29+$0xFFFFFF60];
	_ =	sdelay $0x4  }
0x104: {  	v1 =	vand.u32 $0xFFFF, v0;
	v0 =	vshrl.u32 v0, $0x10  }
0x105: {  	[tilespmem:$0x2950] =	vst v1  }
0x106: {  	[tilespmem:$0x2B50] =	vst v0  }
0x107: {  	v0 =	vld [tilespmem:s29+$0xFFFFFF70];
	_ =	sdelay $0x4  }
0x108: {  	v1 =	vand.u32 $0xFFFF, v0;
	v0 =	vshrl.u32 v0, $0x10  }
0x109: {  	[tilespmem:$0x2960] =	vst v1  }
0x10a: {  	[tilespmem:$0x2B60] =	vst v0  }
0x10b: {  	v0 =	vld [tilespmem:s29+$0xFFFFFF80];
	_ =	sdelay $0x4  }
0x10c: {  	v1 =	vand.u32 $0xFFFF, v0;
	v0 =	vshrl.u32 v0, $0x10  }
0x10d: {  	[tilespmem:$0x2970] =	vst v1  }
0x10e: {  	[tilespmem:$0x2B70] =	vst v0  }
0x10f: {  	_ =	swait.ge [sflag:s19], $0x4000  }
0x110: {  	[sflag:s19] =	ssyncset.done $0x0  }
0x111: {  	[sflag:s19] =	ssyncadd.s32 $0xFFFFC000  }
0x112: {  	_ =	swait.ge [sflag:s20], $0x4000  }
0x113: {  	[sflag:s20] =	ssyncset.done $0x0  }
0x114: {  	[sflag:s20] =	ssyncadd.s32 $0xFFFFC000  }
0x115: {  	[tilespmem:s14], [sflag:$0x1] =	stream.indirect.gather [hbm4b:s5+s12], $0x80, s21, s12, $0xb8;
	[tilespmem:$0x1E800] =	vst v63  }
0x116: {  	_ = 	snop  }
0x117: {  	[spmem:s3] =	stream.indirect.scatter.add.f32 [tilespmem:s17], [sflag:$0x4], $0x80, s22, s12, $0xb8;
	[tilespmem:$0x1E800] =	vst v63  }
0x118: {  	v0 =	vld [tilespmem:s29+$0xFFFFFF90];
	_ =	sdelay $0x4  }
0x119: {  	v1 =	vand.u32 $0xFFFF, v0;
	v0 =	vshrl.u32 v0, $0x10  }
0x11a: {  	[tilespmem:$0x2980] =	vst v1  }
0x11b: {  	[tilespmem:$0x2B80] =	vst v0  }
0x11c: {  	v0 =	vld [tilespmem:s29+$0xFFFFFFA0];
	_ =	sdelay $0x4  }
0x11d: {  	v1 =	vand.u32 $0xFFFF, v0;
	v0 =	vshrl.u32 v0, $0x10  }
0x11e: {  	[tilespmem:$0x2990] =	vst v1  }
0x11f: {  	[tilespmem:$0x2B90] =	vst v0  }
0x120: {  	v0 =	vld [tilespmem:s29+$0xFFFFFFB0];
	_ =	sdelay $0x4  }
0x121: {  	v1 =	vand.u32 $0xFFFF, v0;
	v0 =	vshrl.u32 v0, $0x10  }
0x122: {  	[tilespmem:$0x29A0] =	vst v1  }
0x123: {  	[tilespmem:$0x2BA0] =	vst v0  }
0x124: {  	v0 =	vld [tilespmem:s29+$0xFFFFFFC0];
	_ =	sdelay $0x4  }
0x125: {  	v1 =	vand.u32 $0xFFFF, v0;
	v0 =	vshrl.u32 v0, $0x10  }
0x126: {  	[tilespmem:$0x29B0] =	vst v1  }
0x127: {  	[tilespmem:$0x2BB0] =	vst v0  }
0x128: {  	v0 =	vld [tilespmem:s29+$0xFFFFFFD0];
	_ =	sdelay $0x4  }
0x129: {  	v1 =	vand.u32 $0xFFFF, v0;
	v0 =	vshrl.u32 v0, $0x10  }
0x12a: {  	[tilespmem:$0x29C0] =	vst v1  }
0x12b: {  	[tilespmem:$0x2BC0] =	vst v0  }
0x12c: {  	v0 =	vld [tilespmem:s29+$0xFFFFFFE0];
	_ =	sdelay $0x4  }
0x12d: {  	v1 =	vand.u32 $0xFFFF, v0;
	v0 =	vshrl.u32 v0, $0x10  }
0x12e: {  	[tilespmem:$0x29D0] =	vst v1  }
0x12f: {  	[tilespmem:$0x2BD0] =	vst v0  }
0x130: {  	v0 =	vld [tilespmem:s29+$0xFFFFFFF0];
	_ =	sdelay $0x4  }
0x131: {  	v1 =	vand.u32 $0xFFFF, v0;
	v0 =	vshrl.u32 v0, $0x10  }
0x132: {  	[tilespmem:$0x29E0] =	vst v1  }
0x133: {  	s0 =	smin.u32 s31, $0x4B;
	[tilespmem:$0x2BE0] =	vst v0  }
0x134: {  	s1 =	sshll.u32 s0, $0x7;
	v0 =	vld [tilespmem:s29+$0x0];
	_ =	sdelay $0x4  }
0x135: {  	v1 =	vand.u32 $0xFFFF, v0;
	v0 =	vshrl.u32 v0, $0x10  }
0x136: {  	[tilespmem:$0x29F0] =	vst v1  }
0x137: {  	[tilespmem:$0x2BF0] =	vst v0  }
0x138: {  	_ =	swait.ge [sflag:s15], $0x4000  }
0x139: {  	[sflag:s15] =	ssyncset.done $0x0  }
0x13a: {  	[sflag:s15] =	ssyncadd.s32 $0xFFFFC000  }
0x13b: {  	_ =	swait.ge [sflag:s23], $0x4000  }
0x13c: {  	[sflag:s23] =	ssyncset.done $0x0  }
0x13d: {  	[sflag:s23] =	ssyncadd.s32 $0xFFFFC000  }
0x13e: {  	[tilespmem:s17], [sflag:$0x2] =	stream.indirect.gather [hbm4b:s5+s12], $0x80, s24, s12, $0xb8;
	[tilespmem:$0x1E800] =	vst v63  }
0x13f: {  	_ = 	snop  }
0x140: {  	[spmem:s3] =	stream.indirect.scatter.add.f32 [tilespmem:s14], [sflag:$0x3], $0x80, s25, s12, $0xb8;
	[tilespmem:$0x1E800] =	vst v63  }
0x141: {  	v0 =	vld [tilespmem:s1+$0x200];
	_ =	sdelay $0x4  }
0x142: {  	v1 =	vand.u32 $0xFFFF, v0;
	v0 =	vshrl.u32 v0, $0x10  }
0x143: {  	[tilespmem:$0x2800] =	vst v1  }
0x144: {  	[tilespmem:$0x2A00] =	vst v0  }
0x145: {  	v0 =	vld [tilespmem:s1+$0x210];
	_ =	sdelay $0x4  }
0x146: {  	v1 =	vand.u32 $0xFFFF, v0;
	v0 =	vshrl.u32 v0, $0x10  }
0x147: {  	[tilespmem:$0x2810] =	vst v1  }
0x148: {  	[tilespmem:$0x2A10] =	vst v0  }
0x149: {  	v0 =	vld [tilespmem:s1+$0x220];
	_ =	sdelay $0x4  }
0x14a: {  	v1 =	vand.u32 $0xFFFF, v0;
	v0 =	vshrl.u32 v0, $0x10  }
0x14b: {  	[tilespmem:$0x2820] =	vst v1  }
0x14c: {  	[tilespmem:$0x2A20] =	vst v0  }
0x14d: {  	v0 =	vld [tilespmem:s1+$0x230];
	_ =	sdelay $0x4  }
0x14e: {  	v1 =	vand.u32 $0xFFFF, v0;
	v0 =	vshrl.u32 v0, $0x10  }
0x14f: {  	[tilespmem:$0x2830] =	vst v1  }
0x150: {  	[tilespmem:$0x2A30] =	vst v0  }
0x151: {  	v0 =	vld [tilespmem:s1+$0x240];
	_ =	sdelay $0x4  }
0x152: {  	v1 =	vand.u32 $0xFFFF, v0;
	v0 =	vshrl.u32 v0, $0x10  }
0x153: {  	[tilespmem:$0x2840] =	vst v1  }
0x154: {  	[tilespmem:$0x2A40] =	vst v0  }
0x155: {  	v0 =	vld [tilespmem:s1+$0x250];
	_ =	sdelay $0x3  }
0x156: {  	p1 =	seq.s32 s31, $0x4C  }
0x157: {  	s2 =	simm.s32 @!p1 $0x80;
	s13 =	simm.s32 @!p1 $0x2800;
	s6 =	simm.s32 @!p1 $0x2C00;
	v1 =	vand.u32 $0xFFFF, v0;
	v0 =	vshrl.u32 v0, $0x10  }
0x158: {  	[tilespmem:$0x2850] =	vst v1  }
0x159: {  	s0 =	smin.u32 s31, $0x4A;
	[tilespmem:$0x2A50] =	vst v0  }
0x15a: {  	s0 =	sshll.u32 s0, $0x7;
	v0 =	vld [tilespmem:s1+$0x260];
	_ =	sdelay $0x4  }
0x15b: {  	v1 =	vand.u32 $0xFFFF, v0;
	v0 =	vshrl.u32 v0, $0x10  }
0x15c: {  	[tilespmem:$0x2860] =	vst v1  }
0x15d: {  	[tilespmem:$0x2A60] =	vst v0  }
0x15e: {  	v0 =	vld [tilespmem:s1+$0x270];
	_ =	sdelay $0x4  }
0x15f: {  	v1 =	vand.u32 $0xFFFF, v0;
	v0 =	vshrl.u32 v0, $0x10  }
0x160: {  	[tilespmem:$0x2870] =	vst v1  }
0x161: {  	[tilespmem:$0x2A70] =	vst v0  }
0x162: {  	_ =	swait.ge [sflag:s19], $0x4000  }
0x163: {  	[sflag:s19] =	ssyncset.done $0x0  }
0x164: {  	[sflag:s19] =	ssyncadd.s32 $0xFFFFC000  }
0x165: {  	_ =	swait.ge [sflag:s20], $0x4000  }
0x166: {  	[sflag:s20] =	ssyncset.done $0x0  }
0x167: {  	[sflag:s20] =	ssyncadd.s32 $0xFFFFC000  }
0x168: {  	[tilespmem:s6], [sflag:$0x1] =	stream.indirect.gather @!p1 [hbm4b:s5+s2], $0x80, s13, s2, $0xb8;
	[tilespmem:$0x1E800] =	vst v63  }
0x169: {  	_ = 	snop  }
0x16a: {  	[spmem:s3] =	stream.indirect.scatter.add.f32 [tilespmem:s17], [sflag:$0x4], $0x80, s26, s12, $0xb8;
	[tilespmem:$0x1E800] =	vst v63  }
0x16b: {  	v0 =	vld [tilespmem:s0+$0x280];
	_ =	sdelay $0x4  }
0x16c: {  	v1 =	vand.u32 $0xFFFF, v0;
	v0 =	vshrl.u32 v0, $0x10  }
0x16d: {  	[tilespmem:$0x2880] =	vst v1  }
0x16e: {  	[tilespmem:$0x2A80] =	vst v0  }
0x16f: {  	v0 =	vld [tilespmem:s0+$0x290];
	_ =	sdelay $0x4  }
0x170: {  	v1 =	vand.u32 $0xFFFF, v0;
	v0 =	vshrl.u32 v0, $0x10  }
0x171: {  	[tilespmem:$0x2890] =	vst v1  }
0x172: {  	[tilespmem:$0x2A90] =	vst v0  }
0x173: {  	v0 =	vld [tilespmem:s0+$0x2A0];
	_ =	sdelay $0x4  }
0x174: {  	v1 =	vand.u32 $0xFFFF, v0;
	v0 =	vshrl.u32 v0, $0x10  }
0x175: {  	[tilespmem:$0x28A0] =	vst v1  }
0x176: {  	[tilespmem:$0x2AA0] =	vst v0  }
0x177: {  	v0 =	vld [tilespmem:s0+$0x2B0];
	_ =	sdelay $0x1  }
.Ltmp0:
0x178: {  	(pc) =	sbr.rel @p0 .LBB2_2-.Ltmp0, $3  }
0x179: {  	_ =	sdelay $0x1  }
0x17a: {  	v1 =	vand.u32 $0xFFFF, v0;
	v0 =	vshrl.u32 v0, $0x10  }
0x17b: {  	[tilespmem:$0x28B0] =	vst v1  }
0x17c: {  	[tilespmem:$0x2AB0] =	vst v0  }
0x17d: {  	v0 =	vld [tilespmem:s0+$0x2C0];
	_ =	sdelay $0x4  }
0x17e: {  	v1 =	vand.u32 $0xFFFF, v0  }
0x17f: {  	v0 =	vshrl.u32 v0, $0x10;
	[tilespmem:$0x28C0] =	vst v1  }
0x180: {  	[tilespmem:$0x2AC0] =	vst v0  }
0x181: {  	v0 =	vld [tilespmem:s0+$0x2D0];
	_ =	sdelay $0x4  }
0x182: {  	v61 =	vand.u32 $0xFFFF, v0  }
0x183: {  	v0 =	vshrl.u32 v0, $0x10;
	[tilespmem:$0x28D0] =	vst v61  }
0x184: {  	[tilespmem:$0x2AD0] =	vst v0  }
0x185: {  	v0 =	vld [tilespmem:s0+$0x2E0];
	_ =	sdelay $0x4  }
0x186: {  	v62 =	vand.u32 $0xFFFF, v0  }
0x187: {  	v0 =	vshrl.u32 v0, $0x10;
	[tilespmem:$0x28E0] =	vst v62  }
0x188: {  	[tilespmem:$0x2AE0] =	vst v0  }
0x189: {  	v0 =	vld [tilespmem:s0+$0x2F0];
	_ =	sdelay $0x4  }
0x18a: {  	v63 =	vand.u32 $0xFFFF, v0  }
0x18b: {  	v0 =	vshrl.u32 v0, $0x10;
	[tilespmem:$0x28F0] =	vst v63  }
0x18c: {  	[tilespmem:$0x2AF0] =	vst v0  }
0x18d: {  	_ =	swait.ge [sflag:s23], $0x4000  }
0x18e: {  	s28 =	sadd.s32 $0x1, s28;
	[sflag:s23] =	ssyncset.done $0x0  }
0x18f: {  	p0 =	sne.s32 s28, s8;
	[sflag:s23] =	ssyncadd.s32 $0xFFFFC000  }
.Ltmp1:
0x190: {  	[bflag:$0x0] =	sbarrier.arrive $0xFFFF;
	(pc) =	sbr.rel @p0 .LBB2_1-.Ltmp1, $4  }
0x191: {  	[hbm:s7], [sflag:s10] =	dma.local [spmem:s11], $0x2780  }
0x192: {  	_ =	swait.ge [sflag:s9], $0x2780  }
0x193: {  	[sflag:s9] =	ssyncset.done $0x0  }
0x194: {  	[sflag:s9] =	ssyncadd.s32 $0xFFFFD880  }
0x195: {  	_ =	sfence.sel $0x180000  }
0x196: {  	[bflag:$0x0] =	sbarrier.arrive $0xFFFF  }
0x197: {  	_ =	strace $0x9000004A  }
0x198: {  	s0 =	stileid.u32;
	[bflag:$0x2] =	sbarrier.arrive $0xFFFF  }
0x199: {  	p0 =	sne.s32 s0, $0x0;
	s0 =	rddreg [dreg:$0x3]  }
0x19a: {  	s0 =	sadd.s32 @!p0 $0x100000, s0  }
0x19b: {  	[sflag:s0] =	ssyncadd.tile.s32 @!p0 $0x1;
	_ =	shalt  }
.Lfunc_end2:
_tile_overlayer_lowered:
.L_overlay_start_2:
0x19c: {  	(tag) =	ssettag $0x2  }
0x19d: {  	s0 =	rddreg [dreg:$0x0];
	s2 =	stileid.u32  }
0x19e: {  	s1 =	rddreg [dreg:$0x1];
	p0 =	sne.s32 s2, $0x0  }
0x19f: {  	s3 =	rddreg [dreg:$0x2];
	[bflag:$0x3] =	sbarrier.arrive $0xFFFF;
	s2 =	simm.s32 @!p0 $0x1C05  }
0x1a0: {  	[timem:s3], [sflag:s2] =	dma.local @!p0 [hbm:s0], s1  }
0x1a1: {  	s0 =	simm.s32 @!p0 $0x5  }
0x1a2: {  	_ =	swait.ge @!p0 [sflag:s0], s1  }
0x1a3: {  	s1 =	ssub.s32 @!p0 $0x0, s1;
	[sflag:s0] =	ssyncset.done @!p0 $0x0  }
0x1a4: {  	[sflag:s0] =	ssyncadd.s32 @!p0 s1  }
0x1a5: {  	[bflag:$0x3] =	sbarrier.arrive $0xFFFF  }
0x1a6: {  	_ =	shalt  }

// kernel: kernel.14.cloned.1.call-start
scs
__scs_entry_jumppad:
0x0: {  	(pc) =	sbr.rel $0x88, $3  }
0x1: {  	(tag) =	ssettag $0x0;
	lr =	simm.s32 $0x1  }
0x2: {  	[smem:$0x3F97] =	sst lr;
	_ =	strace $0xD0000000  }
0x3: {  	_ = 	snop  }
0x4: {  	_ = 	snop  }
0x5: {  	_ = 	snop  }
0x6: {  	_ = 	snop  }
0x7: {  	_ = 	snop  }
__scs_overlays_trampoline_lowered:
0x8: {  	[smem:$0x3FA6] =	sst s0  }
0x9: {  	[smem:$0x3FA7] =	sst s1  }
0xa: {  	[smem:$0x3FA8] =	sst s2  }
0xb: {  	[smem:$0x3FA9] =	sst s3  }
0xc: {  	[smem:$0x3FAA] =	sst s4  }
0xd: {  	[smem:$0x3FAB] =	sst s5  }
0xe: {  	[smem:$0x3FAC] =	sst s6  }
0xf: {  	[smem:$0x3FAD] =	sst s7  }
0x10: {  	[smem:$0x3FAE] =	sst s8  }
0x11: {  	[smem:$0x3FAF] =	sst s9;
	s0 =	simm.s32 @!p0 $0x0  }
0x12: {  	s1 =	sld [smem:$0x3F95];
	s0 =	simm.s32 @p0 $0x1  }
0x13: {  	[smem:$0x3FB0] =	sst s0;
	s0 =	simm.s32 @!p1 $0x0  }
0x14: {  	s2 =	sld [smem:$0x3F94];
	s0 =	simm.s32 @p1 $0x1  }
0x15: {  	[smem:$0x3FB1] =	sst s0;
	s0 =	simm.s32 @!p2 $0x0  }
0x16: {  	s3 =	sld [smem:$0x3FDB];
	s0 =	simm.s32 @p2 $0x1  }
0x17: {  	s4 =	simm.s32 $0x1BF5;
	[smem:$0x3FB3] =	sst s0  }
0x18: {  	s0 =	sld [smem:$0x3F96];
	_ =	swait.ge [sflag:s4], $0x0  }
0x19: {  	s7 =	sld [smem:$0x3F97]  }
0x1a: {  	s8 =	sadd.s32 $0xFFFFE003, lr  }
0x1b: {  	s9 =	sadd.s32 $0xFFFFFEF7, lr;
	s5 =	simm.s32 $0xFFFFFFFF;
	p2 =	slt.u32 s8, $0xFFFFF086  }
0x1c: {  	p1 =	slt.u32 s9, $0xF7A;
	s5 =	simm.s32 @!p2 $0x0  }
0x1d: {  	s5 =	simm.s32 @p1 $0x1;
	p0 =	seq.s32 s7, s2  }
0x1e: {  	s7 =	smul.u32 @!p0 $0xF7A, s2;
	p2 =	seq.s32 @!p0 s5, $0x0  }
0x1f: {  	s9 =	smul.u32 $0xF7A, s1;
	s8 =	simm.s32 @!p0 $0x1BF5;
	p2 =	por !p2, p0  }
0x20: {  	[sflag:s8] =	ssyncset.s32 @!p0 $0xFFFFF086;
	s6 =	sadd.s32 @!p0 s3, s7;
	s7 =	simm.s32 @!p0 $0x108  }
0x21: {  	s3 =	sadd.s32 s3, s9;
	s6 =	sadd.s32 @!p0 $0x88, s6;
	s7 =	simm.s32 @p2 $0x1082  }
0x22: {  	[simem:s7], [sflag:s8] =	dma.local @!p0 [hbm:s6], $0xF7A  }
0x23: {  	s9 =	sor.u32 $0xD0000000, s2;
	s6 =	simm.s32 $0x108;
	_ =	swait.ge @!p0 [sflag:s8], $0x0  }
0x24: {  	s3 =	sadd.s32 $0x88, s3;
	s6 =	simm.s32 @!p1 $0x1082;
	[sflag:s4] =	ssyncset.s32 $0xFFFFF086  }
0x25: {  	[simem:s6], [sflag:s4] =	dma.local [hbm:s3], $0xF7A  }
0x26: {  	[smem:$0x3F97] =	sst s1;
	(tag) =	ssettag s2;
	_ =	strace s9  }
0x27: {  	s1 =	sld [smem:$0x3FA7]  }
0x28: {  	s2 =	sld [smem:$0x3FA8]  }
0x29: {  	s4 =	sld [smem:$0x3FAA]  }
0x2a: {  	p0 =	seq.s32 s5, $0x0;
	s5 =	sld [smem:$0x3FAB]  }
0x2b: {  	s6 =	sld [smem:$0x3FAC]  }
0x2c: {  	s7 =	sld [smem:$0x3FAD]  }
0x2d: {  	s3 =	simm.s32 $0x108;
	s8 =	sld [smem:$0x3FAE]  }
0x2e: {  	s3 =	simm.s32 @!p0 $0x1082;
	s9 =	sld [smem:$0x3FAF]  }
0x2f: {  	lr =	sadd.s32 s0, s3;
	s0 =	sld [smem:$0x3FA6]  }
0x30: {  	s3 =	sld [smem:$0x3FA9]  }
0x31: {  	[smem:$0x3FB2] =	sst s10  }
0x32: {  	s10 =	sld [smem:$0x3FB0];
	_ =	sdelay $0x3  }
0x33: {  	p0 =	seq.s32 s10, $0x1;
	s10 =	sld [smem:$0x3FB2];
	_ =	sdelay $0x3  }
0x34: {  	[smem:$0x3FB2] =	sst s10  }
0x35: {  	s10 =	sld [smem:$0x3FB1];
	_ =	sdelay $0x3  }
0x36: {  	p1 =	seq.s32 s10, $0x1;
	s10 =	sld [smem:$0x3FB2];
	_ =	sdelay $0x3  }
0x37: {  	[smem:$0x3FB2] =	sst s10  }
0x38: {  	s10 =	sld [smem:$0x3FB3]  }
0x39: {  	_ = 	snop;
	(pc) =	sbr.ind lr, $3  }
0x3a: {  	_ = 	snop  }
0x3b: {  	_ = 	snop  }
0x3c: {  	p2 =	seq.s32 s10, $0x1;
	s10 =	sld [smem:$0x3FB2]  }
0x3d: {  	_ =	shalt  }
0x3e: {  	_ =	shalt  }
0x3f: {  	_ =	shalt  }
0x40: {  	_ =	shalt  }
0x41: {  	_ =	shalt  }
0x42: {  	_ =	shalt  }
0x43: {  	_ =	shalt  }
0x44: {  	_ =	shalt  }
0x45: {  	_ =	shalt  }
0x46: {  	_ =	shalt  }
0x47: {  	_ =	shalt  }
0x48: {  	_ =	shalt  }
0x49: {  	_ =	shalt  }
0x4a: {  	_ =	shalt  }
0x4b: {  	_ =	shalt  }
0x4c: {  	_ =	shalt  }
0x4d: {  	_ =	shalt  }
0x4e: {  	_ =	shalt  }
0x4f: {  	_ =	shalt  }
0x50: {  	_ =	shalt  }
0x51: {  	_ =	shalt  }
0x52: {  	_ =	shalt  }
0x53: {  	_ =	shalt  }
0x54: {  	_ =	shalt  }
0x55: {  	_ =	shalt  }
0x56: {  	_ =	shalt  }
0x57: {  	_ =	shalt  }
0x58: {  	_ =	shalt  }
0x59: {  	_ =	shalt  }
0x5a: {  	_ =	shalt  }
0x5b: {  	_ =	shalt  }
0x5c: {  	_ =	shalt  }
0x5d: {  	_ =	shalt  }
0x5e: {  	_ =	shalt  }
0x5f: {  	_ =	shalt  }
0x60: {  	_ =	shalt  }
0x61: {  	_ =	shalt  }
0x62: {  	_ =	shalt  }
0x63: {  	_ =	shalt  }
0x64: {  	_ =	shalt  }
0x65: {  	_ =	shalt  }
0x66: {  	_ =	shalt  }
0x67: {  	_ =	shalt  }
0x68: {  	_ =	shalt  }
0x69: {  	_ =	shalt  }
0x6a: {  	_ =	shalt  }
0x6b: {  	_ =	shalt  }
0x6c: {  	_ =	shalt  }
0x6d: {  	_ =	shalt  }
0x6e: {  	_ =	shalt  }
0x6f: {  	_ =	shalt  }
0x70: {  	_ =	shalt  }
0x71: {  	_ =	shalt  }
0x72: {  	_ =	shalt  }
0x73: {  	_ =	shalt  }
0x74: {  	_ =	shalt  }
0x75: {  	_ =	shalt  }
0x76: {  	_ =	shalt  }
0x77: {  	_ =	shalt  }
0x78: {  	_ =	shalt  }
0x79: {  	_ =	shalt  }
0x7a: {  	_ =	shalt  }
0x7b: {  	_ =	shalt  }
0x7c: {  	_ =	shalt  }
0x7d: {  	_ =	shalt  }
0x7e: {  	_ =	shalt  }
0x7f: {  	_ =	shalt  }
0x80: {  	_ =	shalt  }
0x81: {  	_ =	shalt  }
0x82: {  	_ =	shalt  }
0x83: {  	_ =	shalt  }
0x84: {  	_ =	shalt  }
0x85: {  	_ =	shalt  }
0x86: {  	_ =	shalt  }
0x87: {  	_ =	shalt  }
.Lfunc_end0:
.L_simem_size_0:
called_computation.2_lowered:
.L_overlay_start_0:
0x88: {  	s2 =	sld [smem:$0x3FD9]  }
0x89: {  	s3 =	sld [smem:$0x3FFE];
	_ =	sdelay $0x1  }
0x8a: {  	s1 =	srdreg.scid  }
0x8b: {  	s0 =	sand.u32 $0x1, s1  }
0x8c: {  	s17 =	sshll.u32 s0, $0xA;
	s2 =	sadd.s32 s3, s2  }
0x8d: {  	s2 =	sadd.s32 s2, s17  }
0x8e: {  	[smem:$0x3FBE] =	sst s2  }
0x8f: {  	_ = 	snop  }
0x90: {  	s2 =	sld [smem:$0x3FD0];
	(tm) =	ssettm $0x1  }
0x91: {  	s18 =	sld [smem:$0x3FFB];
	_ =	sdelay $0x3  }
0x92: {  	_ =	strace s18  }
0x93: {  	s3 =	sld [smem:$0x3FFC];
	_ =	sdelay $0x3  }
0x94: {  	_ =	strace s3  }
0x95: {  	s3 =	sld [smem:$0x3FFD];
	_ =	sdelay $0x3  }
0x96: {  	_ =	strace s3  }
0x97: {  	_ =	strace $0x8FFFFFFF  }
0x98: {  	s19 =	sld [smem:$0x3FDB];
	_ =	sdelay $0x1  }
0x99: {  	s4 =	simm.s32 $_scs_section_size  }
0x9a: {  	s5 =	simm.s32 $_size__tile_overlayer_lowered;
	s6 =	simm.s32 $_tile_overlayer_lowered  }
0x9b: {  	s22 =	simm.s32 $0x1BFF;
	s21 =	sshll.u32 s6, $0x1;
	s3 =	sadd.s32 s4, s19  }
0x9c: {  	s7 =	simm.s32 $0x0;
	s20 =	sshll.u32 s5, $0x1;
	s5 =	sadd.s32 s21, s3  }
0x9d: {  	[timem:s7], [sflag:s22] =	dma.local [hbm:s5], s20  }
0x9e: {  	_ =	swait.ge [sflag:s22], s20  }
0x9f: {  	s4 =	ssub.s32 $0x0, s20;
	[sflag:s22] =	ssyncset.done $0x0  }
0xa0: {  	[sflag:s22] =	ssyncadd.s32 s4;
	_ =	sdelay $0x1  }
0xa1: {  	s23 =	simm.s32 $0x1B8B  }
0xa2: {  	_ =	swait.ge [sflag:s23], $0x1  }
0xa3: {  	[sflag:s23] =	ssyncset.done $0x0  }
0xa4: {  	s25 =	simm.s32 $0x1B8E;
	s24 =	sld [smem:$0x3FFE];
	[sflag:s23] =	ssyncadd.s32 $0xFFFFFFFF  }
0xa5: {  	s26 =	simm.s32 $execute0_lowered;
	[smem:$0x3FD2] =	sst s25  }
0xa6: {  	s5 =	sshll.u32 s26, $0x1;
	_ =	strace $0x8000004C;
	[dreg:$0x1] =	wrdreg $0xFFFFFFFF  }
0xa7: {  	s28 =	simm.s32 $_size_execute0_lowered;
	s3 =	sadd.s32 s3, s5;
	[dreg:$0x0] =	wrdreg $0x0  }
0xa8: {  	s5 =	sshll.u32 s28, $0x1;
	[dreg:$0x2] =	wrdreg s3  }
0xa9: {  	[dreg:$0x3] =	wrdreg s5  }
0xaa: {  	[dreg:$0x4] =	wrdreg $0xC0  }
0xab: {  	_ =	task [dreg:s7], $0x5FFFF  }
0xac: {  	[dreg:$0x1] =	wrdreg $0xFFFFFFFF  }
0xad: {  	[dreg:$0x0] =	wrdreg $0x60  }
0xae: {  	[dreg:$0x2] =	wrdreg s24  }
0xaf: {  	[dreg:$0x3] =	wrdreg s2  }
0xb0: {  	[dreg:$0x4] =	wrdreg $0xAC000  }
0xb1: {  	[dreg:$0x5] =	wrdreg $0x9  }
0xb2: {  	_ =	task.clear_ibuf [dreg:s7], $0x6FFFF;
	_ =	strace $0x9000004C  }
0xb3: {  	s29 =	simm.s32 $0x9;
	_ =	strace $0x8000004E  }
0xb4: {  	_ =	swait.ge [sflag:s29], $0x1  }
0xb5: {  	[sflag:s29] =	ssyncadd.s32 $0xFFFFFFFF  }
0xb6: {  	_ =	strace $0x9000004E  }
0xb7: {  	_ =	sfence  }
0xb8: {  	s30 =	sld [smem:$0x0];
	_ =	sdelay $0x2  }
0xb9: {  	s31 =	sshll.u32 s1, $0xD;
	s1 =	sshrl.u32 s1, $0x2  }
0xba: {  	s3 =	sand.u32 $0x4000, s31;
	s1 =	sadd.s32 s1, s30  }
0xbb: {  	s0 =	sor.u32 s3, s0;
	s1 =	sshll.u32 s1, $0x11  }
0xbc: {  	s0 =	sor.u32 s1, s0  }
0xbd: {  	s0 =	sadd.s32 $0x8F2B, s0  }
0xbe: {  	[sflag:s0] =	ssyncadd.remote.s32 $0x1  }
0xbf: {  	_ =	sfence.sel $0xFFFF  }
0xc0: {  	[dreg:$0x0] =	wrdreg $0xFFFFFFFF;
	(pc) =	sbr.abs _section_cstart, $3  }
0xc1: {  	[dreg:$0x1] =	wrdreg $0xFFFFFFFF  }
0xc2: {  	_ =	task.clear_ibuf [dreg:s7], $0x2FFFF;
	_ =	strace $0x9FFFFFFF  }
0xc3: {  	(tm) =	ssettm $0x7FFFFFFF  }
tec
execute0_lowered:
.L_overlay_start_1:
0x0: {  	(tag) =	ssettag $0x1  }
0x1: {  	s0 =	rddreg [dreg:$0x0]  }
0x2: {  	s3 =	rddreg [dreg:$0x2]  }
0x3: {  	s1 =	srdreg.scid;
	s2 =	stileid.u32;
	s4 =	simm.s32 $0x0  }
0x4: {  	s12 =	simm.s32 $0x80;
	s14 =	simm.s32 $0x2C00;
	s15 =	simm.s32 $0x1  }
0x5: {  	s16 =	simm.s32 $0x2880;
	s17 =	simm.s32 $0x6C00;
	s18 =	simm.s32 $0x2A00  }
0x6: {  	s19 =	simm.s32 $0x2;
	s20 =	simm.s32 $0x3;
	s21 =	simm.s32 $0x2900  }
0x7: {  	s22 =	simm.s32 $0x2A80;
	s23 =	simm.s32 $0x4;
	s24 =	simm.s32 $0x2980  }
0x8: {  	s25 =	simm.s32 $0x2B00;
	s26 =	simm.s32 $0x2B80;
	s28 =	simm.s32 $0x0  }
0x9: {  	s1 =	sand.u32 $0x1, s1;
	s5 =	sshll.u32 s2, $0x1;
	s8 =	smul.u32 $0x13C00, s2  }
0xa: {  	[smem:$0x7FF] =	sst s4;
	s29 =	smul.u32 $0x4F000, s2;
	s31 =	sshll.u32 s2, $0x6  }
0xb: {  	s6 =	smul.u32 $0x13C000, s1;
	s7 =	sor.u32 s1, s5;
	_ =	strace $0x8000004D  }
0xc: {  	s5 =	sadd.s32 $0x16600, s0;
	s1 =	ssub.s32 $0x2, s1;
	s10 =	sor.u32 $0x1C05, s31  }
0xd: {  	s7 =	smul.u32 $0x500, s7;
	s9 =	sshrl.u32 s1, $0x1;
	s6 =	sadd.s32 s8, s6  }
0xe: {  	s1 =	ssub.s32 s1, s9;
	s8 =	sshrl.u32 s29, $0x2;
	s9 =	simm.s32 $0x5  }
0xf: {  	s7 =	sadd.s32 s7, s0;
	s6 =	sshrl.u32 s6, $0x3;
	s11 =	sadd.s32 s8, s3  }
0x10: {  	s8 =	smax.u32 s1, $0x1;
	s0 =	sadd.s32 s6, s0;
	s30 =	sadd.s32 $0xC600, s7  }
0x11: {  	s11 =	sshrl.u32 s11, $0x3;
	[dreg:$0x4] =	wrdreg s30;
	s7 =	sadd.s32 $0x3DE00, s0  }
.LBB2_1:
0x12: {  	s0 =	rddreg [dreg:$0x4]  }
0x13: {  	[tilespmem:s4], [sflag:$0x5] =	stream.linear.gather [hbm4b:s0+s4], $0x2800, $0x38;
	[tilespmem:$0x1E800] =	vst v63  }
0x14: {  	_ =	swait.ge [sflag:s9], $0x2800  }
0x15: {  	[sflag:s9] =	ssyncset.done $0x0  }
0x16: {  	[sflag:s9] =	ssyncadd.s32 $0xFFFFD800  }
0x17: {  	s2 =	rddreg [dreg:$0x1]  }
0x18: {  	[spmem:s11], [sflag:s10] =	dma.local [hbm:s2], $0x2780  }
0x19: {  	_ =	swait.ge [sflag:s9], $0x2780  }
0x1a: {  	[sflag:s9] =	ssyncset.done $0x0  }
0x1b: {  	[sflag:s9] =	ssyncadd.s32 $0xFFFFD880  }
0x1c: {  	[bflag:$0x0] =	sbarrier.arrive $0xFFFF  }
0x1d: {  	v0 =	vld [tilespmem:$0x0];
	_ =	sdelay $0x1  }
0x1e: {  	v1 =	vld [tilespmem:$0x10];
	_ =	sdelay $0x1  }
0x1f: {  	v2 =	vld [tilespmem:$0x20]  }
0x20: {  	v3 =	vand.u32 $0xFFFF, v0  }
0x21: {  	v0 =	vshrl.u32 v0, $0x10;
	[tilespmem:$0x2800] =	vst v3;
	v3 =	vld [tilespmem:$0x30]  }
0x22: {  	[tilespmem:$0x2A00] =	vst v0;
	v0 =	vand.u32 $0xFFFF, v1  }
0x23: {  	[tilespmem:$0x2810] =	vst v0;
	v0 =	vshrl.u32 v1, $0x10;
	v1 =	vld [tilespmem:$0x40]  }
0x24: {  	[tilespmem:$0x2A10] =	vst v0;
	v0 =	vand.u32 $0xFFFF, v2  }
0x25: {  	[tilespmem:$0x2820] =	vst v0;
	v0 =	vshrl.u32 v2, $0x10;
	v2 =	vld [tilespmem:$0x50]  }
0x26: {  	[tilespmem:$0x2A20] =	vst v0;
	v0 =	vand.u32 $0xFFFF, v3  }
0x27: {  	[tilespmem:$0x2830] =	vst v0;
	v0 =	vshrl.u32 v3, $0x10;
	v3 =	vld [tilespmem:$0x60]  }
0x28: {  	[tilespmem:$0x2A30] =	vst v0;
	v0 =	vand.u32 $0xFFFF, v1  }
0x29: {  	[tilespmem:$0x2840] =	vst v0;
	v0 =	vshrl.u32 v1, $0x10;
	v1 =	vld [tilespmem:$0x70]  }
0x2a: {  	[tilespmem:$0x2A40] =	vst v0;
	v0 =	vand.u32 $0xFFFF, v2  }
0x2b: {  	[tilespmem:$0x2850] =	vst v0;
	v0 =	vshrl.u32 v2, $0x10;
	v2 =	vld [tilespmem:$0x80]  }
0x2c: {  	[tilespmem:$0x2A50] =	vst v0;
	v0 =	vand.u32 $0xFFFF, v3  }
0x2d: {  	[tilespmem:$0x2860] =	vst v0;
	v0 =	vshrl.u32 v3, $0x10;
	v3 =	vld [tilespmem:$0x90]  }
0x2e: {  	[tilespmem:$0x2A60] =	vst v0;
	v0 =	vand.u32 $0xFFFF, v1  }
0x2f: {  	[tilespmem:$0x2870] =	vst v0;
	v0 =	vshrl.u32 v1, $0x10;
	v1 =	vld [tilespmem:$0xA0]  }
0x30: {  	[tilespmem:$0x2A70] =	vst v0;
	v0 =	vand.u32 $0xFFFF, v2  }
0x31: {  	[tilespmem:$0x2880] =	vst v0;
	v0 =	vshrl.u32 v2, $0x10;
	v2 =	vld [tilespmem:$0xB0]  }
0x32: {  	[tilespmem:$0x2A80] =	vst v0;
	v0 =	vand.u32 $0xFFFF, v3  }
0x33: {  	[tilespmem:$0x2890] =	vst v0;
	v0 =	vshrl.u32 v3, $0x10;
	v3 =	vld [tilespmem:$0xC0]  }
0x34: {  	[tilespmem:$0x2A90] =	vst v0;
	v0 =	vand.u32 $0xFFFF, v1  }
0x35: {  	[tilespmem:$0x28A0] =	vst v0;
	v0 =	vshrl.u32 v1, $0x10;
	v1 =	vld [tilespmem:$0xD0]  }
0x36: {  	[tilespmem:$0x2AA0] =	vst v0;
	v0 =	vand.u32 $0xFFFF, v2  }
0x37: {  	[tilespmem:$0x28B0] =	vst v0;
	v0 =	vshrl.u32 v2, $0x10;
	v2 =	vld [tilespmem:$0xE0]  }
0x38: {  	[tilespmem:$0x2AB0] =	vst v0;
	v0 =	vand.u32 $0xFFFF, v3  }
0x39: {  	[tilespmem:$0x28C0] =	vst v0;
	v0 =	vshrl.u32 v3, $0x10;
	v3 =	vld [tilespmem:$0xF0]  }
0x3a: {  	[tilespmem:$0x2AC0] =	vst v0;
	v0 =	vand.u32 $0xFFFF, v1  }
0x3b: {  	[tilespmem:$0x28D0] =	vst v0;
	v0 =	vshrl.u32 v1, $0x10  }
0x3c: {  	[tilespmem:$0x2AD0] =	vst v0;
	v0 =	vand.u32 $0xFFFF, v2  }
0x3d: {  	[tilespmem:$0x28E0] =	vst v0;
	v0 =	vshrl.u32 v2, $0x10  }
0x3e: {  	[tilespmem:$0x2AE0] =	vst v0;
	v0 =	vand.u32 $0xFFFF, v3  }
0x3f: {  	[tilespmem:$0x28F0] =	vst v0;
	v0 =	vshrl.u32 v3, $0x10  }
0x40: {  	s6 =	simm.s32 $0x2800;
	[tilespmem:$0x2AF0] =	vst v0  }
0x41: {  	[tilespmem:s14], [sflag:$0x1] =	stream.indirect.gather [hbm4b:s5+s12], $0x80, s6, s12, $0xb8;
	[tilespmem:$0x1E800] =	vst v63  }
0x42: {  	_ =	swait.ge [sflag:s15], $0x4000  }
0x43: {  	p0 =	por $0x1, $0x1;
	[sflag:s15] =	ssyncset.done $0x0  }
0x44: {  	s0 =	simm.s32 @!p0 $0x4;
	[sflag:s15] =	ssyncadd.s32 $0xFFFFC000  }
0x45: {  	_ =	swait.ge @!p0 [sflag:s0], $0x4000  }
0x46: {  	[sflag:s0] =	ssyncset.done @!p0 $0x0  }
0x47: {  	[sflag:s0] =	ssyncadd.s32 @!p0 $0xFFFFC000  }
0x48: {  	[tilespmem:s17], [sflag:$0x2] =	stream.indirect.gather [hbm4b:s5+s12], $0x80, s16, s12, $0xb8;
	[tilespmem:$0x1E800] =	vst v63  }
0x49: {  	s29 =	simm.s32 $0x1F0  }
0x4a: {  	[spmem:s3] =	stream.indirect.scatter.add.f32 [tilespmem:s14], [sflag:$0x3], $0x80, s18, s12, $0xb8;
	[tilespmem:$0x1E800] =	vst v63  }
0x4b: {  	v0 =	vld [tilespmem:s29+$0xFFFFFF10];
	_ =	sdelay $0x4  }
0x4c: {  	v1 =	vand.u32 $0xFFFF, v0  }
0x4d: {  	v0 =	vshrl.u32 v0, $0x10;
	[tilespmem:$0x2900] =	vst v1  }
0x4e: {  	[tilespmem:$0x2B00] =	vst v0  }
0x4f: {  	v0 =	vld [tilespmem:s29+$0xFFFFFF20];
	_ =	sdelay $0x4  }
0x50: {  	v1 =	vand.u32 $0xFFFF, v0  }
0x51: {  	v0 =	vshrl.u32 v0, $0x10;
	[tilespmem:$0x2910] =	vst v1  }
0x52: {  	[tilespmem:$0x2B10] =	vst v0  }
0x53: {  	v0 =	vld [tilespmem:s29+$0xFFFFFF30];
	_ =	sdelay $0x4  }
0x54: {  	v1 =	vand.u32 $0xFFFF, v0  }
0x55: {  	v0 =	vshrl.u32 v0, $0x10;
	[tilespmem:$0x2920] =	vst v1  }
0x56: {  	[tilespmem:$0x2B20] =	vst v0  }
0x57: {  	v0 =	vld [tilespmem:s29+$0xFFFFFF40];
	_ =	sdelay $0x4  }
0x58: {  	v1 =	vand.u32 $0xFFFF, v0  }
0x59: {  	v0 =	vshrl.u32 v0, $0x10;
	[tilespmem:$0x2930] =	vst v1  }
0x5a: {  	[tilespmem:$0x2B30] =	vst v0  }
0x5b: {  	v0 =	vld [tilespmem:s29+$0xFFFFFF50];
	_ =	sdelay $0x4  }
0x5c: {  	v1 =	vand.u32 $0xFFFF, v0  }
0x5d: {  	v0 =	vshrl.u32 v0, $0x10;
	[tilespmem:$0x2940] =	vst v1  }
0x5e: {  	[tilespmem:$0x2B40] =	vst v0  }
0x5f: {  	v0 =	vld [tilespmem:s29+$0xFFFFFF60];
	_ =	sdelay $0x4  }
0x60: {  	v1 =	vand.u32 $0xFFFF, v0  }
0x61: {  	v0 =	vshrl.u32 v0, $0x10;
	[tilespmem:$0x2950] =	vst v1  }
0x62: {  	[tilespmem:$0x2B50] =	vst v0  }
0x63: {  	v0 =	vld [tilespmem:s29+$0xFFFFFF70];
	_ =	sdelay $0x4  }
0x64: {  	v1 =	vand.u32 $0xFFFF, v0  }
0x65: {  	v0 =	vshrl.u32 v0, $0x10;
	[tilespmem:$0x2960] =	vst v1  }
0x66: {  	[tilespmem:$0x2B60] =	vst v0  }
0x67: {  	v0 =	vld [tilespmem:s29+$0xFFFFFF80];
	_ =	sdelay $0x4  }
0x68: {  	v1 =	vand.u32 $0xFFFF, v0  }
0x69: {  	v0 =	vshrl.u32 v0, $0x10;
	[tilespmem:$0x2970] =	vst v1  }
0x6a: {  	[tilespmem:$0x2B70] =	vst v0  }
0x6b: {  	_ =	swait.ge [sflag:s19], $0x4000  }
0x6c: {  	[sflag:s19] =	ssyncset.done $0x0  }
0x6d: {  	[sflag:s19] =	ssyncadd.s32 $0xFFFFC000  }
0x6e: {  	_ =	swait.ge [sflag:s20], $0x4000  }
0x6f: {  	[sflag:s20] =	ssyncset.done $0x0  }
0x70: {  	[sflag:s20] =	ssyncadd.s32 $0xFFFFC000  }
0x71: {  	[tilespmem:s14], [sflag:$0x1] =	stream.indirect.gather [hbm4b:s5+s12], $0x80, s21, s12, $0xb8;
	[tilespmem:$0x1E800] =	vst v63  }
0x72: {  	_ = 	snop  }
0x73: {  	[spmem:s3] =	stream.indirect.scatter.add.f32 [tilespmem:s17], [sflag:$0x4], $0x80, s22, s12, $0xb8;
	[tilespmem:$0x1E800] =	vst v63  }
0x74: {  	v0 =	vld [tilespmem:s29+$0xFFFFFF90];
	_ =	sdelay $0x4  }
0x75: {  	v1 =	vand.u32 $0xFFFF, v0  }
0x76: {  	v0 =	vshrl.u32 v0, $0x10;
	[tilespmem:$0x2980] =	vst v1  }
0x77: {  	[tilespmem:$0x2B80] =	vst v0  }
0x78: {  	v0 =	vld [tilespmem:s29+$0xFFFFFFA0];
	_ =	sdelay $0x4  }
0x79: {  	v1 =	vand.u32 $0xFFFF, v0  }
0x7a: {  	v0 =	vshrl.u32 v0, $0x10;
	[tilespmem:$0x2990] =	vst v1  }
0x7b: {  	[tilespmem:$0x2B90] =	vst v0  }
0x7c: {  	v0 =	vld [tilespmem:s29+$0xFFFFFFB0];
	_ =	sdelay $0x4  }
0x7d: {  	v1 =	vand.u32 $0xFFFF, v0  }
0x7e: {  	v0 =	vshrl.u32 v0, $0x10;
	[tilespmem:$0x29A0] =	vst v1  }
0x7f: {  	[tilespmem:$0x2BA0] =	vst v0  }
0x80: {  	v0 =	vld [tilespmem:s29+$0xFFFFFFC0];
	_ =	sdelay $0x4  }
0x81: {  	v1 =	vand.u32 $0xFFFF, v0  }
0x82: {  	v0 =	vshrl.u32 v0, $0x10;
	[tilespmem:$0x29B0] =	vst v1  }
0x83: {  	[tilespmem:$0x2BB0] =	vst v0  }
0x84: {  	v0 =	vld [tilespmem:s29+$0xFFFFFFD0];
	_ =	sdelay $0x4  }
0x85: {  	v1 =	vand.u32 $0xFFFF, v0  }
0x86: {  	v0 =	vshrl.u32 v0, $0x10;
	[tilespmem:$0x29C0] =	vst v1  }
0x87: {  	[tilespmem:$0x2BC0] =	vst v0  }
0x88: {  	v0 =	vld [tilespmem:s29+$0xFFFFFFE0];
	_ =	sdelay $0x4  }
0x89: {  	v1 =	vand.u32 $0xFFFF, v0  }
0x8a: {  	v0 =	vshrl.u32 v0, $0x10;
	[tilespmem:$0x29D0] =	vst v1  }
0x8b: {  	[tilespmem:$0x2BD0] =	vst v0  }
0x8c: {  	v0 =	vld [tilespmem:s29+$0xFFFFFFF0];
	_ =	sdelay $0x4  }
0x8d: {  	v1 =	vand.u32 $0xFFFF, v0  }
0x8e: {  	v0 =	vshrl.u32 v0, $0x10;
	[tilespmem:$0x29E0] =	vst v1  }
0x8f: {  	[tilespmem:$0x2BE0] =	vst v0  }
0x90: {  	v0 =	vld [tilespmem:s29+$0x0];
	_ =	sdelay $0x4  }
0x91: {  	v1 =	vand.u32 $0xFFFF, v0  }
0x92: {  	v0 =	vshrl.u32 v0, $0x10;
	[tilespmem:$0x29F0] =	vst v1  }
0x93: {  	[tilespmem:$0x2BF0] =	vst v0  }
0x94: {  	_ =	swait.ge [sflag:s15], $0x4000  }
0x95: {  	[sflag:s15] =	ssyncset.done $0x0  }
0x96: {  	[sflag:s15] =	ssyncadd.s32 $0xFFFFC000  }
0x97: {  	_ =	swait.ge [sflag:s23], $0x4000  }
0x98: {  	[sflag:s23] =	ssyncset.done $0x0  }
0x99: {  	s13 =	smin.u32 s4, $0x4B;
	[sflag:s23] =	ssyncadd.s32 $0xFFFFC000  }
0x9a: {  	[tilespmem:s17], [sflag:$0x2] =	stream.indirect.gather [hbm4b:s5+s12], $0x80, s24, s12, $0xb8;
	[tilespmem:$0x1E800] =	vst v63  }
0x9b: {  	s0 =	sshll.u32 s13, $0x7  }
0x9c: {  	[spmem:s3] =	stream.indirect.scatter.add.f32 [tilespmem:s14], [sflag:$0x3], $0x80, s25, s12, $0xb8;
	[tilespmem:$0x1E800] =	vst v63  }
0x9d: {  	v0 =	vld [tilespmem:s0+$0x200];
	_ =	sdelay $0x4  }
0x9e: {  	v1 =	vand.u32 $0xFFFF, v0  }
0x9f: {  	v0 =	vshrl.u32 v0, $0x10;
	[tilespmem:$0x2800] =	vst v1  }
0xa0: {  	[tilespmem:$0x2A00] =	vst v0  }
0xa1: {  	v0 =	vld [tilespmem:s0+$0x210];
	_ =	sdelay $0x4  }
0xa2: {  	v1 =	vand.u32 $0xFFFF, v0  }
0xa3: {  	v0 =	vshrl.u32 v0, $0x10;
	[tilespmem:$0x2810] =	vst v1  }
0xa4: {  	[tilespmem:$0x2A10] =	vst v0  }
0xa5: {  	v0 =	vld [tilespmem:s0+$0x220];
	_ =	sdelay $0x4  }
0xa6: {  	v1 =	vand.u32 $0xFFFF, v0  }
0xa7: {  	v0 =	vshrl.u32 v0, $0x10;
	[tilespmem:$0x2820] =	vst v1  }
0xa8: {  	[tilespmem:$0x2A20] =	vst v0  }
0xa9: {  	v0 =	vld [tilespmem:s0+$0x230];
	_ =	sdelay $0x4  }
0xaa: {  	v1 =	vand.u32 $0xFFFF, v0  }
0xab: {  	v0 =	vshrl.u32 v0, $0x10;
	[tilespmem:$0x2830] =	vst v1  }
0xac: {  	[tilespmem:$0x2A30] =	vst v0  }
0xad: {  	v0 =	vld [tilespmem:s0+$0x240];
	_ =	sdelay $0x4  }
0xae: {  	v1 =	vand.u32 $0xFFFF, v0  }
0xaf: {  	v0 =	vshrl.u32 v0, $0x10;
	[tilespmem:$0x2840] =	vst v1  }
0xb0: {  	[tilespmem:$0x2A40] =	vst v0  }
0xb1: {  	v0 =	vld [tilespmem:s0+$0x250];
	_ =	sdelay $0x4  }
0xb2: {  	v1 =	vand.u32 $0xFFFF, v0  }
0xb3: {  	v0 =	vshrl.u32 v0, $0x10;
	[tilespmem:$0x2850] =	vst v1  }
0xb4: {  	[tilespmem:$0x2A50] =	vst v0  }
0xb5: {  	v0 =	vld [tilespmem:s0+$0x260];
	_ =	sdelay $0x4  }
0xb6: {  	v1 =	vand.u32 $0xFFFF, v0  }
0xb7: {  	v0 =	vshrl.u32 v0, $0x10;
	[tilespmem:$0x2860] =	vst v1  }
0xb8: {  	[tilespmem:$0x2A60] =	vst v0  }
0xb9: {  	v0 =	vld [tilespmem:s0+$0x270];
	_ =	sdelay $0x4  }
0xba: {  	v1 =	vand.u32 $0xFFFF, v0  }
0xbb: {  	v0 =	vshrl.u32 v0, $0x10;
	[tilespmem:$0x2870] =	vst v1  }
0xbc: {  	[tilespmem:$0x2A70] =	vst v0  }
0xbd: {  	_ =	swait.ge [sflag:s19], $0x4000  }
0xbe: {  	[sflag:s19] =	ssyncset.done $0x0  }
0xbf: {  	[sflag:s19] =	ssyncadd.s32 $0xFFFFC000  }
0xc0: {  	p0 =	por $0x0, $0x0;
	_ =	swait.ge [sflag:s20], $0x4000  }
0xc1: {  	s31 =	smin.u32 s4, $0x4A;
	s1 =	simm.s32 @!p0 $0x2800;
	[sflag:s20] =	ssyncset.done $0x0  }
0xc2: {  	s30 =	simm.s32 @!p0 $0x2C00;
	s0 =	simm.s32 @!p0 $0x80;
	[sflag:s20] =	ssyncadd.s32 $0xFFFFC000  }
0xc3: {  	[tilespmem:s30], [sflag:$0x1] =	stream.indirect.gather @!p0 [hbm4b:s5+s0], $0x80, s1, s0, $0xb8;
	[tilespmem:$0x1E800] =	vst v63  }
0xc4: {  	s0 =	sshll.u32 s31, $0x7  }
0xc5: {  	[spmem:s3] =	stream.indirect.scatter.add.f32 [tilespmem:s17], [sflag:$0x4], $0x80, s26, s12, $0xb8;
	[tilespmem:$0x1E800] =	vst v63  }
0xc6: {  	v0 =	vld [tilespmem:s0+$0x280];
	_ =	sdelay $0x4  }
0xc7: {  	v1 =	vand.u32 $0xFFFF, v0  }
0xc8: {  	v0 =	vshrl.u32 v0, $0x10;
	[tilespmem:$0x2880] =	vst v1  }
0xc9: {  	[tilespmem:$0x2A80] =	vst v0  }
0xca: {  	v0 =	vld [tilespmem:s0+$0x290];
	_ =	sdelay $0x4  }
0xcb: {  	v1 =	vand.u32 $0xFFFF, v0  }
0xcc: {  	v0 =	vshrl.u32 v0, $0x10;
	[tilespmem:$0x2890] =	vst v1  }
0xcd: {  	[tilespmem:$0x2A90] =	vst v0  }
0xce: {  	v0 =	vld [tilespmem:s0+$0x2A0];
	_ =	sdelay $0x4  }
0xcf: {  	v1 =	vand.u32 $0xFFFF, v0  }
0xd0: {  	v0 =	vshrl.u32 v0, $0x10;
	[tilespmem:$0x28A0] =	vst v1  }
0xd1: {  	[tilespmem:$0x2AA0] =	vst v0  }
0xd2: {  	v0 =	vld [tilespmem:s0+$0x2B0];
	_ =	sdelay $0x4  }
0xd3: {  	v1 =	vand.u32 $0xFFFF, v0  }
0xd4: {  	s30 =	simm.s32 $0x4;
	v0 =	vshrl.u32 v0, $0x10;
	[tilespmem:$0x28B0] =	vst v1  }
.LBB2_2:
0xd5: {  	[tilespmem:$0x2AB0] =	vst v0;
	s29 =	sadd.s32 $0x200, s29;
	s31 =	smov.u32 s30;
	s30 =	sadd.s32 $0x4, s30  }
0xd6: {  	p0 =	sne.s32 s30, $0x50;
	v0 =	vld [tilespmem:s0+$0x2C0];
	_ =	sdelay $0x4  }
0xd7: {  	v1 =	vand.u32 $0xFFFF, v0;
	v0 =	vshrl.u32 v0, $0x10  }
0xd8: {  	[tilespmem:$0x28C0] =	vst v1  }
0xd9: {  	[tilespmem:$0x2AC0] =	vst v0  }
0xda: {  	v0 =	vld [tilespmem:s0+$0x2D0];
	_ =	sdelay $0x4  }
0xdb: {  	v1 =	vand.u32 $0xFFFF, v0;
	v0 =	vshrl.u32 v0, $0x10  }
0xdc: {  	[tilespmem:$0x28D0] =	vst v1  }
0xdd: {  	[tilespmem:$0x2AD0] =	vst v0  }
0xde: {  	v0 =	vld [tilespmem:s0+$0x2E0];
	_ =	sdelay $0x4  }
0xdf: {  	v1 =	vand.u32 $0xFFFF, v0;
	v0 =	vshrl.u32 v0, $0x10  }
0xe0: {  	[tilespmem:$0x28E0] =	vst v1  }
0xe1: {  	[tilespmem:$0x2AE0] =	vst v0  }
0xe2: {  	v0 =	vld [tilespmem:s0+$0x2F0];
	_ =	sdelay $0x4  }
0xe3: {  	v1 =	vand.u32 $0xFFFF, v0;
	v0 =	vshrl.u32 v0, $0x10  }
0xe4: {  	[tilespmem:$0x28F0] =	vst v1  }
0xe5: {  	[tilespmem:$0x2AF0] =	vst v0  }
0xe6: {  	_ =	swait.ge [sflag:s15], $0x4000  }
0xe7: {  	p1 =	seq.s32 s31, $0x0;
	[sflag:s15] =	ssyncset.done $0x0  }
0xe8: {  	s0 =	simm.s32 @!p1 $0x4;
	[sflag:s15] =	ssyncadd.s32 $0xFFFFC000  }
0xe9: {  	_ =	swait.ge @!p1 [sflag:s0], $0x4000  }
0xea: {  	[sflag:s0] =	ssyncset.done @!p1 $0x0  }
0xeb: {  	[sflag:s0] =	ssyncadd.s32 @!p1 $0xFFFFC000  }
0xec: {  	[tilespmem:s17], [sflag:$0x2] =	stream.indirect.gather [hbm4b:s5+s12], $0x80, s16, s12, $0xb8;
	[tilespmem:$0x1E800] =	vst v63  }
0xed: {  	_ = 	snop  }
0xee: {  	[spmem:s3] =	stream.indirect.scatter.add.f32 [tilespmem:s14], [sflag:$0x3], $0x80, s18, s12, $0xb8;
	[tilespmem:$0x1E800] =	vst v63  }
0xef: {  	v0 =	vld [tilespmem:s29+$0xFFFFFF10];
	_ =	sdelay $0x4  }
0xf0: {  	v1 =	vand.u32 $0xFFFF, v0;
	v0 =	vshrl.u32 v0, $0x10  }
0xf1: {  	[tilespmem:$0x2900] =	vst v1  }
0xf2: {  	[tilespmem:$0x2B00] =	vst v0  }
0xf3: {  	v0 =	vld [tilespmem:s29+$0xFFFFFF20];
	_ =	sdelay $0x4  }
0xf4: {  	v1 =	vand.u32 $0xFFFF, v0;
	v0 =	vshrl.u32 v0, $0x10  }
0xf5: {  	[tilespmem:$0x2910] =	vst v1  }
0xf6: {  	[tilespmem:$0x2B10] =	vst v0  }
0xf7: {  	v0 =	vld [tilespmem:s29+$0xFFFFFF30];
	_ =	sdelay $0x4  }
0xf8: {  	v1 =	vand.u32 $0xFFFF, v0;
	v0 =	vshrl.u32 v0, $0x10  }
0xf9: {  	[tilespmem:$0x2920] =	vst v1  }
0xfa: {  	[tilespmem:$0x2B20] =	vst v0  }
0xfb: {  	v0 =	vld [tilespmem:s29+$0xFFFFFF40];
	_ =	sdelay $0x4  }
0xfc: {  	v1 =	vand.u32 $0xFFFF, v0;
	v0 =	vshrl.u32 v0, $0x10  }
0xfd: {  	[tilespmem:$0x2930] =	vst v1  }
0xfe: {  	[tilespmem:$0x2B30] =	vst v0  }
0xff: {  	v0 =	vld [tilespmem:s29+$0xFFFFFF50];
	_ =	sdelay $0x4  }
0x100: {  	v1 =	vand.u32 $0xFFFF, v0;
	v0 =	vshrl.u32 v0, $0x10  }
0x101: {  	[tilespmem:$0x2940] =	vst v1  }
0x102: {  	[tilespmem:$0x2B40] =	vst v0  }
0x103: {  	v0 =	vld [tilespmem:s29+$0xFFFFFF60];
	_ =	sdelay $0x4  }
0x104: {  	v1 =	vand.u32 $0xFFFF, v0;
	v0 =	vshrl.u32 v0, $0x10  }
0x105: {  	[tilespmem:$0x2950] =	vst v1  }
0x106: {  	[tilespmem:$0x2B50] =	vst v0  }
0x107: {  	v0 =	vld [tilespmem:s29+$0xFFFFFF70];
	_ =	sdelay $0x4  }
0x108: {  	v1 =	vand.u32 $0xFFFF, v0;
	v0 =	vshrl.u32 v0, $0x10  }
0x109: {  	[tilespmem:$0x2960] =	vst v1  }
0x10a: {  	[tilespmem:$0x2B60] =	vst v0  }
0x10b: {  	v0 =	vld [tilespmem:s29+$0xFFFFFF80];
	_ =	sdelay $0x4  }
0x10c: {  	v1 =	vand.u32 $0xFFFF, v0;
	v0 =	vshrl.u32 v0, $0x10  }
0x10d: {  	[tilespmem:$0x2970] =	vst v1  }
0x10e: {  	[tilespmem:$0x2B70] =	vst v0  }
0x10f: {  	_ =	swait.ge [sflag:s19], $0x4000  }
0x110: {  	[sflag:s19] =	ssyncset.done $0x0  }
0x111: {  	[sflag:s19] =	ssyncadd.s32 $0xFFFFC000  }
0x112: {  	_ =	swait.ge [sflag:s20], $0x4000  }
0x113: {  	[sflag:s20] =	ssyncset.done $0x0  }
0x114: {  	[sflag:s20] =	ssyncadd.s32 $0xFFFFC000  }
0x115: {  	[tilespmem:s14], [sflag:$0x1] =	stream.indirect.gather [hbm4b:s5+s12], $0x80, s21, s12, $0xb8;
	[tilespmem:$0x1E800] =	vst v63  }
0x116: {  	_ = 	snop  }
0x117: {  	[spmem:s3] =	stream.indirect.scatter.add.f32 [tilespmem:s17], [sflag:$0x4], $0x80, s22, s12, $0xb8;
	[tilespmem:$0x1E800] =	vst v63  }
0x118: {  	v0 =	vld [tilespmem:s29+$0xFFFFFF90];
	_ =	sdelay $0x4  }
0x119: {  	v1 =	vand.u32 $0xFFFF, v0;
	v0 =	vshrl.u32 v0, $0x10  }
0x11a: {  	[tilespmem:$0x2980] =	vst v1  }
0x11b: {  	[tilespmem:$0x2B80] =	vst v0  }
0x11c: {  	v0 =	vld [tilespmem:s29+$0xFFFFFFA0];
	_ =	sdelay $0x4  }
0x11d: {  	v1 =	vand.u32 $0xFFFF, v0;
	v0 =	vshrl.u32 v0, $0x10  }
0x11e: {  	[tilespmem:$0x2990] =	vst v1  }
0x11f: {  	[tilespmem:$0x2B90] =	vst v0  }
0x120: {  	v0 =	vld [tilespmem:s29+$0xFFFFFFB0];
	_ =	sdelay $0x4  }
0x121: {  	v1 =	vand.u32 $0xFFFF, v0;
	v0 =	vshrl.u32 v0, $0x10  }
0x122: {  	[tilespmem:$0x29A0] =	vst v1  }
0x123: {  	[tilespmem:$0x2BA0] =	vst v0  }
0x124: {  	v0 =	vld [tilespmem:s29+$0xFFFFFFC0];
	_ =	sdelay $0x4  }
0x125: {  	v1 =	vand.u32 $0xFFFF, v0;
	v0 =	vshrl.u32 v0, $0x10  }
0x126: {  	[tilespmem:$0x29B0] =	vst v1  }
0x127: {  	[tilespmem:$0x2BB0] =	vst v0  }
0x128: {  	v0 =	vld [tilespmem:s29+$0xFFFFFFD0];
	_ =	sdelay $0x4  }
0x129: {  	v1 =	vand.u32 $0xFFFF, v0;
	v0 =	vshrl.u32 v0, $0x10  }
0x12a: {  	[tilespmem:$0x29C0] =	vst v1  }
0x12b: {  	[tilespmem:$0x2BC0] =	vst v0  }
0x12c: {  	v0 =	vld [tilespmem:s29+$0xFFFFFFE0];
	_ =	sdelay $0x4  }
0x12d: {  	v1 =	vand.u32 $0xFFFF, v0;
	v0 =	vshrl.u32 v0, $0x10  }
0x12e: {  	[tilespmem:$0x29D0] =	vst v1  }
0x12f: {  	[tilespmem:$0x2BD0] =	vst v0  }
0x130: {  	v0 =	vld [tilespmem:s29+$0xFFFFFFF0];
	_ =	sdelay $0x4  }
0x131: {  	v1 =	vand.u32 $0xFFFF, v0;
	v0 =	vshrl.u32 v0, $0x10  }
0x132: {  	[tilespmem:$0x29E0] =	vst v1  }
0x133: {  	s0 =	smin.u32 s31, $0x4B;
	[tilespmem:$0x2BE0] =	vst v0  }
0x134: {  	s1 =	sshll.u32 s0, $0x7;
	v0 =	vld [tilespmem:s29+$0x0];
	_ =	sdelay $0x4  }
0x135: {  	v1 =	vand.u32 $0xFFFF, v0;
	v0 =	vshrl.u32 v0, $0x10  }
0x136: {  	[tilespmem:$0x29F0] =	vst v1  }
0x137: {  	[tilespmem:$0x2BF0] =	vst v0  }
0x138: {  	_ =	swait.ge [sflag:s15], $0x4000  }
0x139: {  	[sflag:s15] =	ssyncset.done $0x0  }
0x13a: {  	[sflag:s15] =	ssyncadd.s32 $0xFFFFC000  }
0x13b: {  	_ =	swait.ge [sflag:s23], $0x4000  }
0x13c: {  	[sflag:s23] =	ssyncset.done $0x0  }
0x13d: {  	[sflag:s23] =	ssyncadd.s32 $0xFFFFC000  }
0x13e: {  	[tilespmem:s17], [sflag:$0x2] =	stream.indirect.gather [hbm4b:s5+s12], $0x80, s24, s12, $0xb8;
	[tilespmem:$0x1E800] =	vst v63  }
0x13f: {  	_ = 	snop  }
0x140: {  	[spmem:s3] =	stream.indirect.scatter.add.f32 [tilespmem:s14], [sflag:$0x3], $0x80, s25, s12, $0xb8;
	[tilespmem:$0x1E800] =	vst v63  }
0x141: {  	v0 =	vld [tilespmem:s1+$0x200];
	_ =	sdelay $0x4  }
0x142: {  	v1 =	vand.u32 $0xFFFF, v0;
	v0 =	vshrl.u32 v0, $0x10  }
0x143: {  	[tilespmem:$0x2800] =	vst v1  }
0x144: {  	[tilespmem:$0x2A00] =	vst v0  }
0x145: {  	v0 =	vld [tilespmem:s1+$0x210];
	_ =	sdelay $0x4  }
0x146: {  	v1 =	vand.u32 $0xFFFF, v0;
	v0 =	vshrl.u32 v0, $0x10  }
0x147: {  	[tilespmem:$0x2810] =	vst v1  }
0x148: {  	[tilespmem:$0x2A10] =	vst v0  }
0x149: {  	v0 =	vld [tilespmem:s1+$0x220];
	_ =	sdelay $0x4  }
0x14a: {  	v1 =	vand.u32 $0xFFFF, v0;
	v0 =	vshrl.u32 v0, $0x10  }
0x14b: {  	[tilespmem:$0x2820] =	vst v1  }
0x14c: {  	[tilespmem:$0x2A20] =	vst v0  }
0x14d: {  	v0 =	vld [tilespmem:s1+$0x230];
	_ =	sdelay $0x4  }
0x14e: {  	v1 =	vand.u32 $0xFFFF, v0;
	v0 =	vshrl.u32 v0, $0x10  }
0x14f: {  	[tilespmem:$0x2830] =	vst v1  }
0x150: {  	[tilespmem:$0x2A30] =	vst v0  }
0x151: {  	v0 =	vld [tilespmem:s1+$0x240];
	_ =	sdelay $0x4  }
0x152: {  	v1 =	vand.u32 $0xFFFF, v0;
	v0 =	vshrl.u32 v0, $0x10  }
0x153: {  	[tilespmem:$0x2840] =	vst v1  }
0x154: {  	[tilespmem:$0x2A40] =	vst v0  }
0x155: {  	v0 =	vld [tilespmem:s1+$0x250];
	_ =	sdelay $0x3  }
0x156: {  	p1 =	seq.s32 s31, $0x4C  }
0x157: {  	s2 =	simm.s32 @!p1 $0x80;
	s13 =	simm.s32 @!p1 $0x2800;
	s6 =	simm.s32 @!p1 $0x2C00;
	v1 =	vand.u32 $0xFFFF, v0;
	v0 =	vshrl.u32 v0, $0x10  }
0x158: {  	[tilespmem:$0x2850] =	vst v1  }
0x159: {  	s0 =	smin.u32 s31, $0x4A;
	[tilespmem:$0x2A50] =	vst v0  }
0x15a: {  	s0 =	sshll.u32 s0, $0x7;
	v0 =	vld [tilespmem:s1+$0x260];
	_ =	sdelay $0x4  }
0x15b: {  	v1 =	vand.u32 $0xFFFF, v0;
	v0 =	vshrl.u32 v0, $0x10  }
0x15c: {  	[tilespmem:$0x2860] =	vst v1  }
0x15d: {  	[tilespmem:$0x2A60] =	vst v0  }
0x15e: {  	v0 =	vld [tilespmem:s1+$0x270];
	_ =	sdelay $0x4  }
0x15f: {  	v1 =	vand.u32 $0xFFFF, v0;
	v0 =	vshrl.u32 v0, $0x10  }
0x160: {  	[tilespmem:$0x2870] =	vst v1  }
0x161: {  	[tilespmem:$0x2A70] =	vst v0  }
0x162: {  	_ =	swait.ge [sflag:s19], $0x4000  }
0x163: {  	[sflag:s19] =	ssyncset.done $0x0  }
0x164: {  	[sflag:s19] =	ssyncadd.s32 $0xFFFFC000  }
0x165: {  	_ =	swait.ge [sflag:s20], $0x4000  }
0x166: {  	[sflag:s20] =	ssyncset.done $0x0  }
0x167: {  	[sflag:s20] =	ssyncadd.s32 $0xFFFFC000  }
0x168: {  	[tilespmem:s6], [sflag:$0x1] =	stream.indirect.gather @!p1 [hbm4b:s5+s2], $0x80, s13, s2, $0xb8;
	[tilespmem:$0x1E800] =	vst v63  }
0x169: {  	_ = 	snop  }
0x16a: {  	[spmem:s3] =	stream.indirect.scatter.add.f32 [tilespmem:s17], [sflag:$0x4], $0x80, s26, s12, $0xb8;
	[tilespmem:$0x1E800] =	vst v63  }
0x16b: {  	v0 =	vld [tilespmem:s0+$0x280];
	_ =	sdelay $0x4  }
0x16c: {  	v1 =	vand.u32 $0xFFFF, v0;
	v0 =	vshrl.u32 v0, $0x10  }
0x16d: {  	[tilespmem:$0x2880] =	vst v1  }
0x16e: {  	[tilespmem:$0x2A80] =	vst v0  }
0x16f: {  	v0 =	vld [tilespmem:s0+$0x290];
	_ =	sdelay $0x4  }
0x170: {  	v1 =	vand.u32 $0xFFFF, v0;
	v0 =	vshrl.u32 v0, $0x10  }
0x171: {  	[tilespmem:$0x2890] =	vst v1  }
0x172: {  	[tilespmem:$0x2A90] =	vst v0  }
0x173: {  	v0 =	vld [tilespmem:s0+$0x2A0];
	_ =	sdelay $0x4  }
0x174: {  	v1 =	vand.u32 $0xFFFF, v0;
	v0 =	vshrl.u32 v0, $0x10  }
0x175: {  	[tilespmem:$0x28A0] =	vst v1  }
0x176: {  	[tilespmem:$0x2AA0] =	vst v0  }
0x177: {  	v0 =	vld [tilespmem:s0+$0x2B0];
	_ =	sdelay $0x1  }
.Ltmp0:
0x178: {  	(pc) =	sbr.rel @p0 .LBB2_2-.Ltmp0, $3  }
0x179: {  	_ =	sdelay $0x1  }
0x17a: {  	v1 =	vand.u32 $0xFFFF, v0;
	v0 =	vshrl.u32 v0, $0x10  }
0x17b: {  	[tilespmem:$0x28B0] =	vst v1  }
0x17c: {  	[tilespmem:$0x2AB0] =	vst v0  }
0x17d: {  	v0 =	vld [tilespmem:s0+$0x2C0];
	_ =	sdelay $0x4  }
0x17e: {  	v1 =	vand.u32 $0xFFFF, v0  }
0x17f: {  	v0 =	vshrl.u32 v0, $0x10;
	[tilespmem:$0x28C0] =	vst v1  }
0x180: {  	[tilespmem:$0x2AC0] =	vst v0  }
0x181: {  	v0 =	vld [tilespmem:s0+$0x2D0];
	_ =	sdelay $0x4  }
0x182: {  	v61 =	vand.u32 $0xFFFF, v0  }
0x183: {  	v0 =	vshrl.u32 v0, $0x10;
	[tilespmem:$0x28D0] =	vst v61  }
0x184: {  	[tilespmem:$0x2AD0] =	vst v0  }
0x185: {  	v0 =	vld [tilespmem:s0+$0x2E0];
	_ =	sdelay $0x4  }
0x186: {  	v62 =	vand.u32 $0xFFFF, v0  }
0x187: {  	v0 =	vshrl.u32 v0, $0x10;
	[tilespmem:$0x28E0] =	vst v62  }
0x188: {  	[tilespmem:$0x2AE0] =	vst v0  }
0x189: {  	v0 =	vld [tilespmem:s0+$0x2F0];
	_ =	sdelay $0x4  }
0x18a: {  	v63 =	vand.u32 $0xFFFF, v0  }
0x18b: {  	v0 =	vshrl.u32 v0, $0x10;
	[tilespmem:$0x28F0] =	vst v63  }
0x18c: {  	[tilespmem:$0x2AF0] =	vst v0  }
0x18d: {  	_ =	swait.ge [sflag:s23], $0x4000  }
0x18e: {  	s28 =	sadd.s32 $0x1, s28;
	[sflag:s23] =	ssyncset.done $0x0  }
0x18f: {  	p0 =	sne.s32 s28, s8;
	[sflag:s23] =	ssyncadd.s32 $0xFFFFC000  }
.Ltmp1:
0x190: {  	[bflag:$0x0] =	sbarrier.arrive $0xFFFF;
	(pc) =	sbr.rel @p0 .LBB2_1-.Ltmp1, $4  }
0x191: {  	[hbm:s7], [sflag:s10] =	dma.local [spmem:s11], $0x2780  }
0x192: {  	_ =	swait.ge [sflag:s9], $0x2780  }
0x193: {  	[sflag:s9] =	ssyncset.done $0x0  }
0x194: {  	[sflag:s9] =	ssyncadd.s32 $0xFFFFD880  }
0x195: {  	_ =	sfence.sel $0x180000  }
0x196: {  	[bflag:$0x0] =	sbarrier.arrive $0xFFFF  }
0x197: {  	_ =	strace $0x9000004D  }
0x198: {  	s0 =	stileid.u32;
	[bflag:$0x2] =	sbarrier.arrive $0xFFFF  }
0x199: {  	p0 =	sne.s32 s0, $0x0;
	s0 =	rddreg [dreg:$0x3]  }
0x19a: {  	s0 =	sadd.s32 @!p0 $0x100000, s0  }
0x19b: {  	[sflag:s0] =	ssyncadd.tile.s32 @!p0 $0x1;
	_ =	shalt  }
.Lfunc_end2:
_tile_overlayer_lowered:
.L_overlay_start_2:
0x19c: {  	(tag) =	ssettag $0x2  }
0x19d: {  	s0 =	rddreg [dreg:$0x0];
	s2 =	stileid.u32  }
0x19e: {  	s1 =	rddreg [dreg:$0x1];
	p0 =	sne.s32 s2, $0x0  }
0x19f: {  	s3 =	rddreg [dreg:$0x2];
	[bflag:$0x3] =	sbarrier.arrive $0xFFFF;
	s2 =	simm.s32 @!p0 $0x1C05  }
0x1a0: {  	[timem:s3], [sflag:s2] =	dma.local @!p0 [hbm:s0], s1  }
0x1a1: {  	s0 =	simm.s32 @!p0 $0x5  }
0x1a2: {  	_ =	swait.ge @!p0 [sflag:s0], s1  }
0x1a3: {  	s1 =	ssub.s32 @!p0 $0x0, s1;
	[sflag:s0] =	ssyncset.done @!p0 $0x0  }
0x1a4: {  	[sflag:s0] =	ssyncadd.s32 @!p0 s1  }
0x1a5: {  	[bflag:$0x3] =	sbarrier.arrive $0xFFFF  }
0x1a6: {  	_ =	shalt  }

// kernel: kernel.8.cloned.1.call-start
scs
__scs_entry_jumppad:
0x0: {  	(pc) =	sbr.rel $0x88, $3  }
0x1: {  	(tag) =	ssettag $0x0;
	lr =	simm.s32 $0x1  }
0x2: {  	[smem:$0x3F97] =	sst lr;
	_ =	strace $0xD0000000  }
0x3: {  	_ = 	snop  }
0x4: {  	_ = 	snop  }
0x5: {  	_ = 	snop  }
0x6: {  	_ = 	snop  }
0x7: {  	_ = 	snop  }
__scs_overlays_trampoline_lowered:
0x8: {  	[smem:$0x3FA6] =	sst s0  }
0x9: {  	[smem:$0x3FA7] =	sst s1  }
0xa: {  	[smem:$0x3FA8] =	sst s2  }
0xb: {  	[smem:$0x3FA9] =	sst s3  }
0xc: {  	[smem:$0x3FAA] =	sst s4  }
0xd: {  	[smem:$0x3FAB] =	sst s5  }
0xe: {  	[smem:$0x3FAC] =	sst s6  }
0xf: {  	[smem:$0x3FAD] =	sst s7  }
0x10: {  	[smem:$0x3FAE] =	sst s8  }
0x11: {  	[smem:$0x3FAF] =	sst s9;
	s0 =	simm.s32 @!p0 $0x0  }
0x12: {  	s1 =	sld [smem:$0x3F95];
	s0 =	simm.s32 @p0 $0x1  }
0x13: {  	[smem:$0x3FB0] =	sst s0;
	s0 =	simm.s32 @!p1 $0x0  }
0x14: {  	s2 =	sld [smem:$0x3F94];
	s0 =	simm.s32 @p1 $0x1  }
0x15: {  	[smem:$0x3FB1] =	sst s0;
	s0 =	simm.s32 @!p2 $0x0  }
0x16: {  	s3 =	sld [smem:$0x3FDB];
	s0 =	simm.s32 @p2 $0x1  }
0x17: {  	s4 =	simm.s32 $0x1BF5;
	[smem:$0x3FB3] =	sst s0  }
0x18: {  	s0 =	sld [smem:$0x3F96];
	_ =	swait.ge [sflag:s4], $0x0  }
0x19: {  	s7 =	sld [smem:$0x3F97]  }
0x1a: {  	s8 =	sadd.s32 $0xFFFFE003, lr  }
0x1b: {  	s9 =	sadd.s32 $0xFFFFFEF7, lr;
	s5 =	simm.s32 $0xFFFFFFFF;
	p2 =	slt.u32 s8, $0xFFFFF086  }
0x1c: {  	p1 =	slt.u32 s9, $0xF7A;
	s5 =	simm.s32 @!p2 $0x0  }
0x1d: {  	s5 =	simm.s32 @p1 $0x1;
	p0 =	seq.s32 s7, s2  }
0x1e: {  	s7 =	smul.u32 @!p0 $0xF7A, s2;
	p2 =	seq.s32 @!p0 s5, $0x0  }
0x1f: {  	s9 =	smul.u32 $0xF7A, s1;
	s8 =	simm.s32 @!p0 $0x1BF5;
	p2 =	por !p2, p0  }
0x20: {  	[sflag:s8] =	ssyncset.s32 @!p0 $0xFFFFF086;
	s6 =	sadd.s32 @!p0 s3, s7;
	s7 =	simm.s32 @!p0 $0x108  }
0x21: {  	s3 =	sadd.s32 s3, s9;
	s6 =	sadd.s32 @!p0 $0x88, s6;
	s7 =	simm.s32 @p2 $0x1082  }
0x22: {  	[simem:s7], [sflag:s8] =	dma.local @!p0 [hbm:s6], $0xF7A  }
0x23: {  	s9 =	sor.u32 $0xD0000000, s2;
	s6 =	simm.s32 $0x108;
	_ =	swait.ge @!p0 [sflag:s8], $0x0  }
0x24: {  	s3 =	sadd.s32 $0x88, s3;
	s6 =	simm.s32 @!p1 $0x1082;
	[sflag:s4] =	ssyncset.s32 $0xFFFFF086  }
0x25: {  	[simem:s6], [sflag:s4] =	dma.local [hbm:s3], $0xF7A  }
0x26: {  	[smem:$0x3F97] =	sst s1;
	(tag) =	ssettag s2;
	_ =	strace s9  }
0x27: {  	s1 =	sld [smem:$0x3FA7]  }
0x28: {  	s2 =	sld [smem:$0x3FA8]  }
0x29: {  	s4 =	sld [smem:$0x3FAA]  }
0x2a: {  	p0 =	seq.s32 s5, $0x0;
	s5 =	sld [smem:$0x3FAB]  }
0x2b: {  	s6 =	sld [smem:$0x3FAC]  }
0x2c: {  	s7 =	sld [smem:$0x3FAD]  }
0x2d: {  	s3 =	simm.s32 $0x108;
	s8 =	sld [smem:$0x3FAE]  }
0x2e: {  	s3 =	simm.s32 @!p0 $0x1082;
	s9 =	sld [smem:$0x3FAF]  }
0x2f: {  	lr =	sadd.s32 s0, s3;
	s0 =	sld [smem:$0x3FA6]  }
0x30: {  	s3 =	sld [smem:$0x3FA9]  }
0x31: {  	[smem:$0x3FB2] =	sst s10  }
0x32: {  	s10 =	sld [smem:$0x3FB0];
	_ =	sdelay $0x3  }
0x33: {  	p0 =	seq.s32 s10, $0x1;
	s10 =	sld [smem:$0x3FB2];
	_ =	sdelay $0x3  }
0x34: {  	[smem:$0x3FB2] =	sst s10  }
0x35: {  	s10 =	sld [smem:$0x3FB1];
	_ =	sdelay $0x3  }
0x36: {  	p1 =	seq.s32 s10, $0x1;
	s10 =	sld [smem:$0x3FB2];
	_ =	sdelay $0x3  }
0x37: {  	[smem:$0x3FB2] =	sst s10  }
0x38: {  	s10 =	sld [smem:$0x3FB3]  }
0x39: {  	_ = 	snop;
	(pc) =	sbr.ind lr, $3  }
0x3a: {  	_ = 	snop  }
0x3b: {  	_ = 	snop  }
0x3c: {  	p2 =	seq.s32 s10, $0x1;
	s10 =	sld [smem:$0x3FB2]  }
0x3d: {  	_ =	shalt  }
0x3e: {  	_ =	shalt  }
0x3f: {  	_ =	shalt  }
0x40: {  	_ =	shalt  }
0x41: {  	_ =	shalt  }
0x42: {  	_ =	shalt  }
0x43: {  	_ =	shalt  }
0x44: {  	_ =	shalt  }
0x45: {  	_ =	shalt  }
0x46: {  	_ =	shalt  }
0x47: {  	_ =	shalt  }
0x48: {  	_ =	shalt  }
0x49: {  	_ =	shalt  }
0x4a: {  	_ =	shalt  }
0x4b: {  	_ =	shalt  }
0x4c: {  	_ =	shalt  }
0x4d: {  	_ =	shalt  }
0x4e: {  	_ =	shalt  }
0x4f: {  	_ =	shalt  }
0x50: {  	_ =	shalt  }
0x51: {  	_ =	shalt  }
0x52: {  	_ =	shalt  }
0x53: {  	_ =	shalt  }
0x54: {  	_ =	shalt  }
0x55: {  	_ =	shalt  }
0x56: {  	_ =	shalt  }
0x57: {  	_ =	shalt  }
0x58: {  	_ =	shalt  }
0x59: {  	_ =	shalt  }
0x5a: {  	_ =	shalt  }
0x5b: {  	_ =	shalt  }
0x5c: {  	_ =	shalt  }
0x5d: {  	_ =	shalt  }
0x5e: {  	_ =	shalt  }
0x5f: {  	_ =	shalt  }
0x60: {  	_ =	shalt  }
0x61: {  	_ =	shalt  }
0x62: {  	_ =	shalt  }
0x63: {  	_ =	shalt  }
0x64: {  	_ =	shalt  }
0x65: {  	_ =	shalt  }
0x66: {  	_ =	shalt  }
0x67: {  	_ =	shalt  }
0x68: {  	_ =	shalt  }
0x69: {  	_ =	shalt  }
0x6a: {  	_ =	shalt  }
0x6b: {  	_ =	shalt  }
0x6c: {  	_ =	shalt  }
0x6d: {  	_ =	shalt  }
0x6e: {  	_ =	shalt  }
0x6f: {  	_ =	shalt  }
0x70: {  	_ =	shalt  }
0x71: {  	_ =	shalt  }
0x72: {  	_ =	shalt  }
0x73: {  	_ =	shalt  }
0x74: {  	_ =	shalt  }
0x75: {  	_ =	shalt  }
0x76: {  	_ =	shalt  }
0x77: {  	_ =	shalt  }
0x78: {  	_ =	shalt  }
0x79: {  	_ =	shalt  }
0x7a: {  	_ =	shalt  }
0x7b: {  	_ =	shalt  }
0x7c: {  	_ =	shalt  }
0x7d: {  	_ =	shalt  }
0x7e: {  	_ =	shalt  }
0x7f: {  	_ =	shalt  }
0x80: {  	_ =	shalt  }
0x81: {  	_ =	shalt  }
0x82: {  	_ =	shalt  }
0x83: {  	_ =	shalt  }
0x84: {  	_ =	shalt  }
0x85: {  	_ =	shalt  }
0x86: {  	_ =	shalt  }
0x87: {  	_ =	shalt  }
.Lfunc_end0:
.L_simem_size_0:
called_computation_lowered:
.L_overlay_start_0:
0x88: {  	s2 =	sld [smem:$0x3FD9]  }
0x89: {  	s3 =	sld [smem:$0x3FFE];
	_ =	sdelay $0x1  }
0x8a: {  	s1 =	srdreg.scid  }
0x8b: {  	s0 =	sand.u32 $0x1, s1  }
0x8c: {  	s17 =	sshll.u32 s0, $0xA;
	s2 =	sadd.s32 s3, s2  }
0x8d: {  	s2 =	sadd.s32 s2, s17  }
0x8e: {  	[smem:$0x3FBE] =	sst s2  }
0x8f: {  	_ = 	snop  }
0x90: {  	s2 =	sld [smem:$0x3FD0];
	(tm) =	ssettm $0x1  }
0x91: {  	s18 =	sld [smem:$0x3FFB];
	_ =	sdelay $0x3  }
0x92: {  	_ =	strace s18  }
0x93: {  	s3 =	sld [smem:$0x3FFC];
	_ =	sdelay $0x3  }
0x94: {  	_ =	strace s3  }
0x95: {  	s3 =	sld [smem:$0x3FFD];
	_ =	sdelay $0x3  }
0x96: {  	_ =	strace s3  }
0x97: {  	_ =	strace $0x8FFFFFFF  }
0x98: {  	s19 =	sld [smem:$0x3FDB];
	_ =	sdelay $0x1  }
0x99: {  	s4 =	simm.s32 $_scs_section_size  }
0x9a: {  	s5 =	simm.s32 $_size__tile_overlayer_lowered;
	s6 =	simm.s32 $_tile_overlayer_lowered  }
0x9b: {  	s22 =	simm.s32 $0x1BFF;
	s21 =	sshll.u32 s6, $0x1;
	s3 =	sadd.s32 s4, s19  }
0x9c: {  	s7 =	simm.s32 $0x0;
	s20 =	sshll.u32 s5, $0x1;
	s5 =	sadd.s32 s21, s3  }
0x9d: {  	[timem:s7], [sflag:s22] =	dma.local [hbm:s5], s20  }
0x9e: {  	_ =	swait.ge [sflag:s22], s20  }
0x9f: {  	s4 =	ssub.s32 $0x0, s20;
	[sflag:s22] =	ssyncset.done $0x0  }
0xa0: {  	[sflag:s22] =	ssyncadd.s32 s4;
	_ =	sdelay $0x1  }
0xa1: {  	s23 =	simm.s32 $0x1B8B  }
0xa2: {  	_ =	swait.ge [sflag:s23], $0x1  }
0xa3: {  	[sflag:s23] =	ssyncset.done $0x0  }
0xa4: {  	s25 =	simm.s32 $0x1B8E;
	s24 =	sld [smem:$0x3FFE];
	[sflag:s23] =	ssyncadd.s32 $0xFFFFFFFF  }
0xa5: {  	s26 =	simm.s32 $execute0_lowered;
	[smem:$0x3FD2] =	sst s25  }
0xa6: {  	s5 =	sshll.u32 s26, $0x1;
	_ =	strace $0x80000046;
	[dreg:$0x1] =	wrdreg $0xFFFFFFFF  }
0xa7: {  	s28 =	simm.s32 $_size_execute0_lowered;
	s3 =	sadd.s32 s3, s5;
	[dreg:$0x0] =	wrdreg $0x0  }
0xa8: {  	s5 =	sshll.u32 s28, $0x1;
	[dreg:$0x2] =	wrdreg s3  }
0xa9: {  	[dreg:$0x3] =	wrdreg s5  }
0xaa: {  	[dreg:$0x4] =	wrdreg $0xC0  }
0xab: {  	_ =	task [dreg:s7], $0x5FFFF  }
0xac: {  	[dreg:$0x1] =	wrdreg $0xFFFFFFFF  }
0xad: {  	[dreg:$0x0] =	wrdreg $0x60  }
0xae: {  	[dreg:$0x2] =	wrdreg s2  }
0xaf: {  	[dreg:$0x3] =	wrdreg s24  }
0xb0: {  	[dreg:$0x4] =	wrdreg $0x9  }
0xb1: {  	_ =	task.clear_ibuf [dreg:s7], $0x5FFFF;
	_ =	strace $0x90000046  }
0xb2: {  	s29 =	simm.s32 $0x9;
	_ =	strace $0x80000048  }
0xb3: {  	_ =	swait.ge [sflag:s29], $0x1  }
0xb4: {  	[sflag:s29] =	ssyncadd.s32 $0xFFFFFFFF  }
0xb5: {  	_ =	strace $0x90000048  }
0xb6: {  	_ =	sfence  }
0xb7: {  	s30 =	sld [smem:$0x0];
	_ =	sdelay $0x2  }
0xb8: {  	s31 =	sshll.u32 s1, $0xD;
	s1 =	sshrl.u32 s1, $0x2  }
0xb9: {  	s3 =	sand.u32 $0x4000, s31;
	s1 =	sadd.s32 s1, s30  }
0xba: {  	s0 =	sor.u32 s3, s0;
	s1 =	sshll.u32 s1, $0x11  }
0xbb: {  	s0 =	sor.u32 s1, s0  }
0xbc: {  	s0 =	sadd.s32 $0x8F2B, s0  }
0xbd: {  	[sflag:s0] =	ssyncadd.remote.s32 $0x1  }
0xbe: {  	_ =	sfence.sel $0xFFFF  }
0xbf: {  	[dreg:$0x0] =	wrdreg $0xFFFFFFFF;
	(pc) =	sbr.abs _section_cstart, $3  }
0xc0: {  	[dreg:$0x1] =	wrdreg $0xFFFFFFFF  }
0xc1: {  	_ =	task.clear_ibuf [dreg:s7], $0x2FFFF;
	_ =	strace $0x9FFFFFFF  }
0xc2: {  	(tm) =	ssettm $0x7FFFFFFF  }
0xc3: {  	_ =	shalt  }
tec
execute0_lowered:
.L_overlay_start_1:
0x0: {  	(tag) =	ssettag $0x1  }
0x1: {  	s3 =	rddreg [dreg:$0x0]  }
0x2: {  	s1 =	srdreg.scid;
	s0 =	stileid.u32  }
0x3: {  	s4 =	rddreg [dreg:$0x1];
	s5 =	sand.u32 $0x1, s1;
	s2 =	sshll.u32 s0, $0x1  }
0x4: {  	s1 =	rddreg [dreg:$0x2];
	s6 =	sor.u32 s5, s2  }
0x5: {  	s2 =	simm.s32 $0x0;
	s5 =	ssub.s32 $0x2, s5;
	s7 =	smul.u32 $0x4F0, s6  }
0x6: {  	[smem:$0x7FF] =	sst s2;
	s8 =	sshrl.u32 s5, $0x1;
	s6 =	smul.u32 $0x500, s6  }
0x7: {  	_ =	strace $0x80000047;
	s5 =	ssub.s32 s5, s8;
	s8 =	simm.s32 $0x0  }
0x8: {  	s4 =	sadd.s32 s7, s4;
	s3 =	sadd.s32 s3, s6;
	s5 =	smax.u32 s5, $0x1  }
0x9: {  	v0 =	vimm.f32 $0.0e+00;
	v1 =	vimm.f32 $1.000000000e+00;
	s6 =	simm.s32 $0x1;
	s7 =	simm.s32 $0x2800;
	s4 =	sadd.s32 $0x2800, s4  }
.LBB2_1:
0xa: {  	[tilespmem:s2], [sflag:$0x1] =	stream.linear.gather [hbm4b:s3+s2], $0x2800, $0x38;
	[tilespmem:$0x4F80] =	vst v63  }
0xb: {  	_ =	swait.ge [sflag:s6], $0x2800  }
0xc: {  	[sflag:s6] =	ssyncset.done $0x0  }
0xd: {  	s9 =	simm.s32 $0x0;
	[sflag:s6] =	ssyncadd.s32 $0xFFFFD800  }
.LBB2_2:
0xe: {  	p0 =	sne.s32 s9, $0x9DC0  }
.Ltmp0:
0xf: {  	_ = 	snop;
	(pc) =	sbr.rel @p0 .LBB2_2-.Ltmp0, $3  }
0x10: {  	_ =	sdelay $0x1  }
0x11: {  	s10 =	sshra.s32 s9, $0x2  }
0x12: {  	s9 =	sadd.s32 $0x40, s9;
	[tilespmem:s10+$0x2800] =	vst v0  }
0x13: {  	s9 =	simm.s32 $0x0  }
.LBB2_4:
0x14: {  	s10 =	sshra.s32 s9, $0x2  }
0x15: {  	v2 =	vld [tilespmem:s10+$0x0];
	_ =	sdelay $0x7  }
0x16: {  	[tilespmem:v2+s7+$0x0] =	vst.idx.add.f32.msk $0xffff, v1  }
0x17: {  	v2 =	vld [tilespmem:s10+$0x10];
	_ =	sdelay $0x7  }
0x18: {  	[tilespmem:v2+s7+$0x0] =	vst.idx.add.f32.msk $0xffff, v1  }
0x19: {  	v2 =	vld [tilespmem:s10+$0x20];
	_ =	sdelay $0x7  }
0x1a: {  	[tilespmem:v2+s7+$0x0] =	vst.idx.add.f32.msk $0xffff, v1  }
0x1b: {  	v2 =	vld [tilespmem:s10+$0x30];
	_ =	sdelay $0x7  }
0x1c: {  	[tilespmem:v2+s7+$0x0] =	vst.idx.add.f32.msk $0xffff, v1  }
0x1d: {  	v2 =	vld [tilespmem:s10+$0x40];
	_ =	sdelay $0x7  }
0x1e: {  	[tilespmem:v2+s7+$0x0] =	vst.idx.add.f32.msk $0xffff, v1  }
0x1f: {  	v2 =	vld [tilespmem:s10+$0x50];
	_ =	sdelay $0x7  }
0x20: {  	[tilespmem:v2+s7+$0x0] =	vst.idx.add.f32.msk $0xffff, v1  }
0x21: {  	v2 =	vld [tilespmem:s10+$0x60];
	_ =	sdelay $0x7  }
0x22: {  	[tilespmem:v2+s7+$0x0] =	vst.idx.add.f32.msk $0xffff, v1  }
0x23: {  	v2 =	vld [tilespmem:s10+$0x70];
	_ =	sdelay $0x2  }
0x24: {  	p0 =	sne.s32 s9, $0x9E00  }
.Ltmp1:
0x25: {  	_ = 	snop;
	(pc) =	sbr.rel @p0 .LBB2_4-.Ltmp1, $2  }
0x26: {  	_ =	sdelay $0x2  }
0x27: {  	s9 =	sadd.s32 $0x200, s9;
	[tilespmem:v2+s7+$0x0] =	vst.idx.add.f32.msk $0xffff, v1  }
0x28: {  	s8 =	sadd.s32 $0x1, s8  }
0x29: {  	p0 =	sne.s32 s8, s5  }
.Ltmp2:
0x2a: {  	_ = 	snop;
	(pc) =	sbr.rel @p0 .LBB2_1-.Ltmp2, $4  }
0x2b: {  	[hbm4b:s4+s2] =	stream.linear.scatter [tilespmem:s7], [sflag:$0x1], $0x2780, $0x38;
	[tilespmem:$0x4F80] =	vst v63  }
0x2c: {  	_ =	swait.ge [sflag:s6], $0x2780  }
0x2d: {  	[sflag:s6] =	ssyncset.done $0x0  }
0x2e: {  	[sflag:s6] =	ssyncadd.s32 $0xFFFFD880  }
0x2f: {  	_ =	sfence.sel $0x180000  }
0x30: {  	[bflag:$0x0] =	sbarrier.arrive $0xFFFF  }
0x31: {  	p0 =	sne.s32 s0, $0x0;
	_ =	strace $0x90000047  }
0x32: {  	s0 =	sadd.s32 @!p0 $0x100000, s1;
	[bflag:$0x2] =	sbarrier.arrive $0xFFFF  }
0x33: {  	[sflag:s0] =	ssyncadd.tile.s32 @!p0 $0x1;
	_ =	shalt  }
.Lfunc_end2:
_tile_overlayer_lowered:
.L_overlay_start_2:
0x34: {  	(tag) =	ssettag $0x2  }
0x35: {  	s0 =	rddreg [dreg:$0x0];
	s2 =	stileid.u32  }
0x36: {  	s1 =	rddreg [dreg:$0x1];
	p0 =	sne.s32 s2, $0x0  }
0x37: {  	s3 =	rddreg [dreg:$0x2];
	[bflag:$0x3] =	sbarrier.arrive $0xFFFF;
	s2 =	simm.s32 @!p0 $0x1C01  }
0x38: {  	[timem:s3], [sflag:s2] =	dma.local @!p0 [hbm:s0], s1  }
0x39: {  	s0 =	simm.s32 @!p0 $0x1  }
0x3a: {  	_ =	swait.ge @!p0 [sflag:s0], s1  }
0x3b: {  	s1 =	ssub.s32 @!p0 $0x0, s1;
	[sflag:s0] =	ssyncset.done @!p0 $0x0  }
0x3c: {  	[sflag:s0] =	ssyncadd.s32 @!p0 s1  }
0x3d: {  	[bflag:$0x3] =	sbarrier.arrive $0xFFFF  }
0x3e: {  	_ =	shalt  }

</sc_bundles>
